<compile_context>
chip_gen: v7x
topology: tpu7x:2x2x1
jax: 0.10.2.dev20260603
libtpu: 0.0.44.dev20260713+nightly
codegen_flags: <defaults>
</compile_context>

<pallas_src>
import functools

import jax
import jax.numpy as jnp
from jax import lax
from jax.experimental import pallas as pl
from jax.experimental.pallas import tpu as pltpu
from jax.experimental.pallas import tpu_sc as plsc

NUM_ACTIONS = 100000
LATENT_DIM = 128
BATCH = 4096
HIST = 50

_INFO = plsc.get_sparse_core_info()
_NC, _NS = _INFO.num_cores, _INFO.num_subcores
_NW = _NC * _NS
_BW = BATCH // _NW

_CW = 64
_CPH = _BW // _CW
_NCHUNK = HIST * _CPH
_NBUF = 10
_NITER = _NCHUNK // _NBUF


def _gather_body(idx_hbm, table_hbm, out_hbm, idx_v, rows_v, semg, semc):
    wid = lax.axis_index("s") * _NC + lax.axis_index("c")
    wbase = wid * _BW
    pltpu.sync_copy(idx_hbm.at[:, pl.ds(wbase, _BW)], idx_v)

    def gather(j, b):
        h = j // _CPH
        col = (j % _CPH) * _CW
        return pltpu.make_async_copy(
            table_hbm.at[idx_v.at[h, pl.ds(col, _CW)]], rows_v.at[b], semg.at[b]
        )

    def copyout(j, b):
        h = j // _CPH
        col = (j % _CPH) * _CW
        return pltpu.make_async_copy(
            rows_v.at[b], out_hbm.at[h, pl.ds(wbase + col, _CW)], semc.at[b]
        )

    for b in range(_NBUF):
        gather(b, b).start()

    def step(t, carry):
        j0 = t * _NBUF
        for b in range(_NBUF):
            gather(j0 + b, b).wait()
            copyout(j0 + b, b).start()

        @pl.when(t < _NITER - 1)
        def _refill():
            for b in range(_NBUF):
                copyout(j0 + b, b).wait()
                gather(j0 + _NBUF + b, b).start()

        return carry

    lax.fori_loop(0, _NITER, step, 0)

    j0 = (_NITER - 1) * _NBUF
    for b in range(_NBUF):
        copyout(j0 + b, b).wait()


@jax.jit
def _embed_gather(idx_t, table):
    mesh = plsc.VectorSubcoreMesh(core_axis_name="c", subcore_axis_name="s")
    f = functools.partial(
        pl.kernel,
        mesh=mesh,
        out_type=jax.ShapeDtypeStruct((HIST, BATCH, LATENT_DIM), jnp.float32),
        scratch_types=[
            pltpu.VMEM((HIST, _BW), jnp.int32),
            pltpu.VMEM((_NBUF, _CW, LATENT_DIM), jnp.float32),
            pltpu.SemaphoreType.DMA((_NBUF,)),
            pltpu.SemaphoreType.DMA((_NBUF,)),
        ],
    )(_gather_body)
    return f(idx_t, table)


def kernel(input, action_embedding):
    idx_t = input.astype(jnp.int32).T
    out_t = _embed_gather(idx_t, action_embedding)
    return out_t.transpose(1, 0, 2)

# --- scband reference (transcript-rebuilt; emitter-appended) ---
"""Pipeline reference for scband-embed-style-7533372637791 (READ-ONLY COPY).

The authoritative reference and input builder live on the scoring server;
editing this copy changes nothing except your own understanding.
"""

import jax, jax.numpy as jnp
import numpy as np

NUM_ACTIONS = 100000
LATENT_DIM = 128
BATCH = 4096
HIST = 50

def setup_inputs(seed: int = 0) -> dict:
    key = jax.random.key(seed)
    k1, k2 = jax.random.split(key)
    input_idx = jax.random.randint(k1, (BATCH, HIST), 0, NUM_ACTIONS, dtype=jnp.int64 if jax.config.jax_enable_x64 else jnp.int32)
    action_embedding = jax.random.normal(k2, (NUM_ACTIONS, LATENT_DIM), dtype=jnp.float32)
    return {"input": input_idx, "action_embedding": action_embedding}

def reference(input, action_embedding):
    idx = input.astype(jnp.int32)
    output = jnp.take(action_embedding, idx, axis=0)
    return output

if __name__ == "__main__":
    import jax
    _d = setup_inputs()
    print(jax.jit(kernel)(*tuple(_d.values())))

</pallas_src>

<mosaic_0001>
#map = affine_map<(d0, d1) -> (0, 0)>
#map1 = affine_map<(d0, d1) -> (0, 0, 0)>
module attributes {stable_mosaic.version = 14 : i64} {
  func.func @_gather_body(%arg0: i32, %arg1: i32, %arg2: memref<50x4096xi32, #tpu.memory_space<hbm>>, %arg3: memref<100000x128xf32, #tpu.memory_space<hbm>>, %arg4: memref<50x4096x128xf32, #tpu.memory_space<hbm>>, %arg5: memref<50x128xi32, #tpu.memory_space<vmem>>, %arg6: memref<10x64x128xf32, #tpu.memory_space<vmem>>, %arg7: memref<10x!tpu.dma_semaphore, #tpu.memory_space<semaphore_mem>>, %arg8: memref<10x!tpu.dma_semaphore, #tpu.memory_space<semaphore_mem>>) attributes {dimension_semantics = [#tpu.dimension_semantics<core_parallel>, #tpu.dimension_semantics<subcore_parallel>], iteration_bounds = array<i64: 2, 16>, scalar_prefetch = 0 : i64, scratch_operands = 4 : i64, tpu.core_type = #tpu.core_type<sc_vector_subcore>, window_params = [{transform_indices = #map}, {transform_indices = #map}, {transform_indices = #map1}]} {
    %mul3A = arith.constant 2 : i32
    %mul3A_0 = arith.muli %arg1, %mul3A : i32
    %add3A = arith.addi %mul3A_0, %arg0 : i32
    %mul3A_1 = arith.constant 128 : i32
    %mul3A_2 = arith.muli %add3A, %mul3A_1 : i32
    "tpu.region"() ({
      %run_scoped3A = tpu.sem_alloc : memref<!tpu.dma_semaphore, #tpu.memory_space<semaphore_mem>>
      %dma_start3A_366 = arith.constant 0 : i32
      %dma_start3A_367 = tpu.memref_slice %arg2[%dma_start3A_366, %mul3A_2] : memref<50x4096xi32, #tpu.memory_space<hbm>> -> memref<50x128xi32, #tpu.memory_space<hbm>>
      %dma_start3A_368 = arith.constant 0 : i32
      %dma_start3A_369 = tpu.memref_slice %arg2[%dma_start3A_368, %mul3A_2] : memref<50x4096xi32, #tpu.memory_space<hbm>> -> memref<50x128xi32, #tpu.memory_space<hbm>>
      tpu.enqueue_dma source(%dma_start3A_369 : memref<50x128xi32, #tpu.memory_space<hbm>>) target(%arg5 : memref<50x128xi32, #tpu.memory_space<vmem>>) target_semaphore(%run_scoped3A : memref<!tpu.dma_semaphore, #tpu.memory_space<semaphore_mem>>)
      %dma_wait3A_370 = arith.constant 0 : i32
      %dma_wait3A_371 = tpu.memref_slice %arg2[%dma_wait3A_370, %mul3A_2] : memref<50x4096xi32, #tpu.memory_space<hbm>> -> memref<50x128xi32, #tpu.memory_space<hbm>>
      %dma_wait3A_372 = arith.constant 0 : i32
      %dma_wait3A_373 = tpu.memref_slice %arg2[%dma_wait3A_372, %mul3A_2] : memref<50x4096xi32, #tpu.memory_space<hbm>> -> memref<50x128xi32, #tpu.memory_space<hbm>>
      tpu.wait_dma2 semaphore(%run_scoped3A : memref<!tpu.dma_semaphore, #tpu.memory_space<semaphore_mem>>) src(%dma_wait3A_373 : memref<50x128xi32, #tpu.memory_space<hbm>>) dst(%arg5 : memref<50x128xi32, #tpu.memory_space<vmem>>)
      tpu.yield
    }) : () -> ()
    %dma_start3A = arith.constant 0 : i32
    %dma_start3A_3 = arith.constant 0 : i32
    %dma_start3A_4 = arith.constant 0 : i32
    %dma_start3A_5 = arith.constant 0 : i32
    %dma_start3A_6 = arith.constant 0 : i32
    %dma_start3A_7 = tpu.memref_slice %arg6[%dma_start3A_3, %dma_start3A_5, %dma_start3A_6] : memref<10x64x128xf32, #tpu.memory_space<vmem>> -> memref<1x64x128xf32, #tpu.memory_space<vmem>>
    %dma_start3A_8 = tpu.memref_squeeze %dma_start3A_7 : memref<1x64x128xf32, #tpu.memory_space<vmem>> -> memref<64x128xf32, #tpu.memory_space<vmem>>
    %dma_start3A_9 = arith.constant 0 : i32
    %dma_start3A_10 = tpu.memref_slice %arg5[%dma_start3A, %dma_start3A_9] : memref<50x128xi32, #tpu.memory_space<vmem>> -> memref<1x64xi32, #tpu.memory_space<vmem>>
    %dma_start3A_11 = tpu.memref_squeeze %dma_start3A_10 : memref<1x64xi32, #tpu.memory_space<vmem>> -> memref<64xi32, #tpu.memory_space<vmem>>
    %dma_start3A_12 = arith.constant 0 : i32
    %dma_start3A_13 = arith.constant 0 : i32
    %dma_start3A_14 = tpu.memref_slice %arg3[%dma_start3A_12, %dma_start3A_13] : memref<100000x128xf32, #tpu.memory_space<hbm>> -> memref<100000x128xf32, #tpu.memory_space<hbm>>
    %dma_start3A_15 = tpu.memref_slice %arg7[%dma_start3A_4] : memref<10x!tpu.dma_semaphore, #tpu.memory_space<semaphore_mem>> -> memref<1x!tpu.dma_semaphore, #tpu.memory_space<semaphore_mem>>
    %dma_start3A_16 = tpu.memref_squeeze %dma_start3A_15 : memref<1x!tpu.dma_semaphore, #tpu.memory_space<semaphore_mem>> -> memref<!tpu.dma_semaphore, #tpu.memory_space<semaphore_mem>>
    tpu.enqueue_indirect_dma source(%dma_start3A_14 : memref<100000x128xf32, #tpu.memory_space<hbm>>) target(%dma_start3A_8 : memref<64x128xf32, #tpu.memory_space<vmem>>) offsets(%dma_start3A_11 : memref<64xi32, #tpu.memory_space<vmem>>) semaphore(%dma_start3A_16 : memref<!tpu.dma_semaphore, #tpu.memory_space<semaphore_mem>>)
    %dma_start3A_17 = arith.constant 0 : i32
    %dma_start3A_18 = arith.constant 1 : i32
    %dma_start3A_19 = arith.constant 1 : i32
    %dma_start3A_20 = arith.constant 0 : i32
    %dma_start3A_21 = arith.constant 0 : i32
    %dma_start3A_22 = tpu.memref_slice %arg6[%dma_start3A_18, %dma_start3A_20, %dma_start3A_21] : memref<10x64x128xf32, #tpu.memory_space<vmem>> -> memref<1x64x128xf32, #tpu.memory_space<vmem>>
    %dma_start3A_23 = tpu.memref_squeeze %dma_start3A_22 : memref<1x64x128xf32, #tpu.memory_space<vmem>> -> memref<64x128xf32, #tpu.memory_space<vmem>>
    %dma_start3A_24 = arith.constant 64 : i32
    %dma_start3A_25 = tpu.memref_slice %arg5[%dma_start3A_17, %dma_start3A_24] : memref<50x128xi32, #tpu.memory_space<vmem>> -> memref<1x64xi32, #tpu.memory_space<vmem>>
    %dma_start3A_26 = tpu.memref_squeeze %dma_start3A_25 : memref<1x64xi32, #tpu.memory_space<vmem>> -> memref<64xi32, #tpu.memory_space<vmem>>
    %dma_start3A_27 = arith.constant 0 : i32
    %dma_start3A_28 = arith.constant 0 : i32
    %dma_start3A_29 = tpu.memref_slice %arg3[%dma_start3A_27, %dma_start3A_28] : memref<100000x128xf32, #tpu.memory_space<hbm>> -> memref<100000x128xf32, #tpu.memory_space<hbm>>
    %dma_start3A_30 = tpu.memref_slice %arg7[%dma_start3A_19] : memref<10x!tpu.dma_semaphore, #tpu.memory_space<semaphore_mem>> -> memref<1x!tpu.dma_semaphore, #tpu.memory_space<semaphore_mem>>
    %dma_start3A_31 = tpu.memref_squeeze %dma_start3A_30 : memref<1x!tpu.dma_semaphore, #tpu.memory_space<semaphore_mem>> -> memref<!tpu.dma_semaphore, #tpu.memory_space<semaphore_mem>>
    tpu.enqueue_indirect_dma source(%dma_start3A_29 : memref<100000x128xf32, #tpu.memory_space<hbm>>) target(%dma_start3A_23 : memref<64x128xf32, #tpu.memory_space<vmem>>) offsets(%dma_start3A_26 : memref<64xi32, #tpu.memory_space<vmem>>) semaphore(%dma_start3A_31 : memref<!tpu.dma_semaphore, #tpu.memory_space<semaphore_mem>>)
    %dma_start3A_32 = arith.constant 1 : i32
    %dma_start3A_33 = arith.constant 2 : i32
    %dma_start3A_34 = arith.constant 2 : i32
    %dma_start3A_35 = arith.constant 0 : i32
    %dma_start3A_36 = arith.constant 0 : i32
    %dma_start3A_37 = tpu.memref_slice %arg6[%dma_start3A_33, %dma_start3A_35, %dma_start3A_36] : memref<10x64x128xf32, #tpu.memory_space<vmem>> -> memref<1x64x128xf32, #tpu.memory_space<vmem>>
    %dma_start3A_38 = tpu.memref_squeeze %dma_start3A_37 : memref<1x64x128xf32, #tpu.memory_space<vmem>> -> memref<64x128xf32, #tpu.memory_space<vmem>>
    %dma_start3A_39 = arith.constant 0 : i32
    %dma_start3A_40 = tpu.memref_slice %arg5[%dma_start3A_32, %dma_start3A_39] : memref<50x128xi32, #tpu.memory_space<vmem>> -> memref<1x64xi32, #tpu.memory_space<vmem>>
    %dma_start3A_41 = tpu.memref_squeeze %dma_start3A_40 : memref<1x64xi32, #tpu.memory_space<vmem>> -> memref<64xi32, #tpu.memory_space<vmem>>
    %dma_start3A_42 = arith.constant 0 : i32
    %dma_start3A_43 = arith.constant 0 : i32
    %dma_start3A_44 = tpu.memref_slice %arg3[%dma_start3A_42, %dma_start3A_43] : memref<100000x128xf32, #tpu.memory_space<hbm>> -> memref<100000x128xf32, #tpu.memory_space<hbm>>
    %dma_start3A_45 = tpu.memref_slice %arg7[%dma_start3A_34] : memref<10x!tpu.dma_semaphore, #tpu.memory_space<semaphore_mem>> -> memref<1x!tpu.dma_semaphore, #tpu.memory_space<semaphore_mem>>
    %dma_start3A_46 = tpu.memref_squeeze %dma_start3A_45 : memref<1x!tpu.dma_semaphore, #tpu.memory_space<semaphore_mem>> -> memref<!tpu.dma_semaphore, #tpu.memory_space<semaphore_mem>>
    tpu.enqueue_indirect_dma source(%dma_start3A_44 : memref<100000x128xf32, #tpu.memory_space<hbm>>) target(%dma_start3A_38 : memref<64x128xf32, #tpu.memory_space<vmem>>) offsets(%dma_start3A_41 : memref<64xi32, #tpu.memory_space<vmem>>) semaphore(%dma_start3A_46 : memref<!tpu.dma_semaphore, #tpu.memory_space<semaphore_mem>>)
    %dma_start3A_47 = arith.constant 1 : i32
    %dma_start3A_48 = arith.constant 3 : i32
    %dma_start3A_49 = arith.constant 3 : i32
    %dma_start3A_50 = arith.constant 0 : i32
    %dma_start3A_51 = arith.constant 0 : i32
    %dma_start3A_52 = tpu.memref_slice %arg6[%dma_start3A_48, %dma_start3A_50, %dma_start3A_51] : memref<10x64x128xf32, #tpu.memory_space<vmem>> -> memref<1x64x128xf32, #tpu.memory_space<vmem>>
    %dma_start3A_53 = tpu.memref_squeeze %dma_start3A_52 : memref<1x64x128xf32, #tpu.memory_space<vmem>> -> memref<64x128xf32, #tpu.memory_space<vmem>>
    %dma_start3A_54 = arith.constant 64 : i32
    %dma_start3A_55 = tpu.memref_slice %arg5[%dma_start3A_47, %dma_start3A_54] : memref<50x128xi32, #tpu.memory_space<vmem>> -> memref<1x64xi32, #tpu.memory_space<vmem>>
    %dma_start3A_56 = tpu.memref_squeeze %dma_start3A_55 : memref<1x64xi32, #tpu.memory_space<vmem>> -> memref<64xi32, #tpu.memory_space<vmem>>
    %dma_start3A_57 = arith.constant 0 : i32
    %dma_start3A_58 = arith.constant 0 : i32
    %dma_start3A_59 = tpu.memref_slice %arg3[%dma_start3A_57, %dma_start3A_58] : memref<100000x128xf32, #tpu.memory_space<hbm>> -> memref<100000x128xf32, #tpu.memory_space<hbm>>
    %dma_start3A_60 = tpu.memref_slice %arg7[%dma_start3A_49] : memref<10x!tpu.dma_semaphore, #tpu.memory_space<semaphore_mem>> -> memref<1x!tpu.dma_semaphore, #tpu.memory_space<semaphore_mem>>
    %dma_start3A_61 = tpu.memref_squeeze %dma_start3A_60 : memref<1x!tpu.dma_semaphore, #tpu.memory_space<semaphore_mem>> -> memref<!tpu.dma_semaphore, #tpu.memory_space<semaphore_mem>>
    tpu.enqueue_indirect_dma source(%dma_start3A_59 : memref<100000x128xf32, #tpu.memory_space<hbm>>) target(%dma_start3A_53 : memref<64x128xf32, #tpu.memory_space<vmem>>) offsets(%dma_start3A_56 : memref<64xi32, #tpu.memory_space<vmem>>) semaphore(%dma_start3A_61 : memref<!tpu.dma_semaphore, #tpu.memory_space<semaphore_mem>>)
    %dma_start3A_62 = arith.constant 2 : i32
    %dma_start3A_63 = arith.constant 4 : i32
    %dma_start3A_64 = arith.constant 4 : i32
    %dma_start3A_65 = arith.constant 0 : i32
    %dma_start3A_66 = arith.constant 0 : i32
    %dma_start3A_67 = tpu.memref_slice %arg6[%dma_start3A_63, %dma_start3A_65, %dma_start3A_66] : memref<10x64x128xf32, #tpu.memory_space<vmem>> -> memref<1x64x128xf32, #tpu.memory_space<vmem>>
    %dma_start3A_68 = tpu.memref_squeeze %dma_start3A_67 : memref<1x64x128xf32, #tpu.memory_space<vmem>> -> memref<64x128xf32, #tpu.memory_space<vmem>>
    %dma_start3A_69 = arith.constant 0 : i32
    %dma_start3A_70 = tpu.memref_slice %arg5[%dma_start3A_62, %dma_start3A_69] : memref<50x128xi32, #tpu.memory_space<vmem>> -> memref<1x64xi32, #tpu.memory_space<vmem>>
    %dma_start3A_71 = tpu.memref_squeeze %dma_start3A_70 : memref<1x64xi32, #tpu.memory_space<vmem>> -> memref<64xi32, #tpu.memory_space<vmem>>
    %dma_start3A_72 = arith.constant 0 : i32
    %dma_start3A_73 = arith.constant 0 : i32
    %dma_start3A_74 = tpu.memref_slice %arg3[%dma_start3A_72, %dma_start3A_73] : memref<100000x128xf32, #tpu.memory_space<hbm>> -> memref<100000x128xf32, #tpu.memory_space<hbm>>
    %dma_start3A_75 = tpu.memref_slice %arg7[%dma_start3A_64] : memref<10x!tpu.dma_semaphore, #tpu.memory_space<semaphore_mem>> -> memref<1x!tpu.dma_semaphore, #tpu.memory_space<semaphore_mem>>
    %dma_start3A_76 = tpu.memref_squeeze %dma_start3A_75 : memref<1x!tpu.dma_semaphore, #tpu.memory_space<semaphore_mem>> -> memref<!tpu.dma_semaphore, #tpu.memory_space<semaphore_mem>>
    tpu.enqueue_indirect_dma source(%dma_start3A_74 : memref<100000x128xf32, #tpu.memory_space<hbm>>) target(%dma_start3A_68 : memref<64x128xf32, #tpu.memory_space<vmem>>) offsets(%dma_start3A_71 : memref<64xi32, #tpu.memory_space<vmem>>) semaphore(%dma_start3A_76 : memref<!tpu.dma_semaphore, #tpu.memory_space<semaphore_mem>>)
    %dma_start3A_77 = arith.constant 2 : i32
    %dma_start3A_78 = arith.constant 5 : i32
    %dma_start3A_79 = arith.constant 5 : i32
    %dma_start3A_80 = arith.constant 0 : i32
    %dma_start3A_81 = arith.constant 0 : i32
    %dma_start3A_82 = tpu.memref_slice %arg6[%dma_start3A_78, %dma_start3A_80, %dma_start3A_81] : memref<10x64x128xf32, #tpu.memory_space<vmem>> -> memref<1x64x128xf32, #tpu.memory_space<vmem>>
    %dma_start3A_83 = tpu.memref_squeeze %dma_start3A_82 : memref<1x64x128xf32, #tpu.memory_space<vmem>> -> memref<64x128xf32, #tpu.memory_space<vmem>>
    %dma_start3A_84 = arith.constant 64 : i32
    %dma_start3A_85 = tpu.memref_slice %arg5[%dma_start3A_77, %dma_start3A_84] : memref<50x128xi32, #tpu.memory_space<vmem>> -> memref<1x64xi32, #tpu.memory_space<vmem>>
    %dma_start3A_86 = tpu.memref_squeeze %dma_start3A_85 : memref<1x64xi32, #tpu.memory_space<vmem>> -> memref<64xi32, #tpu.memory_space<vmem>>
    %dma_start3A_87 = arith.constant 0 : i32
    %dma_start3A_88 = arith.constant 0 : i32
    %dma_start3A_89 = tpu.memref_slice %arg3[%dma_start3A_87, %dma_start3A_88] : memref<100000x128xf32, #tpu.memory_space<hbm>> -> memref<100000x128xf32, #tpu.memory_space<hbm>>
    %dma_start3A_90 = tpu.memref_slice %arg7[%dma_start3A_79] : memref<10x!tpu.dma_semaphore, #tpu.memory_space<semaphore_mem>> -> memref<1x!tpu.dma_semaphore, #tpu.memory_space<semaphore_mem>>
    %dma_start3A_91 = tpu.memref_squeeze %dma_start3A_90 : memref<1x!tpu.dma_semaphore, #tpu.memory_space<semaphore_mem>> -> memref<!tpu.dma_semaphore, #tpu.memory_space<semaphore_mem>>
    tpu.enqueue_indirect_dma source(%dma_start3A_89 : memref<100000x128xf32, #tpu.memory_space<hbm>>) target(%dma_start3A_83 : memref<64x128xf32, #tpu.memory_space<vmem>>) offsets(%dma_start3A_86 : memref<64xi32, #tpu.memory_space<vmem>>) semaphore(%dma_start3A_91 : memref<!tpu.dma_semaphore, #tpu.memory_space<semaphore_mem>>)
    %dma_start3A_92 = arith.constant 3 : i32
    %dma_start3A_93 = arith.constant 6 : i32
    %dma_start3A_94 = arith.constant 6 : i32
    %dma_start3A_95 = arith.constant 0 : i32
    %dma_start3A_96 = arith.constant 0 : i32
    %dma_start3A_97 = tpu.memref_slice %arg6[%dma_start3A_93, %dma_start3A_95, %dma_start3A_96] : memref<10x64x128xf32, #tpu.memory_space<vmem>> -> memref<1x64x128xf32, #tpu.memory_space<vmem>>
    %dma_start3A_98 = tpu.memref_squeeze %dma_start3A_97 : memref<1x64x128xf32, #tpu.memory_space<vmem>> -> memref<64x128xf32, #tpu.memory_space<vmem>>
    %dma_start3A_99 = arith.constant 0 : i32
    %dma_start3A_100 = tpu.memref_slice %arg5[%dma_start3A_92, %dma_start3A_99] : memref<50x128xi32, #tpu.memory_space<vmem>> -> memref<1x64xi32, #tpu.memory_space<vmem>>
    %dma_start3A_101 = tpu.memref_squeeze %dma_start3A_100 : memref<1x64xi32, #tpu.memory_space<vmem>> -> memref<64xi32, #tpu.memory_space<vmem>>
    %dma_start3A_102 = arith.constant 0 : i32
    %dma_start3A_103 = arith.constant 0 : i32
    %dma_start3A_104 = tpu.memref_slice %arg3[%dma_start3A_102, %dma_start3A_103] : memref<100000x128xf32, #tpu.memory_space<hbm>> -> memref<100000x128xf32, #tpu.memory_space<hbm>>
    %dma_start3A_105 = tpu.memref_slice %arg7[%dma_start3A_94] : memref<10x!tpu.dma_semaphore, #tpu.memory_space<semaphore_mem>> -> memref<1x!tpu.dma_semaphore, #tpu.memory_space<semaphore_mem>>
    %dma_start3A_106 = tpu.memref_squeeze %dma_start3A_105 : memref<1x!tpu.dma_semaphore, #tpu.memory_space<semaphore_mem>> -> memref<!tpu.dma_semaphore, #tpu.memory_space<semaphore_mem>>
    tpu.enqueue_indirect_dma source(%dma_start3A_104 : memref<100000x128xf32, #tpu.memory_space<hbm>>) target(%dma_start3A_98 : memref<64x128xf32, #tpu.memory_space<vmem>>) offsets(%dma_start3A_101 : memref<64xi32, #tpu.memory_space<vmem>>) semaphore(%dma_start3A_106 : memref<!tpu.dma_semaphore, #tpu.memory_space<semaphore_mem>>)
    %dma_start3A_107 = arith.constant 3 : i32
    %dma_start3A_108 = arith.constant 7 : i32
    %dma_start3A_109 = arith.constant 7 : i32
    %dma_start3A_110 = arith.constant 0 : i32
    %dma_start3A_111 = arith.constant 0 : i32
    %dma_start3A_112 = tpu.memref_slice %arg6[%dma_start3A_108, %dma_start3A_110, %dma_start3A_111] : memref<10x64x128xf32, #tpu.memory_space<vmem>> -> memref<1x64x128xf32, #tpu.memory_space<vmem>>
    %dma_start3A_113 = tpu.memref_squeeze %dma_start3A_112 : memref<1x64x128xf32, #tpu.memory_space<vmem>> -> memref<64x128xf32, #tpu.memory_space<vmem>>
    %dma_start3A_114 = arith.constant 64 : i32
    %dma_start3A_115 = tpu.memref_slice %arg5[%dma_start3A_107, %dma_start3A_114] : memref<50x128xi32, #tpu.memory_space<vmem>> -> memref<1x64xi32, #tpu.memory_space<vmem>>
    %dma_start3A_116 = tpu.memref_squeeze %dma_start3A_115 : memref<1x64xi32, #tpu.memory_space<vmem>> -> memref<64xi32, #tpu.memory_space<vmem>>
    %dma_start3A_117 = arith.constant 0 : i32
    %dma_start3A_118 = arith.constant 0 : i32
    %dma_start3A_119 = tpu.memref_slice %arg3[%dma_start3A_117, %dma_start3A_118] : memref<100000x128xf32, #tpu.memory_space<hbm>> -> memref<100000x128xf32, #tpu.memory_space<hbm>>
    %dma_start3A_120 = tpu.memref_slice %arg7[%dma_start3A_109] : memref<10x!tpu.dma_semaphore, #tpu.memory_space<semaphore_mem>> -> memref<1x!tpu.dma_semaphore, #tpu.memory_space<semaphore_mem>>
    %dma_start3A_121 = tpu.memref_squeeze %dma_start3A_120 : memref<1x!tpu.dma_semaphore, #tpu.memory_space<semaphore_mem>> -> memref<!tpu.dma_semaphore, #tpu.memory_space<semaphore_mem>>
    tpu.enqueue_indirect_dma source(%dma_start3A_119 : memref<100000x128xf32, #tpu.memory_space<hbm>>) target(%dma_start3A_113 : memref<64x128xf32, #tpu.memory_space<vmem>>) offsets(%dma_start3A_116 : memref<64xi32, #tpu.memory_space<vmem>>) semaphore(%dma_start3A_121 : memref<!tpu.dma_semaphore, #tpu.memory_space<semaphore_mem>>)
    %dma_start3A_122 = arith.constant 4 : i32
    %dma_start3A_123 = arith.constant 8 : i32
    %dma_start3A_124 = arith.constant 8 : i32
    %dma_start3A_125 = arith.constant 0 : i32
    %dma_start3A_126 = arith.constant 0 : i32
    %dma_start3A_127 = tpu.memref_slice %arg6[%dma_start3A_123, %dma_start3A_125, %dma_start3A_126] : memref<10x64x128xf32, #tpu.memory_space<vmem>> -> memref<1x64x128xf32, #tpu.memory_space<vmem>>
    %dma_start3A_128 = tpu.memref_squeeze %dma_start3A_127 : memref<1x64x128xf32, #tpu.memory_space<vmem>> -> memref<64x128xf32, #tpu.memory_space<vmem>>
    %dma_start3A_129 = arith.constant 0 : i32
    %dma_start3A_130 = tpu.memref_slice %arg5[%dma_start3A_122, %dma_start3A_129] : memref<50x128xi32, #tpu.memory_space<vmem>> -> memref<1x64xi32, #tpu.memory_space<vmem>>
    %dma_start3A_131 = tpu.memref_squeeze %dma_start3A_130 : memref<1x64xi32, #tpu.memory_space<vmem>> -> memref<64xi32, #tpu.memory_space<vmem>>
    %dma_start3A_132 = arith.constant 0 : i32
    %dma_start3A_133 = arith.constant 0 : i32
    %dma_start3A_134 = tpu.memref_slice %arg3[%dma_start3A_132, %dma_start3A_133] : memref<100000x128xf32, #tpu.memory_space<hbm>> -> memref<100000x128xf32, #tpu.memory_space<hbm>>
    %dma_start3A_135 = tpu.memref_slice %arg7[%dma_start3A_124] : memref<10x!tpu.dma_semaphore, #tpu.memory_space<semaphore_mem>> -> memref<1x!tpu.dma_semaphore, #tpu.memory_space<semaphore_mem>>
    %dma_start3A_136 = tpu.memref_squeeze %dma_start3A_135 : memref<1x!tpu.dma_semaphore, #tpu.memory_space<semaphore_mem>> -> memref<!tpu.dma_semaphore, #tpu.memory_space<semaphore_mem>>
    tpu.enqueue_indirect_dma source(%dma_start3A_134 : memref<100000x128xf32, #tpu.memory_space<hbm>>) target(%dma_start3A_128 : memref<64x128xf32, #tpu.memory_space<vmem>>) offsets(%dma_start3A_131 : memref<64xi32, #tpu.memory_space<vmem>>) semaphore(%dma_start3A_136 : memref<!tpu.dma_semaphore, #tpu.memory_space<semaphore_mem>>)
    %dma_start3A_137 = arith.constant 4 : i32
    %dma_start3A_138 = arith.constant 9 : i32
    %dma_start3A_139 = arith.constant 9 : i32
    %dma_start3A_140 = arith.constant 0 : i32
    %dma_start3A_141 = arith.constant 0 : i32
    %dma_start3A_142 = tpu.memref_slice %arg6[%dma_start3A_138, %dma_start3A_140, %dma_start3A_141] : memref<10x64x128xf32, #tpu.memory_space<vmem>> -> memref<1x64x128xf32, #tpu.memory_space<vmem>>
    %dma_start3A_143 = tpu.memref_squeeze %dma_start3A_142 : memref<1x64x128xf32, #tpu.memory_space<vmem>> -> memref<64x128xf32, #tpu.memory_space<vmem>>
    %dma_start3A_144 = arith.constant 64 : i32
    %dma_start3A_145 = tpu.memref_slice %arg5[%dma_start3A_137, %dma_start3A_144] : memref<50x128xi32, #tpu.memory_space<vmem>> -> memref<1x64xi32, #tpu.memory_space<vmem>>
    %dma_start3A_146 = tpu.memref_squeeze %dma_start3A_145 : memref<1x64xi32, #tpu.memory_space<vmem>> -> memref<64xi32, #tpu.memory_space<vmem>>
    %dma_start3A_147 = arith.constant 0 : i32
    %dma_start3A_148 = arith.constant 0 : i32
    %dma_start3A_149 = tpu.memref_slice %arg3[%dma_start3A_147, %dma_start3A_148] : memref<100000x128xf32, #tpu.memory_space<hbm>> -> memref<100000x128xf32, #tpu.memory_space<hbm>>
    %dma_start3A_150 = tpu.memref_slice %arg7[%dma_start3A_139] : memref<10x!tpu.dma_semaphore, #tpu.memory_space<semaphore_mem>> -> memref<1x!tpu.dma_semaphore, #tpu.memory_space<semaphore_mem>>
    %dma_start3A_151 = tpu.memref_squeeze %dma_start3A_150 : memref<1x!tpu.dma_semaphore, #tpu.memory_space<semaphore_mem>> -> memref<!tpu.dma_semaphore, #tpu.memory_space<semaphore_mem>>
    tpu.enqueue_indirect_dma source(%dma_start3A_149 : memref<100000x128xf32, #tpu.memory_space<hbm>>) target(%dma_start3A_143 : memref<64x128xf32, #tpu.memory_space<vmem>>) offsets(%dma_start3A_146 : memref<64xi32, #tpu.memory_space<vmem>>) semaphore(%dma_start3A_151 : memref<!tpu.dma_semaphore, #tpu.memory_space<semaphore_mem>>)
    %scan3A = arith.constant 0 : i32
    %scan3A_152 = arith.constant 0 : i32
    %scan3A_153 = arith.constant 10 : i32
    %scan3A_154 = arith.addi %scan3A_152, %scan3A_153 : i32
    %scan3A_155 = arith.constant 1 : i32
    scf.for %scan3A_366 = %scan3A_152 to %scan3A_154 step %scan3A_155  : i32 {
      %mul3A_367 = arith.constant 10 : i32
      %mul3A_368 = arith.muli %scan3A_366, %mul3A_367 : i32
      %add3A_369 = arith.constant 0 : i32
      %add3A_370 = arith.addi %mul3A_368, %add3A_369 : i32
      %jit3A = arith.constant 2 : i32
      %div3A = arith.divsi %add3A_370, %jit3A : i32
      %sign3A = arith.constant 0 : i32
      %sign3A_371 = arith.cmpi sgt, %add3A_370, %sign3A : i32
      %sign3A_372 = arith.extui %sign3A_371 : i1 to i32
      %sign3A_373 = arith.constant 0 : i32
      %sign3A_374 = arith.cmpi slt, %add3A_370, %sign3A_373 : i32
      %sign3A_375 = arith.extui %sign3A_374 : i1 to i32
      %sign3A_376 = arith.subi %sign3A_372, %sign3A_375 : i32
      %sign3A_377 = arith.constant 0 : i32
      %sign3A_378 = arith.cmpi sgt, %jit3A, %sign3A_377 : i32
      %sign3A_379 = arith.extui %sign3A_378 : i1 to i32
      %sign3A_380 = arith.constant 0 : i32
      %sign3A_381 = arith.cmpi slt, %jit3A, %sign3A_380 : i32
      %sign3A_382 = arith.extui %sign3A_381 : i1 to i32
      %sign3A_383 = arith.subi %sign3A_379, %sign3A_382 : i32
      %ne3A = arith.cmpi ne, %sign3A_376, %sign3A_383 : i32
      %rem3A = arith.remsi %add3A_370, %jit3A : i32
      %ne3A_384 = arith.constant 0 : i32
      %ne3A_385 = arith.cmpi ne, %rem3A, %ne3A_384 : i32
      %and3A = arith.andi %ne3A, %ne3A_385 : i1
      %sub3A = arith.constant 1 : i32
      %sub3A_386 = arith.subi %div3A, %sub3A : i32
      %select_n3A = arith.select %and3A, %sub3A_386, %div3A : i32
      %jit3A_387 = arith.constant 2 : i32
      %eq3A = arith.constant 0 : i32
      %eq3A_388 = arith.cmpi eq, %jit3A_387, %eq3A : i32
      %jit3A_389 = arith.constant 1 : i32
      %select_n3A_390 = arith.select %eq3A_388, %jit3A_389, %jit3A_387 : i32
      %rem3A_391 = arith.remsi %add3A_370, %select_n3A_390 : i32
      %ne3A_392 = arith.constant 0 : i32
      %ne3A_393 = arith.cmpi ne, %rem3A_391, %ne3A_392 : i32
      %lt3A = arith.constant 0 : i32
      %lt3A_394 = arith.cmpi slt, %rem3A_391, %lt3A : i32
      %lt3A_395 = arith.constant 0 : i32
      %lt3A_396 = arith.cmpi slt, %select_n3A_390, %lt3A_395 : i32
      %ne3A_397 = arith.xori %lt3A_394, %lt3A_396 : i1
      %and3A_398 = arith.andi %ne3A_397, %ne3A_393 : i1
      %add3A_399 = arith.addi %rem3A_391, %select_n3A_390 : i32
      %select_n3A_400 = arith.select %and3A_398, %add3A_399, %rem3A_391 : i32
      %mul3A_401 = arith.constant 64 : i32
      %mul3A_402 = arith.muli %select_n3A_400, %mul3A_401 : i32
      %dma_wait3A_403 = arith.constant 0 : i32
      %dma_wait3A_404 = arith.constant 0 : i32
      %dma_wait3A_405 = arith.constant 0 : i32
      %dma_wait3A_406 = arith.constant 0 : i32
      %dma_wait3A_407 = tpu.memref_slice %arg6[%dma_wait3A_403, %dma_wait3A_405, %dma_wait3A_406] : memref<10x64x128xf32, #tpu.memory_space<vmem>> -> memref<1x64x128xf32, #tpu.memory_space<vmem>>
      %dma_wait3A_408 = tpu.memref_squeeze %dma_wait3A_407 : memref<1x64x128xf32, #tpu.memory_space<vmem>> -> memref<64x128xf32, #tpu.memory_space<vmem>>
      %dma_wait3A_409 = tpu.memref_slice %arg5[%select_n3A, %mul3A_402] : memref<50x128xi32, #tpu.memory_space<vmem>> -> memref<1x64xi32, #tpu.memory_space<vmem>>
      %dma_wait3A_410 = tpu.memref_squeeze %dma_wait3A_409 : memref<1x64xi32, #tpu.memory_space<vmem>> -> memref<64xi32, #tpu.memory_space<vmem>>
      %dma_wait3A_411 = arith.constant 0 : i32
      %dma_wait3A_412 = arith.constant 0 : i32
      %dma_wait3A_413 = tpu.memref_slice %arg3[%dma_wait3A_411, %dma_wait3A_412] : memref<100000x128xf32, #tpu.memory_space<hbm>> -> memref<100000x128xf32, #tpu.memory_space<hbm>>
      %dma_wait3A_414 = tpu.memref_slice %arg7[%dma_wait3A_404] : memref<10x!tpu.dma_semaphore, #tpu.memory_space<semaphore_mem>> -> memref<1x!tpu.dma_semaphore, #tpu.memory_space<semaphore_mem>>
      %dma_wait3A_415 = tpu.memref_squeeze %dma_wait3A_414 : memref<1x!tpu.dma_semaphore, #tpu.memory_space<semaphore_mem>> -> memref<!tpu.dma_semaphore, #tpu.memory_space<semaphore_mem>>
      tpu.wait_indirect_dma semaphore(%dma_wait3A_415 : memref<!tpu.dma_semaphore, #tpu.memory_space<semaphore_mem>>) src(%dma_wait3A_413 : memref<100000x128xf32, #tpu.memory_space<hbm>>) dst(%dma_wait3A_408 : memref<64x128xf32, #tpu.memory_space<vmem>>)
      %add3A_416 = arith.constant 0 : i32
      %add3A_417 = arith.addi %mul3A_368, %add3A_416 : i32
      %jit3A_418 = arith.constant 2 : i32
      %div3A_419 = arith.divsi %add3A_417, %jit3A_418 : i32
      %sign3A_420 = arith.constant 0 : i32
      %sign3A_421 = arith.cmpi sgt, %add3A_417, %sign3A_420 : i32
      %sign3A_422 = arith.extui %sign3A_421 : i1 to i32
      %sign3A_423 = arith.constant 0 : i32
      %sign3A_424 = arith.cmpi slt, %add3A_417, %sign3A_423 : i32
      %sign3A_425 = arith.extui %sign3A_424 : i1 to i32
      %sign3A_426 = arith.subi %sign3A_422, %sign3A_425 : i32
      %sign3A_427 = arith.constant 0 : i32
      %sign3A_428 = arith.cmpi sgt, %jit3A_418, %sign3A_427 : i32
      %sign3A_429 = arith.extui %sign3A_428 : i1 to i32
      %sign3A_430 = arith.constant 0 : i32
      %sign3A_431 = arith.cmpi slt, %jit3A_418, %sign3A_430 : i32
      %sign3A_432 = arith.extui %sign3A_431 : i1 to i32
      %sign3A_433 = arith.subi %sign3A_429, %sign3A_432 : i32
      %ne3A_434 = arith.cmpi ne, %sign3A_426, %sign3A_433 : i32
      %rem3A_435 = arith.remsi %add3A_417, %jit3A_418 : i32
      %ne3A_436 = arith.constant 0 : i32
      %ne3A_437 = arith.cmpi ne, %rem3A_435, %ne3A_436 : i32
      %and3A_438 = arith.andi %ne3A_434, %ne3A_437 : i1
      %sub3A_439 = arith.constant 1 : i32
      %sub3A_440 = arith.subi %div3A_419, %sub3A_439 : i32
      %select_n3A_441 = arith.select %and3A_438, %sub3A_440, %div3A_419 : i32
      %jit3A_442 = arith.constant 2 : i32
      %eq3A_443 = arith.constant 0 : i32
      %eq3A_444 = arith.cmpi eq, %jit3A_442, %eq3A_443 : i32
      %jit3A_445 = arith.constant 1 : i32
      %select_n3A_446 = arith.select %eq3A_444, %jit3A_445, %jit3A_442 : i32
      %rem3A_447 = arith.remsi %add3A_417, %select_n3A_446 : i32
      %ne3A_448 = arith.constant 0 : i32
      %ne3A_449 = arith.cmpi ne, %rem3A_447, %ne3A_448 : i32
      %lt3A_450 = arith.constant 0 : i32
      %lt3A_451 = arith.cmpi slt, %rem3A_447, %lt3A_450 : i32
      %lt3A_452 = arith.constant 0 : i32
      %lt3A_453 = arith.cmpi slt, %select_n3A_446, %lt3A_452 : i32
      %ne3A_454 = arith.xori %lt3A_451, %lt3A_453 : i1
      %and3A_455 = arith.andi %ne3A_454, %ne3A_449 : i1
      %add3A_456 = arith.addi %rem3A_447, %select_n3A_446 : i32
      %select_n3A_457 = arith.select %and3A_455, %add3A_456, %rem3A_447 : i32
      %mul3A_458 = arith.constant 64 : i32
      %mul3A_459 = arith.muli %select_n3A_457, %mul3A_458 : i32
      %add3A_460 = arith.addi %mul3A_2, %mul3A_459 : i32
      %dma_start3A_461 = arith.constant 0 : i32
      %dma_start3A_462 = arith.constant 0 : i32
      %dma_start3A_463 = arith.constant 0 : i32
      %dma_start3A_464 = arith.constant 0 : i32
      %dma_start3A_465 = tpu.memref_slice %arg6[%dma_start3A_461, %dma_start3A_463, %dma_start3A_464] : memref<10x64x128xf32, #tpu.memory_space<vmem>> -> memref<1x64x128xf32, #tpu.memory_space<vmem>>
      %dma_start3A_466 = tpu.memref_squeeze %dma_start3A_465 : memref<1x64x128xf32, #tpu.memory_space<vmem>> -> memref<64x128xf32, #tpu.memory_space<vmem>>
      %dma_start3A_467 = arith.constant 0 : i32
      %dma_start3A_468 = tpu.memref_slice %arg4[%select_n3A_441, %add3A_460, %dma_start3A_467] : memref<50x4096x128xf32, #tpu.memory_space<hbm>> -> memref<1x64x128xf32, #tpu.memory_space<hbm>>
      %dma_start3A_469 = tpu.memref_squeeze %dma_start3A_468 : memref<1x64x128xf32, #tpu.memory_space<hbm>> -> memref<64x128xf32, #tpu.memory_space<hbm>>
      %dma_start3A_470 = tpu.memref_slice %arg8[%dma_start3A_462] : memref<10x!tpu.dma_semaphore, #tpu.memory_space<semaphore_mem>> -> memref<1x!tpu.dma_semaphore, #tpu.memory_space<semaphore_mem>>
      %dma_start3A_471 = tpu.memref_squeeze %dma_start3A_470 : memref<1x!tpu.dma_semaphore, #tpu.memory_space<semaphore_mem>> -> memref<!tpu.dma_semaphore, #tpu.memory_space<semaphore_mem>>
      %dma_start3A_472 = arith.constant 0 : i32
      %dma_start3A_473 = tpu.memref_slice %arg4[%select_n3A_441, %add3A_460, %dma_start3A_472] : memref<50x4096x128xf32, #tpu.memory_space<hbm>> -> memref<1x64x128xf32, #tpu.memory_space<hbm>>
      %dma_start3A_474 = tpu.memref_squeeze %dma_start3A_473 : memref<1x64x128xf32, #tpu.memory_space<hbm>> -> memref<64x128xf32, #tpu.memory_space<hbm>>
      %dma_start3A_475 = arith.constant 0 : i32
      %dma_start3A_476 = arith.constant 0 : i32
      %dma_start3A_477 = tpu.memref_slice %arg6[%dma_start3A_461, %dma_start3A_475, %dma_start3A_476] : memref<10x64x128xf32, #tpu.memory_space<vmem>> -> memref<1x64x128xf32, #tpu.memory_space<vmem>>
      %dma_start3A_478 = tpu.memref_squeeze %dma_start3A_477 : memref<1x64x128xf32, #tpu.memory_space<vmem>> -> memref<64x128xf32, #tpu.memory_space<vmem>>
      tpu.enqueue_dma source(%dma_start3A_478 : memref<64x128xf32, #tpu.memory_space<vmem>>) target(%dma_start3A_474 : memref<64x128xf32, #tpu.memory_space<hbm>>) target_semaphore(%dma_start3A_471 : memref<!tpu.dma_semaphore, #tpu.memory_space<semaphore_mem>>)
      %add3A_479 = arith.constant 1 : i32
      %add3A_480 = arith.addi %mul3A_368, %add3A_479 : i32
      %jit3A_481 = arith.constant 2 : i32
      %div3A_482 = arith.divsi %add3A_480, %jit3A_481 : i32
      %sign3A_483 = arith.constant 0 : i32
      %sign3A_484 = arith.cmpi sgt, %add3A_480, %sign3A_483 : i32
      %sign3A_485 = arith.extui %sign3A_484 : i1 to i32
      %sign3A_486 = arith.constant 0 : i32
      %sign3A_487 = arith.cmpi slt, %add3A_480, %sign3A_486 : i32
      %sign3A_488 = arith.extui %sign3A_487 : i1 to i32
      %sign3A_489 = arith.subi %sign3A_485, %sign3A_488 : i32
      %sign3A_490 = arith.constant 0 : i32
      %sign3A_491 = arith.cmpi sgt, %jit3A_481, %sign3A_490 : i32
      %sign3A_492 = arith.extui %sign3A_491 : i1 to i32
      %sign3A_493 = arith.constant 0 : i32
      %sign3A_494 = arith.cmpi slt, %jit3A_481, %sign3A_493 : i32
      %sign3A_495 = arith.extui %sign3A_494 : i1 to i32
      %sign3A_496 = arith.subi %sign3A_492, %sign3A_495 : i32
      %ne3A_497 = arith.cmpi ne, %sign3A_489, %sign3A_496 : i32
      %rem3A_498 = arith.remsi %add3A_480, %jit3A_481 : i32
      %ne3A_499 = arith.constant 0 : i32
      %ne3A_500 = arith.cmpi ne, %rem3A_498, %ne3A_499 : i32
      %and3A_501 = arith.andi %ne3A_497, %ne3A_500 : i1
      %sub3A_502 = arith.constant 1 : i32
      %sub3A_503 = arith.subi %div3A_482, %sub3A_502 : i32
      %select_n3A_504 = arith.select %and3A_501, %sub3A_503, %div3A_482 : i32
      %jit3A_505 = arith.constant 2 : i32
      %eq3A_506 = arith.constant 0 : i32
      %eq3A_507 = arith.cmpi eq, %jit3A_505, %eq3A_506 : i32
      %jit3A_508 = arith.constant 1 : i32
      %select_n3A_509 = arith.select %eq3A_507, %jit3A_508, %jit3A_505 : i32
      %rem3A_510 = arith.remsi %add3A_480, %select_n3A_509 : i32
      %ne3A_511 = arith.constant 0 : i32
      %ne3A_512 = arith.cmpi ne, %rem3A_510, %ne3A_511 : i32
      %lt3A_513 = arith.constant 0 : i32
      %lt3A_514 = arith.cmpi slt, %rem3A_510, %lt3A_513 : i32
      %lt3A_515 = arith.constant 0 : i32
      %lt3A_516 = arith.cmpi slt, %select_n3A_509, %lt3A_515 : i32
      %ne3A_517 = arith.xori %lt3A_514, %lt3A_516 : i1
      %and3A_518 = arith.andi %ne3A_517, %ne3A_512 : i1
      %add3A_519 = arith.addi %rem3A_510, %select_n3A_509 : i32
      %select_n3A_520 = arith.select %and3A_518, %add3A_519, %rem3A_510 : i32
      %mul3A_521 = arith.constant 64 : i32
      %mul3A_522 = arith.muli %select_n3A_520, %mul3A_521 : i32
      %dma_wait3A_523 = arith.constant 1 : i32
      %dma_wait3A_524 = arith.constant 1 : i32
      %dma_wait3A_525 = arith.constant 0 : i32
      %dma_wait3A_526 = arith.constant 0 : i32
      %dma_wait3A_527 = tpu.memref_slice %arg6[%dma_wait3A_523, %dma_wait3A_525, %dma_wait3A_526] : memref<10x64x128xf32, #tpu.memory_space<vmem>> -> memref<1x64x128xf32, #tpu.memory_space<vmem>>
      %dma_wait3A_528 = tpu.memref_squeeze %dma_wait3A_527 : memref<1x64x128xf32, #tpu.memory_space<vmem>> -> memref<64x128xf32, #tpu.memory_space<vmem>>
      %dma_wait3A_529 = tpu.memref_slice %arg5[%select_n3A_504, %mul3A_522] : memref<50x128xi32, #tpu.memory_space<vmem>> -> memref<1x64xi32, #tpu.memory_space<vmem>>
      %dma_wait3A_530 = tpu.memref_squeeze %dma_wait3A_529 : memref<1x64xi32, #tpu.memory_space<vmem>> -> memref<64xi32, #tpu.memory_space<vmem>>
      %dma_wait3A_531 = arith.constant 0 : i32
      %dma_wait3A_532 = arith.constant 0 : i32
      %dma_wait3A_533 = tpu.memref_slice %arg3[%dma_wait3A_531, %dma_wait3A_532] : memref<100000x128xf32, #tpu.memory_space<hbm>> -> memref<100000x128xf32, #tpu.memory_space<hbm>>
      %dma_wait3A_534 = tpu.memref_slice %arg7[%dma_wait3A_524] : memref<10x!tpu.dma_semaphore, #tpu.memory_space<semaphore_mem>> -> memref<1x!tpu.dma_semaphore, #tpu.memory_space<semaphore_mem>>
      %dma_wait3A_535 = tpu.memref_squeeze %dma_wait3A_534 : memref<1x!tpu.dma_semaphore, #tpu.memory_space<semaphore_mem>> -> memref<!tpu.dma_semaphore, #tpu.memory_space<semaphore_mem>>
      tpu.wait_indirect_dma semaphore(%dma_wait3A_535 : memref<!tpu.dma_semaphore, #tpu.memory_space<semaphore_mem>>) src(%dma_wait3A_533 : memref<100000x128xf32, #tpu.memory_space<hbm>>) dst(%dma_wait3A_528 : memref<64x128xf32, #tpu.memory_space<vmem>>)
      %add3A_536 = arith.constant 1 : i32
      %add3A_537 = arith.addi %mul3A_368, %add3A_536 : i32
      %jit3A_538 = arith.constant 2 : i32
      %div3A_539 = arith.divsi %add3A_537, %jit3A_538 : i32
      %sign3A_540 = arith.constant 0 : i32
      %sign3A_541 = arith.cmpi sgt, %add3A_537, %sign3A_540 : i32
      %sign3A_542 = arith.extui %sign3A_541 : i1 to i32
      %sign3A_543 = arith.constant 0 : i32
      %sign3A_544 = arith.cmpi slt, %add3A_537, %sign3A_543 : i32
      %sign3A_545 = arith.extui %sign3A_544 : i1 to i32
      %sign3A_546 = arith.subi %sign3A_542, %sign3A_545 : i32
      %sign3A_547 = arith.constant 0 : i32
      %sign3A_548 = arith.cmpi sgt, %jit3A_538, %sign3A_547 : i32
      %sign3A_549 = arith.extui %sign3A_548 : i1 to i32
      %sign3A_550 = arith.constant 0 : i32
      %sign3A_551 = arith.cmpi slt, %jit3A_538, %sign3A_550 : i32
      %sign3A_552 = arith.extui %sign3A_551 : i1 to i32
      %sign3A_553 = arith.subi %sign3A_549, %sign3A_552 : i32
      %ne3A_554 = arith.cmpi ne, %sign3A_546, %sign3A_553 : i32
      %rem3A_555 = arith.remsi %add3A_537, %jit3A_538 : i32
      %ne3A_556 = arith.constant 0 : i32
      %ne3A_557 = arith.cmpi ne, %rem3A_555, %ne3A_556 : i32
      %and3A_558 = arith.andi %ne3A_554, %ne3A_557 : i1
      %sub3A_559 = arith.constant 1 : i32
      %sub3A_560 = arith.subi %div3A_539, %sub3A_559 : i32
      %select_n3A_561 = arith.select %and3A_558, %sub3A_560, %div3A_539 : i32
      %jit3A_562 = arith.constant 2 : i32
      %eq3A_563 = arith.constant 0 : i32
      %eq3A_564 = arith.cmpi eq, %jit3A_562, %eq3A_563 : i32
      %jit3A_565 = arith.constant 1 : i32
      %select_n3A_566 = arith.select %eq3A_564, %jit3A_565, %jit3A_562 : i32
      %rem3A_567 = arith.remsi %add3A_537, %select_n3A_566 : i32
      %ne3A_568 = arith.constant 0 : i32
      %ne3A_569 = arith.cmpi ne, %rem3A_567, %ne3A_568 : i32
      %lt3A_570 = arith.constant 0 : i32
      %lt3A_571 = arith.cmpi slt, %rem3A_567, %lt3A_570 : i32
      %lt3A_572 = arith.constant 0 : i32
      %lt3A_573 = arith.cmpi slt, %select_n3A_566, %lt3A_572 : i32
      %ne3A_574 = arith.xori %lt3A_571, %lt3A_573 : i1
      %and3A_575 = arith.andi %ne3A_574, %ne3A_569 : i1
      %add3A_576 = arith.addi %rem3A_567, %select_n3A_566 : i32
      %select_n3A_577 = arith.select %and3A_575, %add3A_576, %rem3A_567 : i32
      %mul3A_578 = arith.constant 64 : i32
      %mul3A_579 = arith.muli %select_n3A_577, %mul3A_578 : i32
      %add3A_580 = arith.addi %mul3A_2, %mul3A_579 : i32
      %dma_start3A_581 = arith.constant 1 : i32
      %dma_start3A_582 = arith.constant 1 : i32
      %dma_start3A_583 = arith.constant 0 : i32
      %dma_start3A_584 = arith.constant 0 : i32
      %dma_start3A_585 = tpu.memref_slice %arg6[%dma_start3A_581, %dma_start3A_583, %dma_start3A_584] : memref<10x64x128xf32, #tpu.memory_space<vmem>> -> memref<1x64x128xf32, #tpu.memory_space<vmem>>
      %dma_start3A_586 = tpu.memref_squeeze %dma_start3A_585 : memref<1x64x128xf32, #tpu.memory_space<vmem>> -> memref<64x128xf32, #tpu.memory_space<vmem>>
      %dma_start3A_587 = arith.constant 0 : i32
      %dma_start3A_588 = tpu.memref_slice %arg4[%select_n3A_561, %add3A_580, %dma_start3A_587] : memref<50x4096x128xf32, #tpu.memory_space<hbm>> -> memref<1x64x128xf32, #tpu.memory_space<hbm>>
      %dma_start3A_589 = tpu.memref_squeeze %dma_start3A_588 : memref<1x64x128xf32, #tpu.memory_space<hbm>> -> memref<64x128xf32, #tpu.memory_space<hbm>>
      %dma_start3A_590 = tpu.memref_slice %arg8[%dma_start3A_582] : memref<10x!tpu.dma_semaphore, #tpu.memory_space<semaphore_mem>> -> memref<1x!tpu.dma_semaphore, #tpu.memory_space<semaphore_mem>>
      %dma_start3A_591 = tpu.memref_squeeze %dma_start3A_590 : memref<1x!tpu.dma_semaphore, #tpu.memory_space<semaphore_mem>> -> memref<!tpu.dma_semaphore, #tpu.memory_space<semaphore_mem>>
      %dma_start3A_592 = arith.constant 0 : i32
      %dma_start3A_593 = tpu.memref_slice %arg4[%select_n3A_561, %add3A_580, %dma_start3A_592] : memref<50x4096x128xf32, #tpu.memory_space<hbm>> -> memref<1x64x128xf32, #tpu.memory_space<hbm>>
      %dma_start3A_594 = tpu.memref_squeeze %dma_start3A_593 : memref<1x64x128xf32, #tpu.memory_space<hbm>> -> memref<64x128xf32, #tpu.memory_space<hbm>>
      %dma_start3A_595 = arith.constant 0 : i32
      %dma_start3A_596 = arith.constant 0 : i32
      %dma_start3A_597 = tpu.memref_slice %arg6[%dma_start3A_581, %dma_start3A_595, %dma_start3A_596] : memref<10x64x128xf32, #tpu.memory_space<vmem>> -> memref<1x64x128xf32, #tpu.memory_space<vmem>>
      %dma_start3A_598 = tpu.memref_squeeze %dma_start3A_597 : memref<1x64x128xf32, #tpu.memory_space<vmem>> -> memref<64x128xf32, #tpu.memory_space<vmem>>
      tpu.enqueue_dma source(%dma_start3A_598 : memref<64x128xf32, #tpu.memory_space<vmem>>) target(%dma_start3A_594 : memref<64x128xf32, #tpu.memory_space<hbm>>) target_semaphore(%dma_start3A_591 : memref<!tpu.dma_semaphore, #tpu.memory_space<semaphore_mem>>)
      %add3A_599 = arith.constant 2 : i32
      %add3A_600 = arith.addi %mul3A_368, %add3A_599 : i32
      %jit3A_601 = arith.constant 2 : i32
      %div3A_602 = arith.divsi %add3A_600, %jit3A_601 : i32
      %sign3A_603 = arith.constant 0 : i32
      %sign3A_604 = arith.cmpi sgt, %add3A_600, %sign3A_603 : i32
      %sign3A_605 = arith.extui %sign3A_604 : i1 to i32
      %sign3A_606 = arith.constant 0 : i32
      %sign3A_607 = arith.cmpi slt, %add3A_600, %sign3A_606 : i32
      %sign3A_608 = arith.extui %sign3A_607 : i1 to i32
      %sign3A_609 = arith.subi %sign3A_605, %sign3A_608 : i32
      %sign3A_610 = arith.constant 0 : i32
      %sign3A_611 = arith.cmpi sgt, %jit3A_601, %sign3A_610 : i32
      %sign3A_612 = arith.extui %sign3A_611 : i1 to i32
      %sign3A_613 = arith.constant 0 : i32
      %sign3A_614 = arith.cmpi slt, %jit3A_601, %sign3A_613 : i32
      %sign3A_615 = arith.extui %sign3A_614 : i1 to i32
      %sign3A_616 = arith.subi %sign3A_612, %sign3A_615 : i32
      %ne3A_617 = arith.cmpi ne, %sign3A_609, %sign3A_616 : i32
      %rem3A_618 = arith.remsi %add3A_600, %jit3A_601 : i32
      %ne3A_619 = arith.constant 0 : i32
      %ne3A_620 = arith.cmpi ne, %rem3A_618, %ne3A_619 : i32
      %and3A_621 = arith.andi %ne3A_617, %ne3A_620 : i1
      %sub3A_622 = arith.constant 1 : i32
      %sub3A_623 = arith.subi %div3A_602, %sub3A_622 : i32
      %select_n3A_624 = arith.select %and3A_621, %sub3A_623, %div3A_602 : i32
      %jit3A_625 = arith.constant 2 : i32
      %eq3A_626 = arith.constant 0 : i32
      %eq3A_627 = arith.cmpi eq, %jit3A_625, %eq3A_626 : i32
      %jit3A_628 = arith.constant 1 : i32
      %select_n3A_629 = arith.select %eq3A_627, %jit3A_628, %jit3A_625 : i32
      %rem3A_630 = arith.remsi %add3A_600, %select_n3A_629 : i32
      %ne3A_631 = arith.constant 0 : i32
      %ne3A_632 = arith.cmpi ne, %rem3A_630, %ne3A_631 : i32
      %lt3A_633 = arith.constant 0 : i32
      %lt3A_634 = arith.cmpi slt, %rem3A_630, %lt3A_633 : i32
      %lt3A_635 = arith.constant 0 : i32
      %lt3A_636 = arith.cmpi slt, %select_n3A_629, %lt3A_635 : i32
      %ne3A_637 = arith.xori %lt3A_634, %lt3A_636 : i1
      %and3A_638 = arith.andi %ne3A_637, %ne3A_632 : i1
      %add3A_639 = arith.addi %rem3A_630, %select_n3A_629 : i32
      %select_n3A_640 = arith.select %and3A_638, %add3A_639, %rem3A_630 : i32
      %mul3A_641 = arith.constant 64 : i32
      %mul3A_642 = arith.muli %select_n3A_640, %mul3A_641 : i32
      %dma_wait3A_643 = arith.constant 2 : i32
      %dma_wait3A_644 = arith.constant 2 : i32
      %dma_wait3A_645 = arith.constant 0 : i32
      %dma_wait3A_646 = arith.constant 0 : i32
      %dma_wait3A_647 = tpu.memref_slice %arg6[%dma_wait3A_643, %dma_wait3A_645, %dma_wait3A_646] : memref<10x64x128xf32, #tpu.memory_space<vmem>> -> memref<1x64x128xf32, #tpu.memory_space<vmem>>
      %dma_wait3A_648 = tpu.memref_squeeze %dma_wait3A_647 : memref<1x64x128xf32, #tpu.memory_space<vmem>> -> memref<64x128xf32, #tpu.memory_space<vmem>>
      %dma_wait3A_649 = tpu.memref_slice %arg5[%select_n3A_624, %mul3A_642] : memref<50x128xi32, #tpu.memory_space<vmem>> -> memref<1x64xi32, #tpu.memory_space<vmem>>
      %dma_wait3A_650 = tpu.memref_squeeze %dma_wait3A_649 : memref<1x64xi32, #tpu.memory_space<vmem>> -> memref<64xi32, #tpu.memory_space<vmem>>
      %dma_wait3A_651 = arith.constant 0 : i32
      %dma_wait3A_652 = arith.constant 0 : i32
      %dma_wait3A_653 = tpu.memref_slice %arg3[%dma_wait3A_651, %dma_wait3A_652] : memref<100000x128xf32, #tpu.memory_space<hbm>> -> memref<100000x128xf32, #tpu.memory_space<hbm>>
      %dma_wait3A_654 = tpu.memref_slice %arg7[%dma_wait3A_644] : memref<10x!tpu.dma_semaphore, #tpu.memory_space<semaphore_mem>> -> memref<1x!tpu.dma_semaphore, #tpu.memory_space<semaphore_mem>>
      %dma_wait3A_655 = tpu.memref_squeeze %dma_wait3A_654 : memref<1x!tpu.dma_semaphore, #tpu.memory_space<semaphore_mem>> -> memref<!tpu.dma_semaphore, #tpu.memory_space<semaphore_mem>>
      tpu.wait_indirect_dma semaphore(%dma_wait3A_655 : memref<!tpu.dma_semaphore, #tpu.memory_space<semaphore_mem>>) src(%dma_wait3A_653 : memref<100000x128xf32, #tpu.memory_space<hbm>>) dst(%dma_wait3A_648 : memref<64x128xf32, #tpu.memory_space<vmem>>)
      %add3A_656 = arith.constant 2 : i32
      %add3A_657 = arith.addi %mul3A_368, %add3A_656 : i32
      %jit3A_658 = arith.constant 2 : i32
      %div3A_659 = arith.divsi %add3A_657, %jit3A_658 : i32
      %sign3A_660 = arith.constant 0 : i32
      %sign3A_661 = arith.cmpi sgt, %add3A_657, %sign3A_660 : i32
      %sign3A_662 = arith.extui %sign3A_661 : i1 to i32
      %sign3A_663 = arith.constant 0 : i32
      %sign3A_664 = arith.cmpi slt, %add3A_657, %sign3A_663 : i32
      %sign3A_665 = arith.extui %sign3A_664 : i1 to i32
      %sign3A_666 = arith.subi %sign3A_662, %sign3A_665 : i32
      %sign3A_667 = arith.constant 0 : i32
      %sign3A_668 = arith.cmpi sgt, %jit3A_658, %sign3A_667 : i32
      %sign3A_669 = arith.extui %sign3A_668 : i1 to i32
      %sign3A_670 = arith.constant 0 : i32
      %sign3A_671 = arith.cmpi slt, %jit3A_658, %sign3A_670 : i32
      %sign3A_672 = arith.extui %sign3A_671 : i1 to i32
      %sign3A_673 = arith.subi %sign3A_669, %sign3A_672 : i32
      %ne3A_674 = arith.cmpi ne, %sign3A_666, %sign3A_673 : i32
      %rem3A_675 = arith.remsi %add3A_657, %jit3A_658 : i32
      %ne3A_676 = arith.constant 0 : i32
      %ne3A_677 = arith.cmpi ne, %rem3A_675, %ne3A_676 : i32
      %and3A_678 = arith.andi %ne3A_674, %ne3A_677 : i1
      %sub3A_679 = arith.constant 1 : i32
      %sub3A_680 = arith.subi %div3A_659, %sub3A_679 : i32
      %select_n3A_681 = arith.select %and3A_678, %sub3A_680, %div3A_659 : i32
      %jit3A_682 = arith.constant 2 : i32
      %eq3A_683 = arith.constant 0 : i32
      %eq3A_684 = arith.cmpi eq, %jit3A_682, %eq3A_683 : i32
      %jit3A_685 = arith.constant 1 : i32
      %select_n3A_686 = arith.select %eq3A_684, %jit3A_685, %jit3A_682 : i32
      %rem3A_687 = arith.remsi %add3A_657, %select_n3A_686 : i32
      %ne3A_688 = arith.constant 0 : i32
      %ne3A_689 = arith.cmpi ne, %rem3A_687, %ne3A_688 : i32
      %lt3A_690 = arith.constant 0 : i32
      %lt3A_691 = arith.cmpi slt, %rem3A_687, %lt3A_690 : i32
      %lt3A_692 = arith.constant 0 : i32
      %lt3A_693 = arith.cmpi slt, %select_n3A_686, %lt3A_692 : i32
      %ne3A_694 = arith.xori %lt3A_691, %lt3A_693 : i1
      %and3A_695 = arith.andi %ne3A_694, %ne3A_689 : i1
      %add3A_696 = arith.addi %rem3A_687, %select_n3A_686 : i32
      %select_n3A_697 = arith.select %and3A_695, %add3A_696, %rem3A_687 : i32
      %mul3A_698 = arith.constant 64 : i32
      %mul3A_699 = arith.muli %select_n3A_697, %mul3A_698 : i32
      %add3A_700 = arith.addi %mul3A_2, %mul3A_699 : i32
      %dma_start3A_701 = arith.constant 2 : i32
      %dma_start3A_702 = arith.constant 2 : i32
      %dma_start3A_703 = arith.constant 0 : i32
      %dma_start3A_704 = arith.constant 0 : i32
      %dma_start3A_705 = tpu.memref_slice %arg6[%dma_start3A_701, %dma_start3A_703, %dma_start3A_704] : memref<10x64x128xf32, #tpu.memory_space<vmem>> -> memref<1x64x128xf32, #tpu.memory_space<vmem>>
      %dma_start3A_706 = tpu.memref_squeeze %dma_start3A_705 : memref<1x64x128xf32, #tpu.memory_space<vmem>> -> memref<64x128xf32, #tpu.memory_space<vmem>>
      %dma_start3A_707 = arith.constant 0 : i32
      %dma_start3A_708 = tpu.memref_slice %arg4[%select_n3A_681, %add3A_700, %dma_start3A_707] : memref<50x4096x128xf32, #tpu.memory_space<hbm>> -> memref<1x64x128xf32, #tpu.memory_space<hbm>>
      %dma_start3A_709 = tpu.memref_squeeze %dma_start3A_708 : memref<1x64x128xf32, #tpu.memory_space<hbm>> -> memref<64x128xf32, #tpu.memory_space<hbm>>
      %dma_start3A_710 = tpu.memref_slice %arg8[%dma_start3A_702] : memref<10x!tpu.dma_semaphore, #tpu.memory_space<semaphore_mem>> -> memref<1x!tpu.dma_semaphore, #tpu.memory_space<semaphore_mem>>
      %dma_start3A_711 = tpu.memref_squeeze %dma_start3A_710 : memref<1x!tpu.dma_semaphore, #tpu.memory_space<semaphore_mem>> -> memref<!tpu.dma_semaphore, #tpu.memory_space<semaphore_mem>>
      %dma_start3A_712 = arith.constant 0 : i32
      %dma_start3A_713 = tpu.memref_slice %arg4[%select_n3A_681, %add3A_700, %dma_start3A_712] : memref<50x4096x128xf32, #tpu.memory_space<hbm>> -> memref<1x64x128xf32, #tpu.memory_space<hbm>>
      %dma_start3A_714 = tpu.memref_squeeze %dma_start3A_713 : memref<1x64x128xf32, #tpu.memory_space<hbm>> -> memref<64x128xf32, #tpu.memory_space<hbm>>
      %dma_start3A_715 = arith.constant 0 : i32
      %dma_start3A_716 = arith.constant 0 : i32
      %dma_start3A_717 = tpu.memref_slice %arg6[%dma_start3A_701, %dma_start3A_715, %dma_start3A_716] : memref<10x64x128xf32, #tpu.memory_space<vmem>> -> memref<1x64x128xf32, #tpu.memory_space<vmem>>
      %dma_start3A_718 = tpu.memref_squeeze %dma_start3A_717 : memref<1x64x128xf32, #tpu.memory_space<vmem>> -> memref<64x128xf32, #tpu.memory_space<vmem>>
      tpu.enqueue_dma source(%dma_start3A_718 : memref<64x128xf32, #tpu.memory_space<vmem>>) target(%dma_start3A_714 : memref<64x128xf32, #tpu.memory_space<hbm>>) target_semaphore(%dma_start3A_711 : memref<!tpu.dma_semaphore, #tpu.memory_space<semaphore_mem>>)
      %add3A_719 = arith.constant 3 : i32
      %add3A_720 = arith.addi %mul3A_368, %add3A_719 : i32
      %jit3A_721 = arith.constant 2 : i32
      %div3A_722 = arith.divsi %add3A_720, %jit3A_721 : i32
      %sign3A_723 = arith.constant 0 : i32
      %sign3A_724 = arith.cmpi sgt, %add3A_720, %sign3A_723 : i32
      %sign3A_725 = arith.extui %sign3A_724 : i1 to i32
      %sign3A_726 = arith.constant 0 : i32
      %sign3A_727 = arith.cmpi slt, %add3A_720, %sign3A_726 : i32
      %sign3A_728 = arith.extui %sign3A_727 : i1 to i32
      %sign3A_729 = arith.subi %sign3A_725, %sign3A_728 : i32
      %sign3A_730 = arith.constant 0 : i32
      %sign3A_731 = arith.cmpi sgt, %jit3A_721, %sign3A_730 : i32
      %sign3A_732 = arith.extui %sign3A_731 : i1 to i32
      %sign3A_733 = arith.constant 0 : i32
      %sign3A_734 = arith.cmpi slt, %jit3A_721, %sign3A_733 : i32
      %sign3A_735 = arith.extui %sign3A_734 : i1 to i32
      %sign3A_736 = arith.subi %sign3A_732, %sign3A_735 : i32
      %ne3A_737 = arith.cmpi ne, %sign3A_729, %sign3A_736 : i32
      %rem3A_738 = arith.remsi %add3A_720, %jit3A_721 : i32
      %ne3A_739 = arith.constant 0 : i32
      %ne3A_740 = arith.cmpi ne, %rem3A_738, %ne3A_739 : i32
      %and3A_741 = arith.andi %ne3A_737, %ne3A_740 : i1
      %sub3A_742 = arith.constant 1 : i32
      %sub3A_743 = arith.subi %div3A_722, %sub3A_742 : i32
      %select_n3A_744 = arith.select %and3A_741, %sub3A_743, %div3A_722 : i32
      %jit3A_745 = arith.constant 2 : i32
      %eq3A_746 = arith.constant 0 : i32
      %eq3A_747 = arith.cmpi eq, %jit3A_745, %eq3A_746 : i32
      %jit3A_748 = arith.constant 1 : i32
      %select_n3A_749 = arith.select %eq3A_747, %jit3A_748, %jit3A_745 : i32
      %rem3A_750 = arith.remsi %add3A_720, %select_n3A_749 : i32
      %ne3A_751 = arith.constant 0 : i32
      %ne3A_752 = arith.cmpi ne, %rem3A_750, %ne3A_751 : i32
      %lt3A_753 = arith.constant 0 : i32
      %lt3A_754 = arith.cmpi slt, %rem3A_750, %lt3A_753 : i32
      %lt3A_755 = arith.constant 0 : i32
      %lt3A_756 = arith.cmpi slt, %select_n3A_749, %lt3A_755 : i32
      %ne3A_757 = arith.xori %lt3A_754, %lt3A_756 : i1
      %and3A_758 = arith.andi %ne3A_757, %ne3A_752 : i1
      %add3A_759 = arith.addi %rem3A_750, %select_n3A_749 : i32
      %select_n3A_760 = arith.select %and3A_758, %add3A_759, %rem3A_750 : i32
      %mul3A_761 = arith.constant 64 : i32
      %mul3A_762 = arith.muli %select_n3A_760, %mul3A_761 : i32
      %dma_wait3A_763 = arith.constant 3 : i32
      %dma_wait3A_764 = arith.constant 3 : i32
      %dma_wait3A_765 = arith.constant 0 : i32
      %dma_wait3A_766 = arith.constant 0 : i32
      %dma_wait3A_767 = tpu.memref_slice %arg6[%dma_wait3A_763, %dma_wait3A_765, %dma_wait3A_766] : memref<10x64x128xf32, #tpu.memory_space<vmem>> -> memref<1x64x128xf32, #tpu.memory_space<vmem>>
      %dma_wait3A_768 = tpu.memref_squeeze %dma_wait3A_767 : memref<1x64x128xf32, #tpu.memory_space<vmem>> -> memref<64x128xf32, #tpu.memory_space<vmem>>
      %dma_wait3A_769 = tpu.memref_slice %arg5[%select_n3A_744, %mul3A_762] : memref<50x128xi32, #tpu.memory_space<vmem>> -> memref<1x64xi32, #tpu.memory_space<vmem>>
      %dma_wait3A_770 = tpu.memref_squeeze %dma_wait3A_769 : memref<1x64xi32, #tpu.memory_space<vmem>> -> memref<64xi32, #tpu.memory_space<vmem>>
      %dma_wait3A_771 = arith.constant 0 : i32
      %dma_wait3A_772 = arith.constant 0 : i32
      %dma_wait3A_773 = tpu.memref_slice %arg3[%dma_wait3A_771, %dma_wait3A_772] : memref<100000x128xf32, #tpu.memory_space<hbm>> -> memref<100000x128xf32, #tpu.memory_space<hbm>>
      %dma_wait3A_774 = tpu.memref_slice %arg7[%dma_wait3A_764] : memref<10x!tpu.dma_semaphore, #tpu.memory_space<semaphore_mem>> -> memref<1x!tpu.dma_semaphore, #tpu.memory_space<semaphore_mem>>
      %dma_wait3A_775 = tpu.memref_squeeze %dma_wait3A_774 : memref<1x!tpu.dma_semaphore, #tpu.memory_space<semaphore_mem>> -> memref<!tpu.dma_semaphore, #tpu.memory_space<semaphore_mem>>
      tpu.wait_indirect_dma semaphore(%dma_wait3A_775 : memref<!tpu.dma_semaphore, #tpu.memory_space<semaphore_mem>>) src(%dma_wait3A_773 : memref<100000x128xf32, #tpu.memory_space<hbm>>) dst(%dma_wait3A_768 : memref<64x128xf32, #tpu.memory_space<vmem>>)
      %add3A_776 = arith.constant 3 : i32
      %add3A_777 = arith.addi %mul3A_368, %add3A_776 : i32
      %jit3A_778 = arith.constant 2 : i32
      %div3A_779 = arith.divsi %add3A_777, %jit3A_778 : i32
      %sign3A_780 = arith.constant 0 : i32
      %sign3A_781 = arith.cmpi sgt, %add3A_777, %sign3A_780 : i32
      %sign3A_782 = arith.extui %sign3A_781 : i1 to i32
      %sign3A_783 = arith.constant 0 : i32
      %sign3A_784 = arith.cmpi slt, %add3A_777, %sign3A_783 : i32
      %sign3A_785 = arith.extui %sign3A_784 : i1 to i32
      %sign3A_786 = arith.subi %sign3A_782, %sign3A_785 : i32
      %sign3A_787 = arith.constant 0 : i32
      %sign3A_788 = arith.cmpi sgt, %jit3A_778, %sign3A_787 : i32
      %sign3A_789 = arith.extui %sign3A_788 : i1 to i32
      %sign3A_790 = arith.constant 0 : i32
      %sign3A_791 = arith.cmpi slt, %jit3A_778, %sign3A_790 : i32
      %sign3A_792 = arith.extui %sign3A_791 : i1 to i32
      %sign3A_793 = arith.subi %sign3A_789, %sign3A_792 : i32
      %ne3A_794 = arith.cmpi ne, %sign3A_786, %sign3A_793 : i32
      %rem3A_795 = arith.remsi %add3A_777, %jit3A_778 : i32
      %ne3A_796 = arith.constant 0 : i32
      %ne3A_797 = arith.cmpi ne, %rem3A_795, %ne3A_796 : i32
      %and3A_798 = arith.andi %ne3A_794, %ne3A_797 : i1
      %sub3A_799 = arith.constant 1 : i32
      %sub3A_800 = arith.subi %div3A_779, %sub3A_799 : i32
      %select_n3A_801 = arith.select %and3A_798, %sub3A_800, %div3A_779 : i32
      %jit3A_802 = arith.constant 2 : i32
      %eq3A_803 = arith.constant 0 : i32
      %eq3A_804 = arith.cmpi eq, %jit3A_802, %eq3A_803 : i32
      %jit3A_805 = arith.constant 1 : i32
      %select_n3A_806 = arith.select %eq3A_804, %jit3A_805, %jit3A_802 : i32
      %rem3A_807 = arith.remsi %add3A_777, %select_n3A_806 : i32
      %ne3A_808 = arith.constant 0 : i32
      %ne3A_809 = arith.cmpi ne, %rem3A_807, %ne3A_808 : i32
      %lt3A_810 = arith.constant 0 : i32
      %lt3A_811 = arith.cmpi slt, %rem3A_807, %lt3A_810 : i32
      %lt3A_812 = arith.constant 0 : i32
      %lt3A_813 = arith.cmpi slt, %select_n3A_806, %lt3A_812 : i32
      %ne3A_814 = arith.xori %lt3A_811, %lt3A_813 : i1
      %and3A_815 = arith.andi %ne3A_814, %ne3A_809 : i1
      %add3A_816 = arith.addi %rem3A_807, %select_n3A_806 : i32
      %select_n3A_817 = arith.select %and3A_815, %add3A_816, %rem3A_807 : i32
      %mul3A_818 = arith.constant 64 : i32
      %mul3A_819 = arith.muli %select_n3A_817, %mul3A_818 : i32
      %add3A_820 = arith.addi %mul3A_2, %mul3A_819 : i32
      %dma_start3A_821 = arith.constant 3 : i32
      %dma_start3A_822 = arith.constant 3 : i32
      %dma_start3A_823 = arith.constant 0 : i32
      %dma_start3A_824 = arith.constant 0 : i32
      %dma_start3A_825 = tpu.memref_slice %arg6[%dma_start3A_821, %dma_start3A_823, %dma_start3A_824] : memref<10x64x128xf32, #tpu.memory_space<vmem>> -> memref<1x64x128xf32, #tpu.memory_space<vmem>>
      %dma_start3A_826 = tpu.memref_squeeze %dma_start3A_825 : memref<1x64x128xf32, #tpu.memory_space<vmem>> -> memref<64x128xf32, #tpu.memory_space<vmem>>
      %dma_start3A_827 = arith.constant 0 : i32
      %dma_start3A_828 = tpu.memref_slice %arg4[%select_n3A_801, %add3A_820, %dma_start3A_827] : memref<50x4096x128xf32, #tpu.memory_space<hbm>> -> memref<1x64x128xf32, #tpu.memory_space<hbm>>
      %dma_start3A_829 = tpu.memref_squeeze %dma_start3A_828 : memref<1x64x128xf32, #tpu.memory_space<hbm>> -> memref<64x128xf32, #tpu.memory_space<hbm>>
      %dma_start3A_830 = tpu.memref_slice %arg8[%dma_start3A_822] : memref<10x!tpu.dma_semaphore, #tpu.memory_space<semaphore_mem>> -> memref<1x!tpu.dma_semaphore, #tpu.memory_space<semaphore_mem>>
      %dma_start3A_831 = tpu.memref_squeeze %dma_start3A_830 : memref<1x!tpu.dma_semaphore, #tpu.memory_space<semaphore_mem>> -> memref<!tpu.dma_semaphore, #tpu.memory_space<semaphore_mem>>
      %dma_start3A_832 = arith.constant 0 : i32
      %dma_start3A_833 = tpu.memref_slice %arg4[%select_n3A_801, %add3A_820, %dma_start3A_832] : memref<50x4096x128xf32, #tpu.memory_space<hbm>> -> memref<1x64x128xf32, #tpu.memory_space<hbm>>
      %dma_start3A_834 = tpu.memref_squeeze %dma_start3A_833 : memref<1x64x128xf32, #tpu.memory_space<hbm>> -> memref<64x128xf32, #tpu.memory_space<hbm>>
      %dma_start3A_835 = arith.constant 0 : i32
      %dma_start3A_836 = arith.constant 0 : i32
      %dma_start3A_837 = tpu.memref_slice %arg6[%dma_start3A_821, %dma_start3A_835, %dma_start3A_836] : memref<10x64x128xf32, #tpu.memory_space<vmem>> -> memref<1x64x128xf32, #tpu.memory_space<vmem>>
      %dma_start3A_838 = tpu.memref_squeeze %dma_start3A_837 : memref<1x64x128xf32, #tpu.memory_space<vmem>> -> memref<64x128xf32, #tpu.memory_space<vmem>>
      tpu.enqueue_dma source(%dma_start3A_838 : memref<64x128xf32, #tpu.memory_space<vmem>>) target(%dma_start3A_834 : memref<64x128xf32, #tpu.memory_space<hbm>>) target_semaphore(%dma_start3A_831 : memref<!tpu.dma_semaphore, #tpu.memory_space<semaphore_mem>>)
      %add3A_839 = arith.constant 4 : i32
      %add3A_840 = arith.addi %mul3A_368, %add3A_839 : i32
      %jit3A_841 = arith.constant 2 : i32
      %div3A_842 = arith.divsi %add3A_840, %jit3A_841 : i32
      %sign3A_843 = arith.constant 0 : i32
      %sign3A_844 = arith.cmpi sgt, %add3A_840, %sign3A_843 : i32
      %sign3A_845 = arith.extui %sign3A_844 : i1 to i32
      %sign3A_846 = arith.constant 0 : i32
      %sign3A_847 = arith.cmpi slt, %add3A_840, %sign3A_846 : i32
      %sign3A_848 = arith.extui %sign3A_847 : i1 to i32
      %sign3A_849 = arith.subi %sign3A_845, %sign3A_848 : i32
      %sign3A_850 = arith.constant 0 : i32
      %sign3A_851 = arith.cmpi sgt, %jit3A_841, %sign3A_850 : i32
      %sign3A_852 = arith.extui %sign3A_851 : i1 to i32
      %sign3A_853 = arith.constant 0 : i32
      %sign3A_854 = arith.cmpi slt, %jit3A_841, %sign3A_853 : i32
      %sign3A_855 = arith.extui %sign3A_854 : i1 to i32
      %sign3A_856 = arith.subi %sign3A_852, %sign3A_855 : i32
      %ne3A_857 = arith.cmpi ne, %sign3A_849, %sign3A_856 : i32
      %rem3A_858 = arith.remsi %add3A_840, %jit3A_841 : i32
      %ne3A_859 = arith.constant 0 : i32
      %ne3A_860 = arith.cmpi ne, %rem3A_858, %ne3A_859 : i32
      %and3A_861 = arith.andi %ne3A_857, %ne3A_860 : i1
      %sub3A_862 = arith.constant 1 : i32
      %sub3A_863 = arith.subi %div3A_842, %sub3A_862 : i32
      %select_n3A_864 = arith.select %and3A_861, %sub3A_863, %div3A_842 : i32
      %jit3A_865 = arith.constant 2 : i32
      %eq3A_866 = arith.constant 0 : i32
      %eq3A_867 = arith.cmpi eq, %jit3A_865, %eq3A_866 : i32
      %jit3A_868 = arith.constant 1 : i32
      %select_n3A_869 = arith.select %eq3A_867, %jit3A_868, %jit3A_865 : i32
      %rem3A_870 = arith.remsi %add3A_840, %select_n3A_869 : i32
      %ne3A_871 = arith.constant 0 : i32
      %ne3A_872 = arith.cmpi ne, %rem3A_870, %ne3A_871 : i32
      %lt3A_873 = arith.constant 0 : i32
      %lt3A_874 = arith.cmpi slt, %rem3A_870, %lt3A_873 : i32
      %lt3A_875 = arith.constant 0 : i32
      %lt3A_876 = arith.cmpi slt, %select_n3A_869, %lt3A_875 : i32
      %ne3A_877 = arith.xori %lt3A_874, %lt3A_876 : i1
      %and3A_878 = arith.andi %ne3A_877, %ne3A_872 : i1
      %add3A_879 = arith.addi %rem3A_870, %select_n3A_869 : i32
      %select_n3A_880 = arith.select %and3A_878, %add3A_879, %rem3A_870 : i32
      %mul3A_881 = arith.constant 64 : i32
      %mul3A_882 = arith.muli %select_n3A_880, %mul3A_881 : i32
      %dma_wait3A_883 = arith.constant 4 : i32
      %dma_wait3A_884 = arith.constant 4 : i32
      %dma_wait3A_885 = arith.constant 0 : i32
      %dma_wait3A_886 = arith.constant 0 : i32
      %dma_wait3A_887 = tpu.memref_slice %arg6[%dma_wait3A_883, %dma_wait3A_885, %dma_wait3A_886] : memref<10x64x128xf32, #tpu.memory_space<vmem>> -> memref<1x64x128xf32, #tpu.memory_space<vmem>>
      %dma_wait3A_888 = tpu.memref_squeeze %dma_wait3A_887 : memref<1x64x128xf32, #tpu.memory_space<vmem>> -> memref<64x128xf32, #tpu.memory_space<vmem>>
      %dma_wait3A_889 = tpu.memref_slice %arg5[%select_n3A_864, %mul3A_882] : memref<50x128xi32, #tpu.memory_space<vmem>> -> memref<1x64xi32, #tpu.memory_space<vmem>>
      %dma_wait3A_890 = tpu.memref_squeeze %dma_wait3A_889 : memref<1x64xi32, #tpu.memory_space<vmem>> -> memref<64xi32, #tpu.memory_space<vmem>>
      %dma_wait3A_891 = arith.constant 0 : i32
      %dma_wait3A_892 = arith.constant 0 : i32
      %dma_wait3A_893 = tpu.memref_slice %arg3[%dma_wait3A_891, %dma_wait3A_892] : memref<100000x128xf32, #tpu.memory_space<hbm>> -> memref<100000x128xf32, #tpu.memory_space<hbm>>
      %dma_wait3A_894 = tpu.memref_slice %arg7[%dma_wait3A_884] : memref<10x!tpu.dma_semaphore, #tpu.memory_space<semaphore_mem>> -> memref<1x!tpu.dma_semaphore, #tpu.memory_space<semaphore_mem>>
      %dma_wait3A_895 = tpu.memref_squeeze %dma_wait3A_894 : memref<1x!tpu.dma_semaphore, #tpu.memory_space<semaphore_mem>> -> memref<!tpu.dma_semaphore, #tpu.memory_space<semaphore_mem>>
      tpu.wait_indirect_dma semaphore(%dma_wait3A_895 : memref<!tpu.dma_semaphore, #tpu.memory_space<semaphore_mem>>) src(%dma_wait3A_893 : memref<100000x128xf32, #tpu.memory_space<hbm>>) dst(%dma_wait3A_888 : memref<64x128xf32, #tpu.memory_space<vmem>>)
      %add3A_896 = arith.constant 4 : i32
      %add3A_897 = arith.addi %mul3A_368, %add3A_896 : i32
      %jit3A_898 = arith.constant 2 : i32
      %div3A_899 = arith.divsi %add3A_897, %jit3A_898 : i32
      %sign3A_900 = arith.constant 0 : i32
      %sign3A_901 = arith.cmpi sgt, %add3A_897, %sign3A_900 : i32
      %sign3A_902 = arith.extui %sign3A_901 : i1 to i32
      %sign3A_903 = arith.constant 0 : i32
      %sign3A_904 = arith.cmpi slt, %add3A_897, %sign3A_903 : i32
      %sign3A_905 = arith.extui %sign3A_904 : i1 to i32
      %sign3A_906 = arith.subi %sign3A_902, %sign3A_905 : i32
      %sign3A_907 = arith.constant 0 : i32
      %sign3A_908 = arith.cmpi sgt, %jit3A_898, %sign3A_907 : i32
      %sign3A_909 = arith.extui %sign3A_908 : i1 to i32
      %sign3A_910 = arith.constant 0 : i32
      %sign3A_911 = arith.cmpi slt, %jit3A_898, %sign3A_910 : i32
      %sign3A_912 = arith.extui %sign3A_911 : i1 to i32
      %sign3A_913 = arith.subi %sign3A_909, %sign3A_912 : i32
      %ne3A_914 = arith.cmpi ne, %sign3A_906, %sign3A_913 : i32
      %rem3A_915 = arith.remsi %add3A_897, %jit3A_898 : i32
      %ne3A_916 = arith.constant 0 : i32
      %ne3A_917 = arith.cmpi ne, %rem3A_915, %ne3A_916 : i32
      %and3A_918 = arith.andi %ne3A_914, %ne3A_917 : i1
      %sub3A_919 = arith.constant 1 : i32
      %sub3A_920 = arith.subi %div3A_899, %sub3A_919 : i32
      %select_n3A_921 = arith.select %and3A_918, %sub3A_920, %div3A_899 : i32
      %jit3A_922 = arith.constant 2 : i32
      %eq3A_923 = arith.constant 0 : i32
      %eq3A_924 = arith.cmpi eq, %jit3A_922, %eq3A_923 : i32
      %jit3A_925 = arith.constant 1 : i32
      %select_n3A_926 = arith.select %eq3A_924, %jit3A_925, %jit3A_922 : i32
      %rem3A_927 = arith.remsi %add3A_897, %select_n3A_926 : i32
      %ne3A_928 = arith.constant 0 : i32
      %ne3A_929 = arith.cmpi ne, %rem3A_927, %ne3A_928 : i32
      %lt3A_930 = arith.constant 0 : i32
      %lt3A_931 = arith.cmpi slt, %rem3A_927, %lt3A_930 : i32
      %lt3A_932 = arith.constant 0 : i32
      %lt3A_933 = arith.cmpi slt, %select_n3A_926, %lt3A_932 : i32
      %ne3A_934 = arith.xori %lt3A_931, %lt3A_933 : i1
      %and3A_935 = arith.andi %ne3A_934, %ne3A_929 : i1
      %add3A_936 = arith.addi %rem3A_927, %select_n3A_926 : i32
      %select_n3A_937 = arith.select %and3A_935, %add3A_936, %rem3A_927 : i32
      %mul3A_938 = arith.constant 64 : i32
      %mul3A_939 = arith.muli %select_n3A_937, %mul3A_938 : i32
      %add3A_940 = arith.addi %mul3A_2, %mul3A_939 : i32
      %dma_start3A_941 = arith.constant 4 : i32
      %dma_start3A_942 = arith.constant 4 : i32
      %dma_start3A_943 = arith.constant 0 : i32
      %dma_start3A_944 = arith.constant 0 : i32
      %dma_start3A_945 = tpu.memref_slice %arg6[%dma_start3A_941, %dma_start3A_943, %dma_start3A_944] : memref<10x64x128xf32, #tpu.memory_space<vmem>> -> memref<1x64x128xf32, #tpu.memory_space<vmem>>
      %dma_start3A_946 = tpu.memref_squeeze %dma_start3A_945 : memref<1x64x128xf32, #tpu.memory_space<vmem>> -> memref<64x128xf32, #tpu.memory_space<vmem>>
      %dma_start3A_947 = arith.constant 0 : i32
      %dma_start3A_948 = tpu.memref_slice %arg4[%select_n3A_921, %add3A_940, %dma_start3A_947] : memref<50x4096x128xf32, #tpu.memory_space<hbm>> -> memref<1x64x128xf32, #tpu.memory_space<hbm>>
      %dma_start3A_949 = tpu.memref_squeeze %dma_start3A_948 : memref<1x64x128xf32, #tpu.memory_space<hbm>> -> memref<64x128xf32, #tpu.memory_space<hbm>>
      %dma_start3A_950 = tpu.memref_slice %arg8[%dma_start3A_942] : memref<10x!tpu.dma_semaphore, #tpu.memory_space<semaphore_mem>> -> memref<1x!tpu.dma_semaphore, #tpu.memory_space<semaphore_mem>>
      %dma_start3A_951 = tpu.memref_squeeze %dma_start3A_950 : memref<1x!tpu.dma_semaphore, #tpu.memory_space<semaphore_mem>> -> memref<!tpu.dma_semaphore, #tpu.memory_space<semaphore_mem>>
      %dma_start3A_952 = arith.constant 0 : i32
      %dma_start3A_953 = tpu.memref_slice %arg4[%select_n3A_921, %add3A_940, %dma_start3A_952] : memref<50x4096x128xf32, #tpu.memory_space<hbm>> -> memref<1x64x128xf32, #tpu.memory_space<hbm>>
      %dma_start3A_954 = tpu.memref_squeeze %dma_start3A_953 : memref<1x64x128xf32, #tpu.memory_space<hbm>> -> memref<64x128xf32, #tpu.memory_space<hbm>>
      %dma_start3A_955 = arith.constant 0 : i32
      %dma_start3A_956 = arith.constant 0 : i32
      %dma_start3A_957 = tpu.memref_slice %arg6[%dma_start3A_941, %dma_start3A_955, %dma_start3A_956] : memref<10x64x128xf32, #tpu.memory_space<vmem>> -> memref<1x64x128xf32, #tpu.memory_space<vmem>>
      %dma_start3A_958 = tpu.memref_squeeze %dma_start3A_957 : memref<1x64x128xf32, #tpu.memory_space<vmem>> -> memref<64x128xf32, #tpu.memory_space<vmem>>
      tpu.enqueue_dma source(%dma_start3A_958 : memref<64x128xf32, #tpu.memory_space<vmem>>) target(%dma_start3A_954 : memref<64x128xf32, #tpu.memory_space<hbm>>) target_semaphore(%dma_start3A_951 : memref<!tpu.dma_semaphore, #tpu.memory_space<semaphore_mem>>)
      %add3A_959 = arith.constant 5 : i32
      %add3A_960 = arith.addi %mul3A_368, %add3A_959 : i32
      %jit3A_961 = arith.constant 2 : i32
      %div3A_962 = arith.divsi %add3A_960, %jit3A_961 : i32
      %sign3A_963 = arith.constant 0 : i32
      %sign3A_964 = arith.cmpi sgt, %add3A_960, %sign3A_963 : i32
      %sign3A_965 = arith.extui %sign3A_964 : i1 to i32
      %sign3A_966 = arith.constant 0 : i32
      %sign3A_967 = arith.cmpi slt, %add3A_960, %sign3A_966 : i32
      %sign3A_968 = arith.extui %sign3A_967 : i1 to i32
      %sign3A_969 = arith.subi %sign3A_965, %sign3A_968 : i32
      %sign3A_970 = arith.constant 0 : i32
      %sign3A_971 = arith.cmpi sgt, %jit3A_961, %sign3A_970 : i32
      %sign3A_972 = arith.extui %sign3A_971 : i1 to i32
      %sign3A_973 = arith.constant 0 : i32
      %sign3A_974 = arith.cmpi slt, %jit3A_961, %sign3A_973 : i32
      %sign3A_975 = arith.extui %sign3A_974 : i1 to i32
      %sign3A_976 = arith.subi %sign3A_972, %sign3A_975 : i32
      %ne3A_977 = arith.cmpi ne, %sign3A_969, %sign3A_976 : i32
      %rem3A_978 = arith.remsi %add3A_960, %jit3A_961 : i32
      %ne3A_979 = arith.constant 0 : i32
      %ne3A_980 = arith.cmpi ne, %rem3A_978, %ne3A_979 : i32
      %and3A_981 = arith.andi %ne3A_977, %ne3A_980 : i1
      %sub3A_982 = arith.constant 1 : i32
      %sub3A_983 = arith.subi %div3A_962, %sub3A_982 : i32
      %select_n3A_984 = arith.select %and3A_981, %sub3A_983, %div3A_962 : i32
      %jit3A_985 = arith.constant 2 : i32
      %eq3A_986 = arith.constant 0 : i32
      %eq3A_987 = arith.cmpi eq, %jit3A_985, %eq3A_986 : i32
      %jit3A_988 = arith.constant 1 : i32
      %select_n3A_989 = arith.select %eq3A_987, %jit3A_988, %jit3A_985 : i32
      %rem3A_990 = arith.remsi %add3A_960, %select_n3A_989 : i32
      %ne3A_991 = arith.constant 0 : i32
      %ne3A_992 = arith.cmpi ne, %rem3A_990, %ne3A_991 : i32
      %lt3A_993 = arith.constant 0 : i32
      %lt3A_994 = arith.cmpi slt, %rem3A_990, %lt3A_993 : i32
      %lt3A_995 = arith.constant 0 : i32
      %lt3A_996 = arith.cmpi slt, %select_n3A_989, %lt3A_995 : i32
      %ne3A_997 = arith.xori %lt3A_994, %lt3A_996 : i1
      %and3A_998 = arith.andi %ne3A_997, %ne3A_992 : i1
      %add3A_999 = arith.addi %rem3A_990, %select_n3A_989 : i32
      %select_n3A_1000 = arith.select %and3A_998, %add3A_999, %rem3A_990 : i32
      %mul3A_1001 = arith.constant 64 : i32
      %mul3A_1002 = arith.muli %select_n3A_1000, %mul3A_1001 : i32
      %dma_wait3A_1003 = arith.constant 5 : i32
      %dma_wait3A_1004 = arith.constant 5 : i32
      %dma_wait3A_1005 = arith.constant 0 : i32
      %dma_wait3A_1006 = arith.constant 0 : i32
      %dma_wait3A_1007 = tpu.memref_slice %arg6[%dma_wait3A_1003, %dma_wait3A_1005, %dma_wait3A_1006] : memref<10x64x128xf32, #tpu.memory_space<vmem>> -> memref<1x64x128xf32, #tpu.memory_space<vmem>>
      %dma_wait3A_1008 = tpu.memref_squeeze %dma_wait3A_1007 : memref<1x64x128xf32, #tpu.memory_space<vmem>> -> memref<64x128xf32, #tpu.memory_space<vmem>>
      %dma_wait3A_1009 = tpu.memref_slice %arg5[%select_n3A_984, %mul3A_1002] : memref<50x128xi32, #tpu.memory_space<vmem>> -> memref<1x64xi32, #tpu.memory_space<vmem>>
      %dma_wait3A_1010 = tpu.memref_squeeze %dma_wait3A_1009 : memref<1x64xi32, #tpu.memory_space<vmem>> -> memref<64xi32, #tpu.memory_space<vmem>>
      %dma_wait3A_1011 = arith.constant 0 : i32
      %dma_wait3A_1012 = arith.constant 0 : i32
      %dma_wait3A_1013 = tpu.memref_slice %arg3[%dma_wait3A_1011, %dma_wait3A_1012] : memref<100000x128xf32, #tpu.memory_space<hbm>> -> memref<100000x128xf32, #tpu.memory_space<hbm>>
      %dma_wait3A_1014 = tpu.memref_slice %arg7[%dma_wait3A_1004] : memref<10x!tpu.dma_semaphore, #tpu.memory_space<semaphore_mem>> -> memref<1x!tpu.dma_semaphore, #tpu.memory_space<semaphore_mem>>
      %dma_wait3A_1015 = tpu.memref_squeeze %dma_wait3A_1014 : memref<1x!tpu.dma_semaphore, #tpu.memory_space<semaphore_mem>> -> memref<!tpu.dma_semaphore, #tpu.memory_space<semaphore_mem>>
      tpu.wait_indirect_dma semaphore(%dma_wait3A_1015 : memref<!tpu.dma_semaphore, #tpu.memory_space<semaphore_mem>>) src(%dma_wait3A_1013 : memref<100000x128xf32, #tpu.memory_space<hbm>>) dst(%dma_wait3A_1008 : memref<64x128xf32, #tpu.memory_space<vmem>>)
      %add3A_1016 = arith.constant 5 : i32
      %add3A_1017 = arith.addi %mul3A_368, %add3A_1016 : i32
      %jit3A_1018 = arith.constant 2 : i32
      %div3A_1019 = arith.divsi %add3A_1017, %jit3A_1018 : i32
      %sign3A_1020 = arith.constant 0 : i32
      %sign3A_1021 = arith.cmpi sgt, %add3A_1017, %sign3A_1020 : i32
      %sign3A_1022 = arith.extui %sign3A_1021 : i1 to i32
      %sign3A_1023 = arith.constant 0 : i32
      %sign3A_1024 = arith.cmpi slt, %add3A_1017, %sign3A_1023 : i32
      %sign3A_1025 = arith.extui %sign3A_1024 : i1 to i32
      %sign3A_1026 = arith.subi %sign3A_1022, %sign3A_1025 : i32
      %sign3A_1027 = arith.constant 0 : i32
      %sign3A_1028 = arith.cmpi sgt, %jit3A_1018, %sign3A_1027 : i32
      %sign3A_1029 = arith.extui %sign3A_1028 : i1 to i32
      %sign3A_1030 = arith.constant 0 : i32
      %sign3A_1031 = arith.cmpi slt, %jit3A_1018, %sign3A_1030 : i32
      %sign3A_1032 = arith.extui %sign3A_1031 : i1 to i32
      %sign3A_1033 = arith.subi %sign3A_1029, %sign3A_1032 : i32
      %ne3A_1034 = arith.cmpi ne, %sign3A_1026, %sign3A_1033 : i32
      %rem3A_1035 = arith.remsi %add3A_1017, %jit3A_1018 : i32
      %ne3A_1036 = arith.constant 0 : i32
      %ne3A_1037 = arith.cmpi ne, %rem3A_1035, %ne3A_1036 : i32
      %and3A_1038 = arith.andi %ne3A_1034, %ne3A_1037 : i1
      %sub3A_1039 = arith.constant 1 : i32
      %sub3A_1040 = arith.subi %div3A_1019, %sub3A_1039 : i32
      %select_n3A_1041 = arith.select %and3A_1038, %sub3A_1040, %div3A_1019 : i32
      %jit3A_1042 = arith.constant 2 : i32
      %eq3A_1043 = arith.constant 0 : i32
      %eq3A_1044 = arith.cmpi eq, %jit3A_1042, %eq3A_1043 : i32
      %jit3A_1045 = arith.constant 1 : i32
      %select_n3A_1046 = arith.select %eq3A_1044, %jit3A_1045, %jit3A_1042 : i32
      %rem3A_1047 = arith.remsi %add3A_1017, %select_n3A_1046 : i32
      %ne3A_1048 = arith.constant 0 : i32
      %ne3A_1049 = arith.cmpi ne, %rem3A_1047, %ne3A_1048 : i32
      %lt3A_1050 = arith.constant 0 : i32
      %lt3A_1051 = arith.cmpi slt, %rem3A_1047, %lt3A_1050 : i32
      %lt3A_1052 = arith.constant 0 : i32
      %lt3A_1053 = arith.cmpi slt, %select_n3A_1046, %lt3A_1052 : i32
      %ne3A_1054 = arith.xori %lt3A_1051, %lt3A_1053 : i1
      %and3A_1055 = arith.andi %ne3A_1054, %ne3A_1049 : i1
      %add3A_1056 = arith.addi %rem3A_1047, %select_n3A_1046 : i32
      %select_n3A_1057 = arith.select %and3A_1055, %add3A_1056, %rem3A_1047 : i32
      %mul3A_1058 = arith.constant 64 : i32
      %mul3A_1059 = arith.muli %select_n3A_1057, %mul3A_1058 : i32
      %add3A_1060 = arith.addi %mul3A_2, %mul3A_1059 : i32
      %dma_start3A_1061 = arith.constant 5 : i32
      %dma_start3A_1062 = arith.constant 5 : i32
      %dma_start3A_1063 = arith.constant 0 : i32
      %dma_start3A_1064 = arith.constant 0 : i32
      %dma_start3A_1065 = tpu.memref_slice %arg6[%dma_start3A_1061, %dma_start3A_1063, %dma_start3A_1064] : memref<10x64x128xf32, #tpu.memory_space<vmem>> -> memref<1x64x128xf32, #tpu.memory_space<vmem>>
      %dma_start3A_1066 = tpu.memref_squeeze %dma_start3A_1065 : memref<1x64x128xf32, #tpu.memory_space<vmem>> -> memref<64x128xf32, #tpu.memory_space<vmem>>
      %dma_start3A_1067 = arith.constant 0 : i32
      %dma_start3A_1068 = tpu.memref_slice %arg4[%select_n3A_1041, %add3A_1060, %dma_start3A_1067] : memref<50x4096x128xf32, #tpu.memory_space<hbm>> -> memref<1x64x128xf32, #tpu.memory_space<hbm>>
      %dma_start3A_1069 = tpu.memref_squeeze %dma_start3A_1068 : memref<1x64x128xf32, #tpu.memory_space<hbm>> -> memref<64x128xf32, #tpu.memory_space<hbm>>
      %dma_start3A_1070 = tpu.memref_slice %arg8[%dma_start3A_1062] : memref<10x!tpu.dma_semaphore, #tpu.memory_space<semaphore_mem>> -> memref<1x!tpu.dma_semaphore, #tpu.memory_space<semaphore_mem>>
      %dma_start3A_1071 = tpu.memref_squeeze %dma_start3A_1070 : memref<1x!tpu.dma_semaphore, #tpu.memory_space<semaphore_mem>> -> memref<!tpu.dma_semaphore, #tpu.memory_space<semaphore_mem>>
      %dma_start3A_1072 = arith.constant 0 : i32
      %dma_start3A_1073 = tpu.memref_slice %arg4[%select_n3A_1041, %add3A_1060, %dma_start3A_1072] : memref<50x4096x128xf32, #tpu.memory_space<hbm>> -> memref<1x64x128xf32, #tpu.memory_space<hbm>>
      %dma_start3A_1074 = tpu.memref_squeeze %dma_start3A_1073 : memref<1x64x128xf32, #tpu.memory_space<hbm>> -> memref<64x128xf32, #tpu.memory_space<hbm>>
      %dma_start3A_1075 = arith.constant 0 : i32
      %dma_start3A_1076 = arith.constant 0 : i32
      %dma_start3A_1077 = tpu.memref_slice %arg6[%dma_start3A_1061, %dma_start3A_1075, %dma_start3A_1076] : memref<10x64x128xf32, #tpu.memory_space<vmem>> -> memref<1x64x128xf32, #tpu.memory_space<vmem>>
      %dma_start3A_1078 = tpu.memref_squeeze %dma_start3A_1077 : memref<1x64x128xf32, #tpu.memory_space<vmem>> -> memref<64x128xf32, #tpu.memory_space<vmem>>
      tpu.enqueue_dma source(%dma_start3A_1078 : memref<64x128xf32, #tpu.memory_space<vmem>>) target(%dma_start3A_1074 : memref<64x128xf32, #tpu.memory_space<hbm>>) target_semaphore(%dma_start3A_1071 : memref<!tpu.dma_semaphore, #tpu.memory_space<semaphore_mem>>)
      %add3A_1079 = arith.constant 6 : i32
      %add3A_1080 = arith.addi %mul3A_368, %add3A_1079 : i32
      %jit3A_1081 = arith.constant 2 : i32
      %div3A_1082 = arith.divsi %add3A_1080, %jit3A_1081 : i32
      %sign3A_1083 = arith.constant 0 : i32
      %sign3A_1084 = arith.cmpi sgt, %add3A_1080, %sign3A_1083 : i32
      %sign3A_1085 = arith.extui %sign3A_1084 : i1 to i32
      %sign3A_1086 = arith.constant 0 : i32
      %sign3A_1087 = arith.cmpi slt, %add3A_1080, %sign3A_1086 : i32
      %sign3A_1088 = arith.extui %sign3A_1087 : i1 to i32
      %sign3A_1089 = arith.subi %sign3A_1085, %sign3A_1088 : i32
      %sign3A_1090 = arith.constant 0 : i32
      %sign3A_1091 = arith.cmpi sgt, %jit3A_1081, %sign3A_1090 : i32
      %sign3A_1092 = arith.extui %sign3A_1091 : i1 to i32
      %sign3A_1093 = arith.constant 0 : i32
      %sign3A_1094 = arith.cmpi slt, %jit3A_1081, %sign3A_1093 : i32
      %sign3A_1095 = arith.extui %sign3A_1094 : i1 to i32
      %sign3A_1096 = arith.subi %sign3A_1092, %sign3A_1095 : i32
      %ne3A_1097 = arith.cmpi ne, %sign3A_1089, %sign3A_1096 : i32
      %rem3A_1098 = arith.remsi %add3A_1080, %jit3A_1081 : i32
      %ne3A_1099 = arith.constant 0 : i32
      %ne3A_1100 = arith.cmpi ne, %rem3A_1098, %ne3A_1099 : i32
      %and3A_1101 = arith.andi %ne3A_1097, %ne3A_1100 : i1
      %sub3A_1102 = arith.constant 1 : i32
      %sub3A_1103 = arith.subi %div3A_1082, %sub3A_1102 : i32
      %select_n3A_1104 = arith.select %and3A_1101, %sub3A_1103, %div3A_1082 : i32
      %jit3A_1105 = arith.constant 2 : i32
      %eq3A_1106 = arith.constant 0 : i32
      %eq3A_1107 = arith.cmpi eq, %jit3A_1105, %eq3A_1106 : i32
      %jit3A_1108 = arith.constant 1 : i32
      %select_n3A_1109 = arith.select %eq3A_1107, %jit3A_1108, %jit3A_1105 : i32
      %rem3A_1110 = arith.remsi %add3A_1080, %select_n3A_1109 : i32
      %ne3A_1111 = arith.constant 0 : i32
      %ne3A_1112 = arith.cmpi ne, %rem3A_1110, %ne3A_1111 : i32
      %lt3A_1113 = arith.constant 0 : i32
      %lt3A_1114 = arith.cmpi slt, %rem3A_1110, %lt3A_1113 : i32
      %lt3A_1115 = arith.constant 0 : i32
      %lt3A_1116 = arith.cmpi slt, %select_n3A_1109, %lt3A_1115 : i32
      %ne3A_1117 = arith.xori %lt3A_1114, %lt3A_1116 : i1
      %and3A_1118 = arith.andi %ne3A_1117, %ne3A_1112 : i1
      %add3A_1119 = arith.addi %rem3A_1110, %select_n3A_1109 : i32
      %select_n3A_1120 = arith.select %and3A_1118, %add3A_1119, %rem3A_1110 : i32
      %mul3A_1121 = arith.constant 64 : i32
      %mul3A_1122 = arith.muli %select_n3A_1120, %mul3A_1121 : i32
      %dma_wait3A_1123 = arith.constant 6 : i32
      %dma_wait3A_1124 = arith.constant 6 : i32
      %dma_wait3A_1125 = arith.constant 0 : i32
      %dma_wait3A_1126 = arith.constant 0 : i32
      %dma_wait3A_1127 = tpu.memref_slice %arg6[%dma_wait3A_1123, %dma_wait3A_1125, %dma_wait3A_1126] : memref<10x64x128xf32, #tpu.memory_space<vmem>> -> memref<1x64x128xf32, #tpu.memory_space<vmem>>
      %dma_wait3A_1128 = tpu.memref_squeeze %dma_wait3A_1127 : memref<1x64x128xf32, #tpu.memory_space<vmem>> -> memref<64x128xf32, #tpu.memory_space<vmem>>
      %dma_wait3A_1129 = tpu.memref_slice %arg5[%select_n3A_1104, %mul3A_1122] : memref<50x128xi32, #tpu.memory_space<vmem>> -> memref<1x64xi32, #tpu.memory_space<vmem>>
      %dma_wait3A_1130 = tpu.memref_squeeze %dma_wait3A_1129 : memref<1x64xi32, #tpu.memory_space<vmem>> -> memref<64xi32, #tpu.memory_space<vmem>>
      %dma_wait3A_1131 = arith.constant 0 : i32
      %dma_wait3A_1132 = arith.constant 0 : i32
      %dma_wait3A_1133 = tpu.memref_slice %arg3[%dma_wait3A_1131, %dma_wait3A_1132] : memref<100000x128xf32, #tpu.memory_space<hbm>> -> memref<100000x128xf32, #tpu.memory_space<hbm>>
      %dma_wait3A_1134 = tpu.memref_slice %arg7[%dma_wait3A_1124] : memref<10x!tpu.dma_semaphore, #tpu.memory_space<semaphore_mem>> -> memref<1x!tpu.dma_semaphore, #tpu.memory_space<semaphore_mem>>
      %dma_wait3A_1135 = tpu.memref_squeeze %dma_wait3A_1134 : memref<1x!tpu.dma_semaphore, #tpu.memory_space<semaphore_mem>> -> memref<!tpu.dma_semaphore, #tpu.memory_space<semaphore_mem>>
      tpu.wait_indirect_dma semaphore(%dma_wait3A_1135 : memref<!tpu.dma_semaphore, #tpu.memory_space<semaphore_mem>>) src(%dma_wait3A_1133 : memref<100000x128xf32, #tpu.memory_space<hbm>>) dst(%dma_wait3A_1128 : memref<64x128xf32, #tpu.memory_space<vmem>>)
      %add3A_1136 = arith.constant 6 : i32
      %add3A_1137 = arith.addi %mul3A_368, %add3A_1136 : i32
      %jit3A_1138 = arith.constant 2 : i32
      %div3A_1139 = arith.divsi %add3A_1137, %jit3A_1138 : i32
      %sign3A_1140 = arith.constant 0 : i32
      %sign3A_1141 = arith.cmpi sgt, %add3A_1137, %sign3A_1140 : i32
      %sign3A_1142 = arith.extui %sign3A_1141 : i1 to i32
      %sign3A_1143 = arith.constant 0 : i32
      %sign3A_1144 = arith.cmpi slt, %add3A_1137, %sign3A_1143 : i32
      %sign3A_1145 = arith.extui %sign3A_1144 : i1 to i32
      %sign3A_1146 = arith.subi %sign3A_1142, %sign3A_1145 : i32
      %sign3A_1147 = arith.constant 0 : i32
      %sign3A_1148 = arith.cmpi sgt, %jit3A_1138, %sign3A_1147 : i32
      %sign3A_1149 = arith.extui %sign3A_1148 : i1 to i32
      %sign3A_1150 = arith.constant 0 : i32
      %sign3A_1151 = arith.cmpi slt, %jit3A_1138, %sign3A_1150 : i32
      %sign3A_1152 = arith.extui %sign3A_1151 : i1 to i32
      %sign3A_1153 = arith.subi %sign3A_1149, %sign3A_1152 : i32
      %ne3A_1154 = arith.cmpi ne, %sign3A_1146, %sign3A_1153 : i32
      %rem3A_1155 = arith.remsi %add3A_1137, %jit3A_1138 : i32
      %ne3A_1156 = arith.constant 0 : i32
      %ne3A_1157 = arith.cmpi ne, %rem3A_1155, %ne3A_1156 : i32
      %and3A_1158 = arith.andi %ne3A_1154, %ne3A_1157 : i1
      %sub3A_1159 = arith.constant 1 : i32
      %sub3A_1160 = arith.subi %div3A_1139, %sub3A_1159 : i32
      %select_n3A_1161 = arith.select %and3A_1158, %sub3A_1160, %div3A_1139 : i32
      %jit3A_1162 = arith.constant 2 : i32
      %eq3A_1163 = arith.constant 0 : i32
      %eq3A_1164 = arith.cmpi eq, %jit3A_1162, %eq3A_1163 : i32
      %jit3A_1165 = arith.constant 1 : i32
      %select_n3A_1166 = arith.select %eq3A_1164, %jit3A_1165, %jit3A_1162 : i32
      %rem3A_1167 = arith.remsi %add3A_1137, %select_n3A_1166 : i32
      %ne3A_1168 = arith.constant 0 : i32
      %ne3A_1169 = arith.cmpi ne, %rem3A_1167, %ne3A_1168 : i32
      %lt3A_1170 = arith.constant 0 : i32
      %lt3A_1171 = arith.cmpi slt, %rem3A_1167, %lt3A_1170 : i32
      %lt3A_1172 = arith.constant 0 : i32
      %lt3A_1173 = arith.cmpi slt, %select_n3A_1166, %lt3A_1172 : i32
      %ne3A_1174 = arith.xori %lt3A_1171, %lt3A_1173 : i1
      %and3A_1175 = arith.andi %ne3A_1174, %ne3A_1169 : i1
      %add3A_1176 = arith.addi %rem3A_1167, %select_n3A_1166 : i32
      %select_n3A_1177 = arith.select %and3A_1175, %add3A_1176, %rem3A_1167 : i32
      %mul3A_1178 = arith.constant 64 : i32
      %mul3A_1179 = arith.muli %select_n3A_1177, %mul3A_1178 : i32
      %add3A_1180 = arith.addi %mul3A_2, %mul3A_1179 : i32
      %dma_start3A_1181 = arith.constant 6 : i32
      %dma_start3A_1182 = arith.constant 6 : i32
      %dma_start3A_1183 = arith.constant 0 : i32
      %dma_start3A_1184 = arith.constant 0 : i32
      %dma_start3A_1185 = tpu.memref_slice %arg6[%dma_start3A_1181, %dma_start3A_1183, %dma_start3A_1184] : memref<10x64x128xf32, #tpu.memory_space<vmem>> -> memref<1x64x128xf32, #tpu.memory_space<vmem>>
      %dma_start3A_1186 = tpu.memref_squeeze %dma_start3A_1185 : memref<1x64x128xf32, #tpu.memory_space<vmem>> -> memref<64x128xf32, #tpu.memory_space<vmem>>
      %dma_start3A_1187 = arith.constant 0 : i32
      %dma_start3A_1188 = tpu.memref_slice %arg4[%select_n3A_1161, %add3A_1180, %dma_start3A_1187] : memref<50x4096x128xf32, #tpu.memory_space<hbm>> -> memref<1x64x128xf32, #tpu.memory_space<hbm>>
      %dma_start3A_1189 = tpu.memref_squeeze %dma_start3A_1188 : memref<1x64x128xf32, #tpu.memory_space<hbm>> -> memref<64x128xf32, #tpu.memory_space<hbm>>
      %dma_start3A_1190 = tpu.memref_slice %arg8[%dma_start3A_1182] : memref<10x!tpu.dma_semaphore, #tpu.memory_space<semaphore_mem>> -> memref<1x!tpu.dma_semaphore, #tpu.memory_space<semaphore_mem>>
      %dma_start3A_1191 = tpu.memref_squeeze %dma_start3A_1190 : memref<1x!tpu.dma_semaphore, #tpu.memory_space<semaphore_mem>> -> memref<!tpu.dma_semaphore, #tpu.memory_space<semaphore_mem>>
      %dma_start3A_1192 = arith.constant 0 : i32
      %dma_start3A_1193 = tpu.memref_slice %arg4[%select_n3A_1161, %add3A_1180, %dma_start3A_1192] : memref<50x4096x128xf32, #tpu.memory_space<hbm>> -> memref<1x64x128xf32, #tpu.memory_space<hbm>>
      %dma_start3A_1194 = tpu.memref_squeeze %dma_start3A_1193 : memref<1x64x128xf32, #tpu.memory_space<hbm>> -> memref<64x128xf32, #tpu.memory_space<hbm>>
      %dma_start3A_1195 = arith.constant 0 : i32
      %dma_start3A_1196 = arith.constant 0 : i32
      %dma_start3A_1197 = tpu.memref_slice %arg6[%dma_start3A_1181, %dma_start3A_1195, %dma_start3A_1196] : memref<10x64x128xf32, #tpu.memory_space<vmem>> -> memref<1x64x128xf32, #tpu.memory_space<vmem>>
      %dma_start3A_1198 = tpu.memref_squeeze %dma_start3A_1197 : memref<1x64x128xf32, #tpu.memory_space<vmem>> -> memref<64x128xf32, #tpu.memory_space<vmem>>
      tpu.enqueue_dma source(%dma_start3A_1198 : memref<64x128xf32, #tpu.memory_space<vmem>>) target(%dma_start3A_1194 : memref<64x128xf32, #tpu.memory_space<hbm>>) target_semaphore(%dma_start3A_1191 : memref<!tpu.dma_semaphore, #tpu.memory_space<semaphore_mem>>)
      %add3A_1199 = arith.constant 7 : i32
      %add3A_1200 = arith.addi %mul3A_368, %add3A_1199 : i32
      %jit3A_1201 = arith.constant 2 : i32
      %div3A_1202 = arith.divsi %add3A_1200, %jit3A_1201 : i32
      %sign3A_1203 = arith.constant 0 : i32
      %sign3A_1204 = arith.cmpi sgt, %add3A_1200, %sign3A_1203 : i32
      %sign3A_1205 = arith.extui %sign3A_1204 : i1 to i32
      %sign3A_1206 = arith.constant 0 : i32
      %sign3A_1207 = arith.cmpi slt, %add3A_1200, %sign3A_1206 : i32
      %sign3A_1208 = arith.extui %sign3A_1207 : i1 to i32
      %sign3A_1209 = arith.subi %sign3A_1205, %sign3A_1208 : i32
      %sign3A_1210 = arith.constant 0 : i32
      %sign3A_1211 = arith.cmpi sgt, %jit3A_1201, %sign3A_1210 : i32
      %sign3A_1212 = arith.extui %sign3A_1211 : i1 to i32
      %sign3A_1213 = arith.constant 0 : i32
      %sign3A_1214 = arith.cmpi slt, %jit3A_1201, %sign3A_1213 : i32
      %sign3A_1215 = arith.extui %sign3A_1214 : i1 to i32
      %sign3A_1216 = arith.subi %sign3A_1212, %sign3A_1215 : i32
      %ne3A_1217 = arith.cmpi ne, %sign3A_1209, %sign3A_1216 : i32
      %rem3A_1218 = arith.remsi %add3A_1200, %jit3A_1201 : i32
      %ne3A_1219 = arith.constant 0 : i32
      %ne3A_1220 = arith.cmpi ne, %rem3A_1218, %ne3A_1219 : i32
      %and3A_1221 = arith.andi %ne3A_1217, %ne3A_1220 : i1
      %sub3A_1222 = arith.constant 1 : i32
      %sub3A_1223 = arith.subi %div3A_1202, %sub3A_1222 : i32
      %select_n3A_1224 = arith.select %and3A_1221, %sub3A_1223, %div3A_1202 : i32
      %jit3A_1225 = arith.constant 2 : i32
      %eq3A_1226 = arith.constant 0 : i32
      %eq3A_1227 = arith.cmpi eq, %jit3A_1225, %eq3A_1226 : i32
      %jit3A_1228 = arith.constant 1 : i32
      %select_n3A_1229 = arith.select %eq3A_1227, %jit3A_1228, %jit3A_1225 : i32
      %rem3A_1230 = arith.remsi %add3A_1200, %select_n3A_1229 : i32
      %ne3A_1231 = arith.constant 0 : i32
      %ne3A_1232 = arith.cmpi ne, %rem3A_1230, %ne3A_1231 : i32
      %lt3A_1233 = arith.constant 0 : i32
      %lt3A_1234 = arith.cmpi slt, %rem3A_1230, %lt3A_1233 : i32
      %lt3A_1235 = arith.constant 0 : i32
      %lt3A_1236 = arith.cmpi slt, %select_n3A_1229, %lt3A_1235 : i32
      %ne3A_1237 = arith.xori %lt3A_1234, %lt3A_1236 : i1
      %and3A_1238 = arith.andi %ne3A_1237, %ne3A_1232 : i1
      %add3A_1239 = arith.addi %rem3A_1230, %select_n3A_1229 : i32
      %select_n3A_1240 = arith.select %and3A_1238, %add3A_1239, %rem3A_1230 : i32
      %mul3A_1241 = arith.constant 64 : i32
      %mul3A_1242 = arith.muli %select_n3A_1240, %mul3A_1241 : i32
      %dma_wait3A_1243 = arith.constant 7 : i32
      %dma_wait3A_1244 = arith.constant 7 : i32
      %dma_wait3A_1245 = arith.constant 0 : i32
      %dma_wait3A_1246 = arith.constant 0 : i32
      %dma_wait3A_1247 = tpu.memref_slice %arg6[%dma_wait3A_1243, %dma_wait3A_1245, %dma_wait3A_1246] : memref<10x64x128xf32, #tpu.memory_space<vmem>> -> memref<1x64x128xf32, #tpu.memory_space<vmem>>
      %dma_wait3A_1248 = tpu.memref_squeeze %dma_wait3A_1247 : memref<1x64x128xf32, #tpu.memory_space<vmem>> -> memref<64x128xf32, #tpu.memory_space<vmem>>
      %dma_wait3A_1249 = tpu.memref_slice %arg5[%select_n3A_1224, %mul3A_1242] : memref<50x128xi32, #tpu.memory_space<vmem>> -> memref<1x64xi32, #tpu.memory_space<vmem>>
      %dma_wait3A_1250 = tpu.memref_squeeze %dma_wait3A_1249 : memref<1x64xi32, #tpu.memory_space<vmem>> -> memref<64xi32, #tpu.memory_space<vmem>>
      %dma_wait3A_1251 = arith.constant 0 : i32
      %dma_wait3A_1252 = arith.constant 0 : i32
      %dma_wait3A_1253 = tpu.memref_slice %arg3[%dma_wait3A_1251, %dma_wait3A_1252] : memref<100000x128xf32, #tpu.memory_space<hbm>> -> memref<100000x128xf32, #tpu.memory_space<hbm>>
      %dma_wait3A_1254 = tpu.memref_slice %arg7[%dma_wait3A_1244] : memref<10x!tpu.dma_semaphore, #tpu.memory_space<semaphore_mem>> -> memref<1x!tpu.dma_semaphore, #tpu.memory_space<semaphore_mem>>
      %dma_wait3A_1255 = tpu.memref_squeeze %dma_wait3A_1254 : memref<1x!tpu.dma_semaphore, #tpu.memory_space<semaphore_mem>> -> memref<!tpu.dma_semaphore, #tpu.memory_space<semaphore_mem>>
      tpu.wait_indirect_dma semaphore(%dma_wait3A_1255 : memref<!tpu.dma_semaphore, #tpu.memory_space<semaphore_mem>>) src(%dma_wait3A_1253 : memref<100000x128xf32, #tpu.memory_space<hbm>>) dst(%dma_wait3A_1248 : memref<64x128xf32, #tpu.memory_space<vmem>>)
      %add3A_1256 = arith.constant 7 : i32
      %add3A_1257 = arith.addi %mul3A_368, %add3A_1256 : i32
      %jit3A_1258 = arith.constant 2 : i32
      %div3A_1259 = arith.divsi %add3A_1257, %jit3A_1258 : i32
      %sign3A_1260 = arith.constant 0 : i32
      %sign3A_1261 = arith.cmpi sgt, %add3A_1257, %sign3A_1260 : i32
      %sign3A_1262 = arith.extui %sign3A_1261 : i1 to i32
      %sign3A_1263 = arith.constant 0 : i32
      %sign3A_1264 = arith.cmpi slt, %add3A_1257, %sign3A_1263 : i32
      %sign3A_1265 = arith.extui %sign3A_1264 : i1 to i32
      %sign3A_1266 = arith.subi %sign3A_1262, %sign3A_1265 : i32
      %sign3A_1267 = arith.constant 0 : i32
      %sign3A_1268 = arith.cmpi sgt, %jit3A_1258, %sign3A_1267 : i32
      %sign3A_1269 = arith.extui %sign3A_1268 : i1 to i32
      %sign3A_1270 = arith.constant 0 : i32
      %sign3A_1271 = arith.cmpi slt, %jit3A_1258, %sign3A_1270 : i32
      %sign3A_1272 = arith.extui %sign3A_1271 : i1 to i32
      %sign3A_1273 = arith.subi %sign3A_1269, %sign3A_1272 : i32
      %ne3A_1274 = arith.cmpi ne, %sign3A_1266, %sign3A_1273 : i32
      %rem3A_1275 = arith.remsi %add3A_1257, %jit3A_1258 : i32
      %ne3A_1276 = arith.constant 0 : i32
      %ne3A_1277 = arith.cmpi ne, %rem3A_1275, %ne3A_1276 : i32
      %and3A_1278 = arith.andi %ne3A_1274, %ne3A_1277 : i1
      %sub3A_1279 = arith.constant 1 : i32
      %sub3A_1280 = arith.subi %div3A_1259, %sub3A_1279 : i32
      %select_n3A_1281 = arith.select %and3A_1278, %sub3A_1280, %div3A_1259 : i32
      %jit3A_1282 = arith.constant 2 : i32
      %eq3A_1283 = arith.constant 0 : i32
      %eq3A_1284 = arith.cmpi eq, %jit3A_1282, %eq3A_1283 : i32
      %jit3A_1285 = arith.constant 1 : i32
      %select_n3A_1286 = arith.select %eq3A_1284, %jit3A_1285, %jit3A_1282 : i32
      %rem3A_1287 = arith.remsi %add3A_1257, %select_n3A_1286 : i32
      %ne3A_1288 = arith.constant 0 : i32
      %ne3A_1289 = arith.cmpi ne, %rem3A_1287, %ne3A_1288 : i32
      %lt3A_1290 = arith.constant 0 : i32
      %lt3A_1291 = arith.cmpi slt, %rem3A_1287, %lt3A_1290 : i32
      %lt3A_1292 = arith.constant 0 : i32
      %lt3A_1293 = arith.cmpi slt, %select_n3A_1286, %lt3A_1292 : i32
      %ne3A_1294 = arith.xori %lt3A_1291, %lt3A_1293 : i1
      %and3A_1295 = arith.andi %ne3A_1294, %ne3A_1289 : i1
      %add3A_1296 = arith.addi %rem3A_1287, %select_n3A_1286 : i32
      %select_n3A_1297 = arith.select %and3A_1295, %add3A_1296, %rem3A_1287 : i32
      %mul3A_1298 = arith.constant 64 : i32
      %mul3A_1299 = arith.muli %select_n3A_1297, %mul3A_1298 : i32
      %add3A_1300 = arith.addi %mul3A_2, %mul3A_1299 : i32
      %dma_start3A_1301 = arith.constant 7 : i32
      %dma_start3A_1302 = arith.constant 7 : i32
      %dma_start3A_1303 = arith.constant 0 : i32
      %dma_start3A_1304 = arith.constant 0 : i32
      %dma_start3A_1305 = tpu.memref_slice %arg6[%dma_start3A_1301, %dma_start3A_1303, %dma_start3A_1304] : memref<10x64x128xf32, #tpu.memory_space<vmem>> -> memref<1x64x128xf32, #tpu.memory_space<vmem>>
      %dma_start3A_1306 = tpu.memref_squeeze %dma_start3A_1305 : memref<1x64x128xf32, #tpu.memory_space<vmem>> -> memref<64x128xf32, #tpu.memory_space<vmem>>
      %dma_start3A_1307 = arith.constant 0 : i32
      %dma_start3A_1308 = tpu.memref_slice %arg4[%select_n3A_1281, %add3A_1300, %dma_start3A_1307] : memref<50x4096x128xf32, #tpu.memory_space<hbm>> -> memref<1x64x128xf32, #tpu.memory_space<hbm>>
      %dma_start3A_1309 = tpu.memref_squeeze %dma_start3A_1308 : memref<1x64x128xf32, #tpu.memory_space<hbm>> -> memref<64x128xf32, #tpu.memory_space<hbm>>
      %dma_start3A_1310 = tpu.memref_slice %arg8[%dma_start3A_1302] : memref<10x!tpu.dma_semaphore, #tpu.memory_space<semaphore_mem>> -> memref<1x!tpu.dma_semaphore, #tpu.memory_space<semaphore_mem>>
      %dma_start3A_1311 = tpu.memref_squeeze %dma_start3A_1310 : memref<1x!tpu.dma_semaphore, #tpu.memory_space<semaphore_mem>> -> memref<!tpu.dma_semaphore, #tpu.memory_space<semaphore_mem>>
      %dma_start3A_1312 = arith.constant 0 : i32
      %dma_start3A_1313 = tpu.memref_slice %arg4[%select_n3A_1281, %add3A_1300, %dma_start3A_1312] : memref<50x4096x128xf32, #tpu.memory_space<hbm>> -> memref<1x64x128xf32, #tpu.memory_space<hbm>>
      %dma_start3A_1314 = tpu.memref_squeeze %dma_start3A_1313 : memref<1x64x128xf32, #tpu.memory_space<hbm>> -> memref<64x128xf32, #tpu.memory_space<hbm>>
      %dma_start3A_1315 = arith.constant 0 : i32
      %dma_start3A_1316 = arith.constant 0 : i32
      %dma_start3A_1317 = tpu.memref_slice %arg6[%dma_start3A_1301, %dma_start3A_1315, %dma_start3A_1316] : memref<10x64x128xf32, #tpu.memory_space<vmem>> -> memref<1x64x128xf32, #tpu.memory_space<vmem>>
      %dma_start3A_1318 = tpu.memref_squeeze %dma_start3A_1317 : memref<1x64x128xf32, #tpu.memory_space<vmem>> -> memref<64x128xf32, #tpu.memory_space<vmem>>
      tpu.enqueue_dma source(%dma_start3A_1318 : memref<64x128xf32, #tpu.memory_space<vmem>>) target(%dma_start3A_1314 : memref<64x128xf32, #tpu.memory_space<hbm>>) target_semaphore(%dma_start3A_1311 : memref<!tpu.dma_semaphore, #tpu.memory_space<semaphore_mem>>)
      %add3A_1319 = arith.constant 8 : i32
      %add3A_1320 = arith.addi %mul3A_368, %add3A_1319 : i32
      %jit3A_1321 = arith.constant 2 : i32
      %div3A_1322 = arith.divsi %add3A_1320, %jit3A_1321 : i32
      %sign3A_1323 = arith.constant 0 : i32
      %sign3A_1324 = arith.cmpi sgt, %add3A_1320, %sign3A_1323 : i32
      %sign3A_1325 = arith.extui %sign3A_1324 : i1 to i32
      %sign3A_1326 = arith.constant 0 : i32
      %sign3A_1327 = arith.cmpi slt, %add3A_1320, %sign3A_1326 : i32
      %sign3A_1328 = arith.extui %sign3A_1327 : i1 to i32
      %sign3A_1329 = arith.subi %sign3A_1325, %sign3A_1328 : i32
      %sign3A_1330 = arith.constant 0 : i32
      %sign3A_1331 = arith.cmpi sgt, %jit3A_1321, %sign3A_1330 : i32
      %sign3A_1332 = arith.extui %sign3A_1331 : i1 to i32
      %sign3A_1333 = arith.constant 0 : i32
      %sign3A_1334 = arith.cmpi slt, %jit3A_1321, %sign3A_1333 : i32
      %sign3A_1335 = arith.extui %sign3A_1334 : i1 to i32
      %sign3A_1336 = arith.subi %sign3A_1332, %sign3A_1335 : i32
      %ne3A_1337 = arith.cmpi ne, %sign3A_1329, %sign3A_1336 : i32
      %rem3A_1338 = arith.remsi %add3A_1320, %jit3A_1321 : i32
      %ne3A_1339 = arith.constant 0 : i32
      %ne3A_1340 = arith.cmpi ne, %rem3A_1338, %ne3A_1339 : i32
      %and3A_1341 = arith.andi %ne3A_1337, %ne3A_1340 : i1
      %sub3A_1342 = arith.constant 1 : i32
      %sub3A_1343 = arith.subi %div3A_1322, %sub3A_1342 : i32
      %select_n3A_1344 = arith.select %and3A_1341, %sub3A_1343, %div3A_1322 : i32
      %jit3A_1345 = arith.constant 2 : i32
      %eq3A_1346 = arith.constant 0 : i32
      %eq3A_1347 = arith.cmpi eq, %jit3A_1345, %eq3A_1346 : i32
      %jit3A_1348 = arith.constant 1 : i32
      %select_n3A_1349 = arith.select %eq3A_1347, %jit3A_1348, %jit3A_1345 : i32
      %rem3A_1350 = arith.remsi %add3A_1320, %select_n3A_1349 : i32
      %ne3A_1351 = arith.constant 0 : i32
      %ne3A_1352 = arith.cmpi ne, %rem3A_1350, %ne3A_1351 : i32
      %lt3A_1353 = arith.constant 0 : i32
      %lt3A_1354 = arith.cmpi slt, %rem3A_1350, %lt3A_1353 : i32
      %lt3A_1355 = arith.constant 0 : i32
      %lt3A_1356 = arith.cmpi slt, %select_n3A_1349, %lt3A_1355 : i32
      %ne3A_1357 = arith.xori %lt3A_1354, %lt3A_1356 : i1
      %and3A_1358 = arith.andi %ne3A_1357, %ne3A_1352 : i1
      %add3A_1359 = arith.addi %rem3A_1350, %select_n3A_1349 : i32
      %select_n3A_1360 = arith.select %and3A_1358, %add3A_1359, %rem3A_1350 : i32
      %mul3A_1361 = arith.constant 64 : i32
      %mul3A_1362 = arith.muli %select_n3A_1360, %mul3A_1361 : i32
      %dma_wait3A_1363 = arith.constant 8 : i32
      %dma_wait3A_1364 = arith.constant 8 : i32
      %dma_wait3A_1365 = arith.constant 0 : i32
      %dma_wait3A_1366 = arith.constant 0 : i32
      %dma_wait3A_1367 = tpu.memref_slice %arg6[%dma_wait3A_1363, %dma_wait3A_1365, %dma_wait3A_1366] : memref<10x64x128xf32, #tpu.memory_space<vmem>> -> memref<1x64x128xf32, #tpu.memory_space<vmem>>
      %dma_wait3A_1368 = tpu.memref_squeeze %dma_wait3A_1367 : memref<1x64x128xf32, #tpu.memory_space<vmem>> -> memref<64x128xf32, #tpu.memory_space<vmem>>
      %dma_wait3A_1369 = tpu.memref_slice %arg5[%select_n3A_1344, %mul3A_1362] : memref<50x128xi32, #tpu.memory_space<vmem>> -> memref<1x64xi32, #tpu.memory_space<vmem>>
      %dma_wait3A_1370 = tpu.memref_squeeze %dma_wait3A_1369 : memref<1x64xi32, #tpu.memory_space<vmem>> -> memref<64xi32, #tpu.memory_space<vmem>>
      %dma_wait3A_1371 = arith.constant 0 : i32
      %dma_wait3A_1372 = arith.constant 0 : i32
      %dma_wait3A_1373 = tpu.memref_slice %arg3[%dma_wait3A_1371, %dma_wait3A_1372] : memref<100000x128xf32, #tpu.memory_space<hbm>> -> memref<100000x128xf32, #tpu.memory_space<hbm>>
      %dma_wait3A_1374 = tpu.memref_slice %arg7[%dma_wait3A_1364] : memref<10x!tpu.dma_semaphore, #tpu.memory_space<semaphore_mem>> -> memref<1x!tpu.dma_semaphore, #tpu.memory_space<semaphore_mem>>
      %dma_wait3A_1375 = tpu.memref_squeeze %dma_wait3A_1374 : memref<1x!tpu.dma_semaphore, #tpu.memory_space<semaphore_mem>> -> memref<!tpu.dma_semaphore, #tpu.memory_space<semaphore_mem>>
      tpu.wait_indirect_dma semaphore(%dma_wait3A_1375 : memref<!tpu.dma_semaphore, #tpu.memory_space<semaphore_mem>>) src(%dma_wait3A_1373 : memref<100000x128xf32, #tpu.memory_space<hbm>>) dst(%dma_wait3A_1368 : memref<64x128xf32, #tpu.memory_space<vmem>>)
      %add3A_1376 = arith.constant 8 : i32
      %add3A_1377 = arith.addi %mul3A_368, %add3A_1376 : i32
      %jit3A_1378 = arith.constant 2 : i32
      %div3A_1379 = arith.divsi %add3A_1377, %jit3A_1378 : i32
      %sign3A_1380 = arith.constant 0 : i32
      %sign3A_1381 = arith.cmpi sgt, %add3A_1377, %sign3A_1380 : i32
      %sign3A_1382 = arith.extui %sign3A_1381 : i1 to i32
      %sign3A_1383 = arith.constant 0 : i32
      %sign3A_1384 = arith.cmpi slt, %add3A_1377, %sign3A_1383 : i32
      %sign3A_1385 = arith.extui %sign3A_1384 : i1 to i32
      %sign3A_1386 = arith.subi %sign3A_1382, %sign3A_1385 : i32
      %sign3A_1387 = arith.constant 0 : i32
      %sign3A_1388 = arith.cmpi sgt, %jit3A_1378, %sign3A_1387 : i32
      %sign3A_1389 = arith.extui %sign3A_1388 : i1 to i32
      %sign3A_1390 = arith.constant 0 : i32
      %sign3A_1391 = arith.cmpi slt, %jit3A_1378, %sign3A_1390 : i32
      %sign3A_1392 = arith.extui %sign3A_1391 : i1 to i32
      %sign3A_1393 = arith.subi %sign3A_1389, %sign3A_1392 : i32
      %ne3A_1394 = arith.cmpi ne, %sign3A_1386, %sign3A_1393 : i32
      %rem3A_1395 = arith.remsi %add3A_1377, %jit3A_1378 : i32
      %ne3A_1396 = arith.constant 0 : i32
      %ne3A_1397 = arith.cmpi ne, %rem3A_1395, %ne3A_1396 : i32
      %and3A_1398 = arith.andi %ne3A_1394, %ne3A_1397 : i1
      %sub3A_1399 = arith.constant 1 : i32
      %sub3A_1400 = arith.subi %div3A_1379, %sub3A_1399 : i32
      %select_n3A_1401 = arith.select %and3A_1398, %sub3A_1400, %div3A_1379 : i32
      %jit3A_1402 = arith.constant 2 : i32
      %eq3A_1403 = arith.constant 0 : i32
      %eq3A_1404 = arith.cmpi eq, %jit3A_1402, %eq3A_1403 : i32
      %jit3A_1405 = arith.constant 1 : i32
      %select_n3A_1406 = arith.select %eq3A_1404, %jit3A_1405, %jit3A_1402 : i32
      %rem3A_1407 = arith.remsi %add3A_1377, %select_n3A_1406 : i32
      %ne3A_1408 = arith.constant 0 : i32
      %ne3A_1409 = arith.cmpi ne, %rem3A_1407, %ne3A_1408 : i32
      %lt3A_1410 = arith.constant 0 : i32
      %lt3A_1411 = arith.cmpi slt, %rem3A_1407, %lt3A_1410 : i32
      %lt3A_1412 = arith.constant 0 : i32
      %lt3A_1413 = arith.cmpi slt, %select_n3A_1406, %lt3A_1412 : i32
      %ne3A_1414 = arith.xori %lt3A_1411, %lt3A_1413 : i1
      %and3A_1415 = arith.andi %ne3A_1414, %ne3A_1409 : i1
      %add3A_1416 = arith.addi %rem3A_1407, %select_n3A_1406 : i32
      %select_n3A_1417 = arith.select %and3A_1415, %add3A_1416, %rem3A_1407 : i32
      %mul3A_1418 = arith.constant 64 : i32
      %mul3A_1419 = arith.muli %select_n3A_1417, %mul3A_1418 : i32
      %add3A_1420 = arith.addi %mul3A_2, %mul3A_1419 : i32
      %dma_start3A_1421 = arith.constant 8 : i32
      %dma_start3A_1422 = arith.constant 8 : i32
      %dma_start3A_1423 = arith.constant 0 : i32
      %dma_start3A_1424 = arith.constant 0 : i32
      %dma_start3A_1425 = tpu.memref_slice %arg6[%dma_start3A_1421, %dma_start3A_1423, %dma_start3A_1424] : memref<10x64x128xf32, #tpu.memory_space<vmem>> -> memref<1x64x128xf32, #tpu.memory_space<vmem>>
      %dma_start3A_1426 = tpu.memref_squeeze %dma_start3A_1425 : memref<1x64x128xf32, #tpu.memory_space<vmem>> -> memref<64x128xf32, #tpu.memory_space<vmem>>
      %dma_start3A_1427 = arith.constant 0 : i32
      %dma_start3A_1428 = tpu.memref_slice %arg4[%select_n3A_1401, %add3A_1420, %dma_start3A_1427] : memref<50x4096x128xf32, #tpu.memory_space<hbm>> -> memref<1x64x128xf32, #tpu.memory_space<hbm>>
      %dma_start3A_1429 = tpu.memref_squeeze %dma_start3A_1428 : memref<1x64x128xf32, #tpu.memory_space<hbm>> -> memref<64x128xf32, #tpu.memory_space<hbm>>
      %dma_start3A_1430 = tpu.memref_slice %arg8[%dma_start3A_1422] : memref<10x!tpu.dma_semaphore, #tpu.memory_space<semaphore_mem>> -> memref<1x!tpu.dma_semaphore, #tpu.memory_space<semaphore_mem>>
      %dma_start3A_1431 = tpu.memref_squeeze %dma_start3A_1430 : memref<1x!tpu.dma_semaphore, #tpu.memory_space<semaphore_mem>> -> memref<!tpu.dma_semaphore, #tpu.memory_space<semaphore_mem>>
      %dma_start3A_1432 = arith.constant 0 : i32
      %dma_start3A_1433 = tpu.memref_slice %arg4[%select_n3A_1401, %add3A_1420, %dma_start3A_1432] : memref<50x4096x128xf32, #tpu.memory_space<hbm>> -> memref<1x64x128xf32, #tpu.memory_space<hbm>>
      %dma_start3A_1434 = tpu.memref_squeeze %dma_start3A_1433 : memref<1x64x128xf32, #tpu.memory_space<hbm>> -> memref<64x128xf32, #tpu.memory_space<hbm>>
      %dma_start3A_1435 = arith.constant 0 : i32
      %dma_start3A_1436 = arith.constant 0 : i32
      %dma_start3A_1437 = tpu.memref_slice %arg6[%dma_start3A_1421, %dma_start3A_1435, %dma_start3A_1436] : memref<10x64x128xf32, #tpu.memory_space<vmem>> -> memref<1x64x128xf32, #tpu.memory_space<vmem>>
      %dma_start3A_1438 = tpu.memref_squeeze %dma_start3A_1437 : memref<1x64x128xf32, #tpu.memory_space<vmem>> -> memref<64x128xf32, #tpu.memory_space<vmem>>
      tpu.enqueue_dma source(%dma_start3A_1438 : memref<64x128xf32, #tpu.memory_space<vmem>>) target(%dma_start3A_1434 : memref<64x128xf32, #tpu.memory_space<hbm>>) target_semaphore(%dma_start3A_1431 : memref<!tpu.dma_semaphore, #tpu.memory_space<semaphore_mem>>)
      %add3A_1439 = arith.constant 9 : i32
      %add3A_1440 = arith.addi %mul3A_368, %add3A_1439 : i32
      %jit3A_1441 = arith.constant 2 : i32
      %div3A_1442 = arith.divsi %add3A_1440, %jit3A_1441 : i32
      %sign3A_1443 = arith.constant 0 : i32
      %sign3A_1444 = arith.cmpi sgt, %add3A_1440, %sign3A_1443 : i32
      %sign3A_1445 = arith.extui %sign3A_1444 : i1 to i32
      %sign3A_1446 = arith.constant 0 : i32
      %sign3A_1447 = arith.cmpi slt, %add3A_1440, %sign3A_1446 : i32
      %sign3A_1448 = arith.extui %sign3A_1447 : i1 to i32
      %sign3A_1449 = arith.subi %sign3A_1445, %sign3A_1448 : i32
      %sign3A_1450 = arith.constant 0 : i32
      %sign3A_1451 = arith.cmpi sgt, %jit3A_1441, %sign3A_1450 : i32
      %sign3A_1452 = arith.extui %sign3A_1451 : i1 to i32
      %sign3A_1453 = arith.constant 0 : i32
      %sign3A_1454 = arith.cmpi slt, %jit3A_1441, %sign3A_1453 : i32
      %sign3A_1455 = arith.extui %sign3A_1454 : i1 to i32
      %sign3A_1456 = arith.subi %sign3A_1452, %sign3A_1455 : i32
      %ne3A_1457 = arith.cmpi ne, %sign3A_1449, %sign3A_1456 : i32
      %rem3A_1458 = arith.remsi %add3A_1440, %jit3A_1441 : i32
      %ne3A_1459 = arith.constant 0 : i32
      %ne3A_1460 = arith.cmpi ne, %rem3A_1458, %ne3A_1459 : i32
      %and3A_1461 = arith.andi %ne3A_1457, %ne3A_1460 : i1
      %sub3A_1462 = arith.constant 1 : i32
      %sub3A_1463 = arith.subi %div3A_1442, %sub3A_1462 : i32
      %select_n3A_1464 = arith.select %and3A_1461, %sub3A_1463, %div3A_1442 : i32
      %jit3A_1465 = arith.constant 2 : i32
      %eq3A_1466 = arith.constant 0 : i32
      %eq3A_1467 = arith.cmpi eq, %jit3A_1465, %eq3A_1466 : i32
      %jit3A_1468 = arith.constant 1 : i32
      %select_n3A_1469 = arith.select %eq3A_1467, %jit3A_1468, %jit3A_1465 : i32
      %rem3A_1470 = arith.remsi %add3A_1440, %select_n3A_1469 : i32
      %ne3A_1471 = arith.constant 0 : i32
      %ne3A_1472 = arith.cmpi ne, %rem3A_1470, %ne3A_1471 : i32
      %lt3A_1473 = arith.constant 0 : i32
      %lt3A_1474 = arith.cmpi slt, %rem3A_1470, %lt3A_1473 : i32
      %lt3A_1475 = arith.constant 0 : i32
      %lt3A_1476 = arith.cmpi slt, %select_n3A_1469, %lt3A_1475 : i32
      %ne3A_1477 = arith.xori %lt3A_1474, %lt3A_1476 : i1
      %and3A_1478 = arith.andi %ne3A_1477, %ne3A_1472 : i1
      %add3A_1479 = arith.addi %rem3A_1470, %select_n3A_1469 : i32
      %select_n3A_1480 = arith.select %and3A_1478, %add3A_1479, %rem3A_1470 : i32
      %mul3A_1481 = arith.constant 64 : i32
      %mul3A_1482 = arith.muli %select_n3A_1480, %mul3A_1481 : i32
      %dma_wait3A_1483 = arith.constant 9 : i32
      %dma_wait3A_1484 = arith.constant 9 : i32
      %dma_wait3A_1485 = arith.constant 0 : i32
      %dma_wait3A_1486 = arith.constant 0 : i32
      %dma_wait3A_1487 = tpu.memref_slice %arg6[%dma_wait3A_1483, %dma_wait3A_1485, %dma_wait3A_1486] : memref<10x64x128xf32, #tpu.memory_space<vmem>> -> memref<1x64x128xf32, #tpu.memory_space<vmem>>
      %dma_wait3A_1488 = tpu.memref_squeeze %dma_wait3A_1487 : memref<1x64x128xf32, #tpu.memory_space<vmem>> -> memref<64x128xf32, #tpu.memory_space<vmem>>
      %dma_wait3A_1489 = tpu.memref_slice %arg5[%select_n3A_1464, %mul3A_1482] : memref<50x128xi32, #tpu.memory_space<vmem>> -> memref<1x64xi32, #tpu.memory_space<vmem>>
      %dma_wait3A_1490 = tpu.memref_squeeze %dma_wait3A_1489 : memref<1x64xi32, #tpu.memory_space<vmem>> -> memref<64xi32, #tpu.memory_space<vmem>>
      %dma_wait3A_1491 = arith.constant 0 : i32
      %dma_wait3A_1492 = arith.constant 0 : i32
      %dma_wait3A_1493 = tpu.memref_slice %arg3[%dma_wait3A_1491, %dma_wait3A_1492] : memref<100000x128xf32, #tpu.memory_space<hbm>> -> memref<100000x128xf32, #tpu.memory_space<hbm>>
      %dma_wait3A_1494 = tpu.memref_slice %arg7[%dma_wait3A_1484] : memref<10x!tpu.dma_semaphore, #tpu.memory_space<semaphore_mem>> -> memref<1x!tpu.dma_semaphore, #tpu.memory_space<semaphore_mem>>
      %dma_wait3A_1495 = tpu.memref_squeeze %dma_wait3A_1494 : memref<1x!tpu.dma_semaphore, #tpu.memory_space<semaphore_mem>> -> memref<!tpu.dma_semaphore, #tpu.memory_space<semaphore_mem>>
      tpu.wait_indirect_dma semaphore(%dma_wait3A_1495 : memref<!tpu.dma_semaphore, #tpu.memory_space<semaphore_mem>>) src(%dma_wait3A_1493 : memref<100000x128xf32, #tpu.memory_space<hbm>>) dst(%dma_wait3A_1488 : memref<64x128xf32, #tpu.memory_space<vmem>>)
      %add3A_1496 = arith.constant 9 : i32
      %add3A_1497 = arith.addi %mul3A_368, %add3A_1496 : i32
      %jit3A_1498 = arith.constant 2 : i32
      %div3A_1499 = arith.divsi %add3A_1497, %jit3A_1498 : i32
      %sign3A_1500 = arith.constant 0 : i32
      %sign3A_1501 = arith.cmpi sgt, %add3A_1497, %sign3A_1500 : i32
      %sign3A_1502 = arith.extui %sign3A_1501 : i1 to i32
      %sign3A_1503 = arith.constant 0 : i32
      %sign3A_1504 = arith.cmpi slt, %add3A_1497, %sign3A_1503 : i32
      %sign3A_1505 = arith.extui %sign3A_1504 : i1 to i32
      %sign3A_1506 = arith.subi %sign3A_1502, %sign3A_1505 : i32
      %sign3A_1507 = arith.constant 0 : i32
      %sign3A_1508 = arith.cmpi sgt, %jit3A_1498, %sign3A_1507 : i32
      %sign3A_1509 = arith.extui %sign3A_1508 : i1 to i32
      %sign3A_1510 = arith.constant 0 : i32
      %sign3A_1511 = arith.cmpi slt, %jit3A_1498, %sign3A_1510 : i32
      %sign3A_1512 = arith.extui %sign3A_1511 : i1 to i32
      %sign3A_1513 = arith.subi %sign3A_1509, %sign3A_1512 : i32
      %ne3A_1514 = arith.cmpi ne, %sign3A_1506, %sign3A_1513 : i32
      %rem3A_1515 = arith.remsi %add3A_1497, %jit3A_1498 : i32
      %ne3A_1516 = arith.constant 0 : i32
      %ne3A_1517 = arith.cmpi ne, %rem3A_1515, %ne3A_1516 : i32
      %and3A_1518 = arith.andi %ne3A_1514, %ne3A_1517 : i1
      %sub3A_1519 = arith.constant 1 : i32
      %sub3A_1520 = arith.subi %div3A_1499, %sub3A_1519 : i32
      %select_n3A_1521 = arith.select %and3A_1518, %sub3A_1520, %div3A_1499 : i32
      %jit3A_1522 = arith.constant 2 : i32
      %eq3A_1523 = arith.constant 0 : i32
      %eq3A_1524 = arith.cmpi eq, %jit3A_1522, %eq3A_1523 : i32
      %jit3A_1525 = arith.constant 1 : i32
      %select_n3A_1526 = arith.select %eq3A_1524, %jit3A_1525, %jit3A_1522 : i32
      %rem3A_1527 = arith.remsi %add3A_1497, %select_n3A_1526 : i32
      %ne3A_1528 = arith.constant 0 : i32
      %ne3A_1529 = arith.cmpi ne, %rem3A_1527, %ne3A_1528 : i32
      %lt3A_1530 = arith.constant 0 : i32
      %lt3A_1531 = arith.cmpi slt, %rem3A_1527, %lt3A_1530 : i32
      %lt3A_1532 = arith.constant 0 : i32
      %lt3A_1533 = arith.cmpi slt, %select_n3A_1526, %lt3A_1532 : i32
      %ne3A_1534 = arith.xori %lt3A_1531, %lt3A_1533 : i1
      %and3A_1535 = arith.andi %ne3A_1534, %ne3A_1529 : i1
      %add3A_1536 = arith.addi %rem3A_1527, %select_n3A_1526 : i32
      %select_n3A_1537 = arith.select %and3A_1535, %add3A_1536, %rem3A_1527 : i32
      %mul3A_1538 = arith.constant 64 : i32
      %mul3A_1539 = arith.muli %select_n3A_1537, %mul3A_1538 : i32
      %add3A_1540 = arith.addi %mul3A_2, %mul3A_1539 : i32
      %dma_start3A_1541 = arith.constant 9 : i32
      %dma_start3A_1542 = arith.constant 9 : i32
      %dma_start3A_1543 = arith.constant 0 : i32
      %dma_start3A_1544 = arith.constant 0 : i32
      %dma_start3A_1545 = tpu.memref_slice %arg6[%dma_start3A_1541, %dma_start3A_1543, %dma_start3A_1544] : memref<10x64x128xf32, #tpu.memory_space<vmem>> -> memref<1x64x128xf32, #tpu.memory_space<vmem>>
      %dma_start3A_1546 = tpu.memref_squeeze %dma_start3A_1545 : memref<1x64x128xf32, #tpu.memory_space<vmem>> -> memref<64x128xf32, #tpu.memory_space<vmem>>
      %dma_start3A_1547 = arith.constant 0 : i32
      %dma_start3A_1548 = tpu.memref_slice %arg4[%select_n3A_1521, %add3A_1540, %dma_start3A_1547] : memref<50x4096x128xf32, #tpu.memory_space<hbm>> -> memref<1x64x128xf32, #tpu.memory_space<hbm>>
      %dma_start3A_1549 = tpu.memref_squeeze %dma_start3A_1548 : memref<1x64x128xf32, #tpu.memory_space<hbm>> -> memref<64x128xf32, #tpu.memory_space<hbm>>
      %dma_start3A_1550 = tpu.memref_slice %arg8[%dma_start3A_1542] : memref<10x!tpu.dma_semaphore, #tpu.memory_space<semaphore_mem>> -> memref<1x!tpu.dma_semaphore, #tpu.memory_space<semaphore_mem>>
      %dma_start3A_1551 = tpu.memref_squeeze %dma_start3A_1550 : memref<1x!tpu.dma_semaphore, #tpu.memory_space<semaphore_mem>> -> memref<!tpu.dma_semaphore, #tpu.memory_space<semaphore_mem>>
      %dma_start3A_1552 = arith.constant 0 : i32
      %dma_start3A_1553 = tpu.memref_slice %arg4[%select_n3A_1521, %add3A_1540, %dma_start3A_1552] : memref<50x4096x128xf32, #tpu.memory_space<hbm>> -> memref<1x64x128xf32, #tpu.memory_space<hbm>>
      %dma_start3A_1554 = tpu.memref_squeeze %dma_start3A_1553 : memref<1x64x128xf32, #tpu.memory_space<hbm>> -> memref<64x128xf32, #tpu.memory_space<hbm>>
      %dma_start3A_1555 = arith.constant 0 : i32
      %dma_start3A_1556 = arith.constant 0 : i32
      %dma_start3A_1557 = tpu.memref_slice %arg6[%dma_start3A_1541, %dma_start3A_1555, %dma_start3A_1556] : memref<10x64x128xf32, #tpu.memory_space<vmem>> -> memref<1x64x128xf32, #tpu.memory_space<vmem>>
      %dma_start3A_1558 = tpu.memref_squeeze %dma_start3A_1557 : memref<1x64x128xf32, #tpu.memory_space<vmem>> -> memref<64x128xf32, #tpu.memory_space<vmem>>
      tpu.enqueue_dma source(%dma_start3A_1558 : memref<64x128xf32, #tpu.memory_space<vmem>>) target(%dma_start3A_1554 : memref<64x128xf32, #tpu.memory_space<hbm>>) target_semaphore(%dma_start3A_1551 : memref<!tpu.dma_semaphore, #tpu.memory_space<semaphore_mem>>)
      %lt3A_1559 = arith.constant 9 : i32
      %lt3A_1560 = arith.cmpi slt, %scan3A_366, %lt3A_1559 : i32
      %convert_element_type3A = arith.extui %lt3A_1560 : i1 to i32
      %cond3A = arith.constant 0 : i32
      %cond3A_1561 = arith.cmpi ne, %convert_element_type3A, %cond3A : i32
      scf.if %cond3A_1561 {
        %add3A_1562 = arith.constant 0 : i32
        %add3A_1563 = arith.addi %mul3A_368, %add3A_1562 : i32
        %jit3A_1564 = arith.constant 2 : i32
        %div3A_1565 = arith.divsi %add3A_1563, %jit3A_1564 : i32
        %sign3A_1566 = arith.constant 0 : i32
        %sign3A_1567 = arith.cmpi sgt, %add3A_1563, %sign3A_1566 : i32
        %sign3A_1568 = arith.extui %sign3A_1567 : i1 to i32
        %sign3A_1569 = arith.constant 0 : i32
        %sign3A_1570 = arith.cmpi slt, %add3A_1563, %sign3A_1569 : i32
        %sign3A_1571 = arith.extui %sign3A_1570 : i1 to i32
        %sign3A_1572 = arith.subi %sign3A_1568, %sign3A_1571 : i32
        %sign3A_1573 = arith.constant 0 : i32
        %sign3A_1574 = arith.cmpi sgt, %jit3A_1564, %sign3A_1573 : i32
        %sign3A_1575 = arith.extui %sign3A_1574 : i1 to i32
        %sign3A_1576 = arith.constant 0 : i32
        %sign3A_1577 = arith.cmpi slt, %jit3A_1564, %sign3A_1576 : i32
        %sign3A_1578 = arith.extui %sign3A_1577 : i1 to i32
        %sign3A_1579 = arith.subi %sign3A_1575, %sign3A_1578 : i32
        %ne3A_1580 = arith.cmpi ne, %sign3A_1572, %sign3A_1579 : i32
        %rem3A_1581 = arith.remsi %add3A_1563, %jit3A_1564 : i32
        %ne3A_1582 = arith.constant 0 : i32
        %ne3A_1583 = arith.cmpi ne, %rem3A_1581, %ne3A_1582 : i32
        %and3A_1584 = arith.andi %ne3A_1580, %ne3A_1583 : i1
        %sub3A_1585 = arith.constant 1 : i32
        %sub3A_1586 = arith.subi %div3A_1565, %sub3A_1585 : i32
        %select_n3A_1587 = arith.select %and3A_1584, %sub3A_1586, %div3A_1565 : i32
        %jit3A_1588 = arith.constant 2 : i32
        %eq3A_1589 = arith.constant 0 : i32
        %eq3A_1590 = arith.cmpi eq, %jit3A_1588, %eq3A_1589 : i32
        %jit3A_1591 = arith.constant 1 : i32
        %select_n3A_1592 = arith.select %eq3A_1590, %jit3A_1591, %jit3A_1588 : i32
        %rem3A_1593 = arith.remsi %add3A_1563, %select_n3A_1592 : i32
        %ne3A_1594 = arith.constant 0 : i32
        %ne3A_1595 = arith.cmpi ne, %rem3A_1593, %ne3A_1594 : i32
        %lt3A_1596 = arith.constant 0 : i32
        %lt3A_1597 = arith.cmpi slt, %rem3A_1593, %lt3A_1596 : i32
        %lt3A_1598 = arith.constant 0 : i32
        %lt3A_1599 = arith.cmpi slt, %select_n3A_1592, %lt3A_1598 : i32
        %ne3A_1600 = arith.xori %lt3A_1597, %lt3A_1599 : i1
        %and3A_1601 = arith.andi %ne3A_1600, %ne3A_1595 : i1
        %add3A_1602 = arith.addi %rem3A_1593, %select_n3A_1592 : i32
        %select_n3A_1603 = arith.select %and3A_1601, %add3A_1602, %rem3A_1593 : i32
        %mul3A_1604 = arith.constant 64 : i32
        %mul3A_1605 = arith.muli %select_n3A_1603, %mul3A_1604 : i32
        %add3A_1606 = arith.addi %mul3A_2, %mul3A_1605 : i32
        %dma_wait3A_1607 = arith.constant 0 : i32
        %dma_wait3A_1608 = arith.constant 0 : i32
        %dma_wait3A_1609 = arith.constant 0 : i32
        %dma_wait3A_1610 = arith.constant 0 : i32
        %dma_wait3A_1611 = tpu.memref_slice %arg6[%dma_wait3A_1607, %dma_wait3A_1609, %dma_wait3A_1610] : memref<10x64x128xf32, #tpu.memory_space<vmem>> -> memref<1x64x128xf32, #tpu.memory_space<vmem>>
        %dma_wait3A_1612 = tpu.memref_squeeze %dma_wait3A_1611 : memref<1x64x128xf32, #tpu.memory_space<vmem>> -> memref<64x128xf32, #tpu.memory_space<vmem>>
        %dma_wait3A_1613 = arith.constant 0 : i32
        %dma_wait3A_1614 = tpu.memref_slice %arg4[%select_n3A_1587, %add3A_1606, %dma_wait3A_1613] : memref<50x4096x128xf32, #tpu.memory_space<hbm>> -> memref<1x64x128xf32, #tpu.memory_space<hbm>>
        %dma_wait3A_1615 = tpu.memref_squeeze %dma_wait3A_1614 : memref<1x64x128xf32, #tpu.memory_space<hbm>> -> memref<64x128xf32, #tpu.memory_space<hbm>>
        %dma_wait3A_1616 = tpu.memref_slice %arg8[%dma_wait3A_1608] : memref<10x!tpu.dma_semaphore, #tpu.memory_space<semaphore_mem>> -> memref<1x!tpu.dma_semaphore, #tpu.memory_space<semaphore_mem>>
        %dma_wait3A_1617 = tpu.memref_squeeze %dma_wait3A_1616 : memref<1x!tpu.dma_semaphore, #tpu.memory_space<semaphore_mem>> -> memref<!tpu.dma_semaphore, #tpu.memory_space<semaphore_mem>>
        %dma_wait3A_1618 = arith.constant 0 : i32
        %dma_wait3A_1619 = tpu.memref_slice %arg4[%select_n3A_1587, %add3A_1606, %dma_wait3A_1618] : memref<50x4096x128xf32, #tpu.memory_space<hbm>> -> memref<1x64x128xf32, #tpu.memory_space<hbm>>
        %dma_wait3A_1620 = tpu.memref_squeeze %dma_wait3A_1619 : memref<1x64x128xf32, #tpu.memory_space<hbm>> -> memref<64x128xf32, #tpu.memory_space<hbm>>
        %dma_wait3A_1621 = arith.constant 0 : i32
        %dma_wait3A_1622 = arith.constant 0 : i32
        %dma_wait3A_1623 = tpu.memref_slice %arg6[%dma_wait3A_1607, %dma_wait3A_1621, %dma_wait3A_1622] : memref<10x64x128xf32, #tpu.memory_space<vmem>> -> memref<1x64x128xf32, #tpu.memory_space<vmem>>
        %dma_wait3A_1624 = tpu.memref_squeeze %dma_wait3A_1623 : memref<1x64x128xf32, #tpu.memory_space<vmem>> -> memref<64x128xf32, #tpu.memory_space<vmem>>
        tpu.wait_dma2 semaphore(%dma_wait3A_1617 : memref<!tpu.dma_semaphore, #tpu.memory_space<semaphore_mem>>) src(%dma_wait3A_1624 : memref<64x128xf32, #tpu.memory_space<vmem>>) dst(%dma_wait3A_1620 : memref<64x128xf32, #tpu.memory_space<hbm>>)
        %add3A_1625 = arith.constant 10 : i32
        %add3A_1626 = arith.addi %mul3A_368, %add3A_1625 : i32
        %add3A_1627 = arith.constant 0 : i32
        %add3A_1628 = arith.addi %add3A_1626, %add3A_1627 : i32
        %jit3A_1629 = arith.constant 2 : i32
        %div3A_1630 = arith.divsi %add3A_1628, %jit3A_1629 : i32
        %sign3A_1631 = arith.constant 0 : i32
        %sign3A_1632 = arith.cmpi sgt, %add3A_1628, %sign3A_1631 : i32
        %sign3A_1633 = arith.extui %sign3A_1632 : i1 to i32
        %sign3A_1634 = arith.constant 0 : i32
        %sign3A_1635 = arith.cmpi slt, %add3A_1628, %sign3A_1634 : i32
        %sign3A_1636 = arith.extui %sign3A_1635 : i1 to i32
        %sign3A_1637 = arith.subi %sign3A_1633, %sign3A_1636 : i32
        %sign3A_1638 = arith.constant 0 : i32
        %sign3A_1639 = arith.cmpi sgt, %jit3A_1629, %sign3A_1638 : i32
        %sign3A_1640 = arith.extui %sign3A_1639 : i1 to i32
        %sign3A_1641 = arith.constant 0 : i32
        %sign3A_1642 = arith.cmpi slt, %jit3A_1629, %sign3A_1641 : i32
        %sign3A_1643 = arith.extui %sign3A_1642 : i1 to i32
        %sign3A_1644 = arith.subi %sign3A_1640, %sign3A_1643 : i32
        %ne3A_1645 = arith.cmpi ne, %sign3A_1637, %sign3A_1644 : i32
        %rem3A_1646 = arith.remsi %add3A_1628, %jit3A_1629 : i32
        %ne3A_1647 = arith.constant 0 : i32
        %ne3A_1648 = arith.cmpi ne, %rem3A_1646, %ne3A_1647 : i32
        %and3A_1649 = arith.andi %ne3A_1645, %ne3A_1648 : i1
        %sub3A_1650 = arith.constant 1 : i32
        %sub3A_1651 = arith.subi %div3A_1630, %sub3A_1650 : i32
        %select_n3A_1652 = arith.select %and3A_1649, %sub3A_1651, %div3A_1630 : i32
        %jit3A_1653 = arith.constant 2 : i32
        %eq3A_1654 = arith.constant 0 : i32
        %eq3A_1655 = arith.cmpi eq, %jit3A_1653, %eq3A_1654 : i32
        %jit3A_1656 = arith.constant 1 : i32
        %select_n3A_1657 = arith.select %eq3A_1655, %jit3A_1656, %jit3A_1653 : i32
        %rem3A_1658 = arith.remsi %add3A_1628, %select_n3A_1657 : i32
        %ne3A_1659 = arith.constant 0 : i32
        %ne3A_1660 = arith.cmpi ne, %rem3A_1658, %ne3A_1659 : i32
        %lt3A_1661 = arith.constant 0 : i32
        %lt3A_1662 = arith.cmpi slt, %rem3A_1658, %lt3A_1661 : i32
        %lt3A_1663 = arith.constant 0 : i32
        %lt3A_1664 = arith.cmpi slt, %select_n3A_1657, %lt3A_1663 : i32
        %ne3A_1665 = arith.xori %lt3A_1662, %lt3A_1664 : i1
        %and3A_1666 = arith.andi %ne3A_1665, %ne3A_1660 : i1
        %add3A_1667 = arith.addi %rem3A_1658, %select_n3A_1657 : i32
        %select_n3A_1668 = arith.select %and3A_1666, %add3A_1667, %rem3A_1658 : i32
        %mul3A_1669 = arith.constant 64 : i32
        %mul3A_1670 = arith.muli %select_n3A_1668, %mul3A_1669 : i32
        %dma_start3A_1671 = arith.constant 0 : i32
        %dma_start3A_1672 = arith.constant 0 : i32
        %dma_start3A_1673 = arith.constant 0 : i32
        %dma_start3A_1674 = arith.constant 0 : i32
        %dma_start3A_1675 = tpu.memref_slice %arg6[%dma_start3A_1671, %dma_start3A_1673, %dma_start3A_1674] : memref<10x64x128xf32, #tpu.memory_space<vmem>> -> memref<1x64x128xf32, #tpu.memory_space<vmem>>
        %dma_start3A_1676 = tpu.memref_squeeze %dma_start3A_1675 : memref<1x64x128xf32, #tpu.memory_space<vmem>> -> memref<64x128xf32, #tpu.memory_space<vmem>>
        %dma_start3A_1677 = tpu.memref_slice %arg5[%select_n3A_1652, %mul3A_1670] : memref<50x128xi32, #tpu.memory_space<vmem>> -> memref<1x64xi32, #tpu.memory_space<vmem>>
        %dma_start3A_1678 = tpu.memref_squeeze %dma_start3A_1677 : memref<1x64xi32, #tpu.memory_space<vmem>> -> memref<64xi32, #tpu.memory_space<vmem>>
        %dma_start3A_1679 = arith.constant 0 : i32
        %dma_start3A_1680 = arith.constant 0 : i32
        %dma_start3A_1681 = tpu.memref_slice %arg3[%dma_start3A_1679, %dma_start3A_1680] : memref<100000x128xf32, #tpu.memory_space<hbm>> -> memref<100000x128xf32, #tpu.memory_space<hbm>>
        %dma_start3A_1682 = tpu.memref_slice %arg7[%dma_start3A_1672] : memref<10x!tpu.dma_semaphore, #tpu.memory_space<semaphore_mem>> -> memref<1x!tpu.dma_semaphore, #tpu.memory_space<semaphore_mem>>
        %dma_start3A_1683 = tpu.memref_squeeze %dma_start3A_1682 : memref<1x!tpu.dma_semaphore, #tpu.memory_space<semaphore_mem>> -> memref<!tpu.dma_semaphore, #tpu.memory_space<semaphore_mem>>
        tpu.enqueue_indirect_dma source(%dma_start3A_1681 : memref<100000x128xf32, #tpu.memory_space<hbm>>) target(%dma_start3A_1676 : memref<64x128xf32, #tpu.memory_space<vmem>>) offsets(%dma_start3A_1678 : memref<64xi32, #tpu.memory_space<vmem>>) semaphore(%dma_start3A_1683 : memref<!tpu.dma_semaphore, #tpu.memory_space<semaphore_mem>>)
        %add3A_1684 = arith.constant 1 : i32
        %add3A_1685 = arith.addi %mul3A_368, %add3A_1684 : i32
        %jit3A_1686 = arith.constant 2 : i32
        %div3A_1687 = arith.divsi %add3A_1685, %jit3A_1686 : i32
        %sign3A_1688 = arith.constant 0 : i32
        %sign3A_1689 = arith.cmpi sgt, %add3A_1685, %sign3A_1688 : i32
        %sign3A_1690 = arith.extui %sign3A_1689 : i1 to i32
        %sign3A_1691 = arith.constant 0 : i32
        %sign3A_1692 = arith.cmpi slt, %add3A_1685, %sign3A_1691 : i32
        %sign3A_1693 = arith.extui %sign3A_1692 : i1 to i32
        %sign3A_1694 = arith.subi %sign3A_1690, %sign3A_1693 : i32
        %sign3A_1695 = arith.constant 0 : i32
        %sign3A_1696 = arith.cmpi sgt, %jit3A_1686, %sign3A_1695 : i32
        %sign3A_1697 = arith.extui %sign3A_1696 : i1 to i32
        %sign3A_1698 = arith.constant 0 : i32
        %sign3A_1699 = arith.cmpi slt, %jit3A_1686, %sign3A_1698 : i32
        %sign3A_1700 = arith.extui %sign3A_1699 : i1 to i32
        %sign3A_1701 = arith.subi %sign3A_1697, %sign3A_1700 : i32
        %ne3A_1702 = arith.cmpi ne, %sign3A_1694, %sign3A_1701 : i32
        %rem3A_1703 = arith.remsi %add3A_1685, %jit3A_1686 : i32
        %ne3A_1704 = arith.constant 0 : i32
        %ne3A_1705 = arith.cmpi ne, %rem3A_1703, %ne3A_1704 : i32
        %and3A_1706 = arith.andi %ne3A_1702, %ne3A_1705 : i1
        %sub3A_1707 = arith.constant 1 : i32
        %sub3A_1708 = arith.subi %div3A_1687, %sub3A_1707 : i32
        %select_n3A_1709 = arith.select %and3A_1706, %sub3A_1708, %div3A_1687 : i32
        %jit3A_1710 = arith.constant 2 : i32
        %eq3A_1711 = arith.constant 0 : i32
        %eq3A_1712 = arith.cmpi eq, %jit3A_1710, %eq3A_1711 : i32
        %jit3A_1713 = arith.constant 1 : i32
        %select_n3A_1714 = arith.select %eq3A_1712, %jit3A_1713, %jit3A_1710 : i32
        %rem3A_1715 = arith.remsi %add3A_1685, %select_n3A_1714 : i32
        %ne3A_1716 = arith.constant 0 : i32
        %ne3A_1717 = arith.cmpi ne, %rem3A_1715, %ne3A_1716 : i32
        %lt3A_1718 = arith.constant 0 : i32
        %lt3A_1719 = arith.cmpi slt, %rem3A_1715, %lt3A_1718 : i32
        %lt3A_1720 = arith.constant 0 : i32
        %lt3A_1721 = arith.cmpi slt, %select_n3A_1714, %lt3A_1720 : i32
        %ne3A_1722 = arith.xori %lt3A_1719, %lt3A_1721 : i1
        %and3A_1723 = arith.andi %ne3A_1722, %ne3A_1717 : i1
        %add3A_1724 = arith.addi %rem3A_1715, %select_n3A_1714 : i32
        %select_n3A_1725 = arith.select %and3A_1723, %add3A_1724, %rem3A_1715 : i32
        %mul3A_1726 = arith.constant 64 : i32
        %mul3A_1727 = arith.muli %select_n3A_1725, %mul3A_1726 : i32
        %add3A_1728 = arith.addi %mul3A_2, %mul3A_1727 : i32
        %dma_wait3A_1729 = arith.constant 1 : i32
        %dma_wait3A_1730 = arith.constant 1 : i32
        %dma_wait3A_1731 = arith.constant 0 : i32
        %dma_wait3A_1732 = arith.constant 0 : i32
        %dma_wait3A_1733 = tpu.memref_slice %arg6[%dma_wait3A_1729, %dma_wait3A_1731, %dma_wait3A_1732] : memref<10x64x128xf32, #tpu.memory_space<vmem>> -> memref<1x64x128xf32, #tpu.memory_space<vmem>>
        %dma_wait3A_1734 = tpu.memref_squeeze %dma_wait3A_1733 : memref<1x64x128xf32, #tpu.memory_space<vmem>> -> memref<64x128xf32, #tpu.memory_space<vmem>>
        %dma_wait3A_1735 = arith.constant 0 : i32
        %dma_wait3A_1736 = tpu.memref_slice %arg4[%select_n3A_1709, %add3A_1728, %dma_wait3A_1735] : memref<50x4096x128xf32, #tpu.memory_space<hbm>> -> memref<1x64x128xf32, #tpu.memory_space<hbm>>
        %dma_wait3A_1737 = tpu.memref_squeeze %dma_wait3A_1736 : memref<1x64x128xf32, #tpu.memory_space<hbm>> -> memref<64x128xf32, #tpu.memory_space<hbm>>
        %dma_wait3A_1738 = tpu.memref_slice %arg8[%dma_wait3A_1730] : memref<10x!tpu.dma_semaphore, #tpu.memory_space<semaphore_mem>> -> memref<1x!tpu.dma_semaphore, #tpu.memory_space<semaphore_mem>>
        %dma_wait3A_1739 = tpu.memref_squeeze %dma_wait3A_1738 : memref<1x!tpu.dma_semaphore, #tpu.memory_space<semaphore_mem>> -> memref<!tpu.dma_semaphore, #tpu.memory_space<semaphore_mem>>
        %dma_wait3A_1740 = arith.constant 0 : i32
        %dma_wait3A_1741 = tpu.memref_slice %arg4[%select_n3A_1709, %add3A_1728, %dma_wait3A_1740] : memref<50x4096x128xf32, #tpu.memory_space<hbm>> -> memref<1x64x128xf32, #tpu.memory_space<hbm>>
        %dma_wait3A_1742 = tpu.memref_squeeze %dma_wait3A_1741 : memref<1x64x128xf32, #tpu.memory_space<hbm>> -> memref<64x128xf32, #tpu.memory_space<hbm>>
        %dma_wait3A_1743 = arith.constant 0 : i32
        %dma_wait3A_1744 = arith.constant 0 : i32
        %dma_wait3A_1745 = tpu.memref_slice %arg6[%dma_wait3A_1729, %dma_wait3A_1743, %dma_wait3A_1744] : memref<10x64x128xf32, #tpu.memory_space<vmem>> -> memref<1x64x128xf32, #tpu.memory_space<vmem>>
        %dma_wait3A_1746 = tpu.memref_squeeze %dma_wait3A_1745 : memref<1x64x128xf32, #tpu.memory_space<vmem>> -> memref<64x128xf32, #tpu.memory_space<vmem>>
        tpu.wait_dma2 semaphore(%dma_wait3A_1739 : memref<!tpu.dma_semaphore, #tpu.memory_space<semaphore_mem>>) src(%dma_wait3A_1746 : memref<64x128xf32, #tpu.memory_space<vmem>>) dst(%dma_wait3A_1742 : memref<64x128xf32, #tpu.memory_space<hbm>>)
        %add3A_1747 = arith.constant 10 : i32
        %add3A_1748 = arith.addi %mul3A_368, %add3A_1747 : i32
        %add3A_1749 = arith.constant 1 : i32
        %add3A_1750 = arith.addi %add3A_1748, %add3A_1749 : i32
        %jit3A_1751 = arith.constant 2 : i32
        %div3A_1752 = arith.divsi %add3A_1750, %jit3A_1751 : i32
        %sign3A_1753 = arith.constant 0 : i32
        %sign3A_1754 = arith.cmpi sgt, %add3A_1750, %sign3A_1753 : i32
        %sign3A_1755 = arith.extui %sign3A_1754 : i1 to i32
        %sign3A_1756 = arith.constant 0 : i32
        %sign3A_1757 = arith.cmpi slt, %add3A_1750, %sign3A_1756 : i32
        %sign3A_1758 = arith.extui %sign3A_1757 : i1 to i32
        %sign3A_1759 = arith.subi %sign3A_1755, %sign3A_1758 : i32
        %sign3A_1760 = arith.constant 0 : i32
        %sign3A_1761 = arith.cmpi sgt, %jit3A_1751, %sign3A_1760 : i32
        %sign3A_1762 = arith.extui %sign3A_1761 : i1 to i32
        %sign3A_1763 = arith.constant 0 : i32
        %sign3A_1764 = arith.cmpi slt, %jit3A_1751, %sign3A_1763 : i32
        %sign3A_1765 = arith.extui %sign3A_1764 : i1 to i32
        %sign3A_1766 = arith.subi %sign3A_1762, %sign3A_1765 : i32
        %ne3A_1767 = arith.cmpi ne, %sign3A_1759, %sign3A_1766 : i32
        %rem3A_1768 = arith.remsi %add3A_1750, %jit3A_1751 : i32
        %ne3A_1769 = arith.constant 0 : i32
        %ne3A_1770 = arith.cmpi ne, %rem3A_1768, %ne3A_1769 : i32
        %and3A_1771 = arith.andi %ne3A_1767, %ne3A_1770 : i1
        %sub3A_1772 = arith.constant 1 : i32
        %sub3A_1773 = arith.subi %div3A_1752, %sub3A_1772 : i32
        %select_n3A_1774 = arith.select %and3A_1771, %sub3A_1773, %div3A_1752 : i32
        %jit3A_1775 = arith.constant 2 : i32
        %eq3A_1776 = arith.constant 0 : i32
        %eq3A_1777 = arith.cmpi eq, %jit3A_1775, %eq3A_1776 : i32
        %jit3A_1778 = arith.constant 1 : i32
        %select_n3A_1779 = arith.select %eq3A_1777, %jit3A_1778, %jit3A_1775 : i32
        %rem3A_1780 = arith.remsi %add3A_1750, %select_n3A_1779 : i32
        %ne3A_1781 = arith.constant 0 : i32
        %ne3A_1782 = arith.cmpi ne, %rem3A_1780, %ne3A_1781 : i32
        %lt3A_1783 = arith.constant 0 : i32
        %lt3A_1784 = arith.cmpi slt, %rem3A_1780, %lt3A_1783 : i32
        %lt3A_1785 = arith.constant 0 : i32
        %lt3A_1786 = arith.cmpi slt, %select_n3A_1779, %lt3A_1785 : i32
        %ne3A_1787 = arith.xori %lt3A_1784, %lt3A_1786 : i1
        %and3A_1788 = arith.andi %ne3A_1787, %ne3A_1782 : i1
        %add3A_1789 = arith.addi %rem3A_1780, %select_n3A_1779 : i32
        %select_n3A_1790 = arith.select %and3A_1788, %add3A_1789, %rem3A_1780 : i32
        %mul3A_1791 = arith.constant 64 : i32
        %mul3A_1792 = arith.muli %select_n3A_1790, %mul3A_1791 : i32
        %dma_start3A_1793 = arith.constant 1 : i32
        %dma_start3A_1794 = arith.constant 1 : i32
        %dma_start3A_1795 = arith.constant 0 : i32
        %dma_start3A_1796 = arith.constant 0 : i32
        %dma_start3A_1797 = tpu.memref_slice %arg6[%dma_start3A_1793, %dma_start3A_1795, %dma_start3A_1796] : memref<10x64x128xf32, #tpu.memory_space<vmem>> -> memref<1x64x128xf32, #tpu.memory_space<vmem>>
        %dma_start3A_1798 = tpu.memref_squeeze %dma_start3A_1797 : memref<1x64x128xf32, #tpu.memory_space<vmem>> -> memref<64x128xf32, #tpu.memory_space<vmem>>
        %dma_start3A_1799 = tpu.memref_slice %arg5[%select_n3A_1774, %mul3A_1792] : memref<50x128xi32, #tpu.memory_space<vmem>> -> memref<1x64xi32, #tpu.memory_space<vmem>>
        %dma_start3A_1800 = tpu.memref_squeeze %dma_start3A_1799 : memref<1x64xi32, #tpu.memory_space<vmem>> -> memref<64xi32, #tpu.memory_space<vmem>>
        %dma_start3A_1801 = arith.constant 0 : i32
        %dma_start3A_1802 = arith.constant 0 : i32
        %dma_start3A_1803 = tpu.memref_slice %arg3[%dma_start3A_1801, %dma_start3A_1802] : memref<100000x128xf32, #tpu.memory_space<hbm>> -> memref<100000x128xf32, #tpu.memory_space<hbm>>
        %dma_start3A_1804 = tpu.memref_slice %arg7[%dma_start3A_1794] : memref<10x!tpu.dma_semaphore, #tpu.memory_space<semaphore_mem>> -> memref<1x!tpu.dma_semaphore, #tpu.memory_space<semaphore_mem>>
        %dma_start3A_1805 = tpu.memref_squeeze %dma_start3A_1804 : memref<1x!tpu.dma_semaphore, #tpu.memory_space<semaphore_mem>> -> memref<!tpu.dma_semaphore, #tpu.memory_space<semaphore_mem>>
        tpu.enqueue_indirect_dma source(%dma_start3A_1803 : memref<100000x128xf32, #tpu.memory_space<hbm>>) target(%dma_start3A_1798 : memref<64x128xf32, #tpu.memory_space<vmem>>) offsets(%dma_start3A_1800 : memref<64xi32, #tpu.memory_space<vmem>>) semaphore(%dma_start3A_1805 : memref<!tpu.dma_semaphore, #tpu.memory_space<semaphore_mem>>)
        %add3A_1806 = arith.constant 2 : i32
        %add3A_1807 = arith.addi %mul3A_368, %add3A_1806 : i32
        %jit3A_1808 = arith.constant 2 : i32
        %div3A_1809 = arith.divsi %add3A_1807, %jit3A_1808 : i32
        %sign3A_1810 = arith.constant 0 : i32
        %sign3A_1811 = arith.cmpi sgt, %add3A_1807, %sign3A_1810 : i32
        %sign3A_1812 = arith.extui %sign3A_1811 : i1 to i32
        %sign3A_1813 = arith.constant 0 : i32
        %sign3A_1814 = arith.cmpi slt, %add3A_1807, %sign3A_1813 : i32
        %sign3A_1815 = arith.extui %sign3A_1814 : i1 to i32
        %sign3A_1816 = arith.subi %sign3A_1812, %sign3A_1815 : i32
        %sign3A_1817 = arith.constant 0 : i32
        %sign3A_1818 = arith.cmpi sgt, %jit3A_1808, %sign3A_1817 : i32
        %sign3A_1819 = arith.extui %sign3A_1818 : i1 to i32
        %sign3A_1820 = arith.constant 0 : i32
        %sign3A_1821 = arith.cmpi slt, %jit3A_1808, %sign3A_1820 : i32
        %sign3A_1822 = arith.extui %sign3A_1821 : i1 to i32
        %sign3A_1823 = arith.subi %sign3A_1819, %sign3A_1822 : i32
        %ne3A_1824 = arith.cmpi ne, %sign3A_1816, %sign3A_1823 : i32
        %rem3A_1825 = arith.remsi %add3A_1807, %jit3A_1808 : i32
        %ne3A_1826 = arith.constant 0 : i32
        %ne3A_1827 = arith.cmpi ne, %rem3A_1825, %ne3A_1826 : i32
        %and3A_1828 = arith.andi %ne3A_1824, %ne3A_1827 : i1
        %sub3A_1829 = arith.constant 1 : i32
        %sub3A_1830 = arith.subi %div3A_1809, %sub3A_1829 : i32
        %select_n3A_1831 = arith.select %and3A_1828, %sub3A_1830, %div3A_1809 : i32
        %jit3A_1832 = arith.constant 2 : i32
        %eq3A_1833 = arith.constant 0 : i32
        %eq3A_1834 = arith.cmpi eq, %jit3A_1832, %eq3A_1833 : i32
        %jit3A_1835 = arith.constant 1 : i32
        %select_n3A_1836 = arith.select %eq3A_1834, %jit3A_1835, %jit3A_1832 : i32
        %rem3A_1837 = arith.remsi %add3A_1807, %select_n3A_1836 : i32
        %ne3A_1838 = arith.constant 0 : i32
        %ne3A_1839 = arith.cmpi ne, %rem3A_1837, %ne3A_1838 : i32
        %lt3A_1840 = arith.constant 0 : i32
        %lt3A_1841 = arith.cmpi slt, %rem3A_1837, %lt3A_1840 : i32
        %lt3A_1842 = arith.constant 0 : i32
        %lt3A_1843 = arith.cmpi slt, %select_n3A_1836, %lt3A_1842 : i32
        %ne3A_1844 = arith.xori %lt3A_1841, %lt3A_1843 : i1
        %and3A_1845 = arith.andi %ne3A_1844, %ne3A_1839 : i1
        %add3A_1846 = arith.addi %rem3A_1837, %select_n3A_1836 : i32
        %select_n3A_1847 = arith.select %and3A_1845, %add3A_1846, %rem3A_1837 : i32
        %mul3A_1848 = arith.constant 64 : i32
        %mul3A_1849 = arith.muli %select_n3A_1847, %mul3A_1848 : i32
        %add3A_1850 = arith.addi %mul3A_2, %mul3A_1849 : i32
        %dma_wait3A_1851 = arith.constant 2 : i32
        %dma_wait3A_1852 = arith.constant 2 : i32
        %dma_wait3A_1853 = arith.constant 0 : i32
        %dma_wait3A_1854 = arith.constant 0 : i32
        %dma_wait3A_1855 = tpu.memref_slice %arg6[%dma_wait3A_1851, %dma_wait3A_1853, %dma_wait3A_1854] : memref<10x64x128xf32, #tpu.memory_space<vmem>> -> memref<1x64x128xf32, #tpu.memory_space<vmem>>
        %dma_wait3A_1856 = tpu.memref_squeeze %dma_wait3A_1855 : memref<1x64x128xf32, #tpu.memory_space<vmem>> -> memref<64x128xf32, #tpu.memory_space<vmem>>
        %dma_wait3A_1857 = arith.constant 0 : i32
        %dma_wait3A_1858 = tpu.memref_slice %arg4[%select_n3A_1831, %add3A_1850, %dma_wait3A_1857] : memref<50x4096x128xf32, #tpu.memory_space<hbm>> -> memref<1x64x128xf32, #tpu.memory_space<hbm>>
        %dma_wait3A_1859 = tpu.memref_squeeze %dma_wait3A_1858 : memref<1x64x128xf32, #tpu.memory_space<hbm>> -> memref<64x128xf32, #tpu.memory_space<hbm>>
        %dma_wait3A_1860 = tpu.memref_slice %arg8[%dma_wait3A_1852] : memref<10x!tpu.dma_semaphore, #tpu.memory_space<semaphore_mem>> -> memref<1x!tpu.dma_semaphore, #tpu.memory_space<semaphore_mem>>
        %dma_wait3A_1861 = tpu.memref_squeeze %dma_wait3A_1860 : memref<1x!tpu.dma_semaphore, #tpu.memory_space<semaphore_mem>> -> memref<!tpu.dma_semaphore, #tpu.memory_space<semaphore_mem>>
        %dma_wait3A_1862 = arith.constant 0 : i32
        %dma_wait3A_1863 = tpu.memref_slice %arg4[%select_n3A_1831, %add3A_1850, %dma_wait3A_1862] : memref<50x4096x128xf32, #tpu.memory_space<hbm>> -> memref<1x64x128xf32, #tpu.memory_space<hbm>>
        %dma_wait3A_1864 = tpu.memref_squeeze %dma_wait3A_1863 : memref<1x64x128xf32, #tpu.memory_space<hbm>> -> memref<64x128xf32, #tpu.memory_space<hbm>>
        %dma_wait3A_1865 = arith.constant 0 : i32
        %dma_wait3A_1866 = arith.constant 0 : i32
        %dma_wait3A_1867 = tpu.memref_slice %arg6[%dma_wait3A_1851, %dma_wait3A_1865, %dma_wait3A_1866] : memref<10x64x128xf32, #tpu.memory_space<vmem>> -> memref<1x64x128xf32, #tpu.memory_space<vmem>>
        %dma_wait3A_1868 = tpu.memref_squeeze %dma_wait3A_1867 : memref<1x64x128xf32, #tpu.memory_space<vmem>> -> memref<64x128xf32, #tpu.memory_space<vmem>>
        tpu.wait_dma2 semaphore(%dma_wait3A_1861 : memref<!tpu.dma_semaphore, #tpu.memory_space<semaphore_mem>>) src(%dma_wait3A_1868 : memref<64x128xf32, #tpu.memory_space<vmem>>) dst(%dma_wait3A_1864 : memref<64x128xf32, #tpu.memory_space<hbm>>)
        %add3A_1869 = arith.constant 10 : i32
        %add3A_1870 = arith.addi %mul3A_368, %add3A_1869 : i32
        %add3A_1871 = arith.constant 2 : i32
        %add3A_1872 = arith.addi %add3A_1870, %add3A_1871 : i32
        %jit3A_1873 = arith.constant 2 : i32
        %div3A_1874 = arith.divsi %add3A_1872, %jit3A_1873 : i32
        %sign3A_1875 = arith.constant 0 : i32
        %sign3A_1876 = arith.cmpi sgt, %add3A_1872, %sign3A_1875 : i32
        %sign3A_1877 = arith.extui %sign3A_1876 : i1 to i32
        %sign3A_1878 = arith.constant 0 : i32
        %sign3A_1879 = arith.cmpi slt, %add3A_1872, %sign3A_1878 : i32
        %sign3A_1880 = arith.extui %sign3A_1879 : i1 to i32
        %sign3A_1881 = arith.subi %sign3A_1877, %sign3A_1880 : i32
        %sign3A_1882 = arith.constant 0 : i32
        %sign3A_1883 = arith.cmpi sgt, %jit3A_1873, %sign3A_1882 : i32
        %sign3A_1884 = arith.extui %sign3A_1883 : i1 to i32
        %sign3A_1885 = arith.constant 0 : i32
        %sign3A_1886 = arith.cmpi slt, %jit3A_1873, %sign3A_1885 : i32
        %sign3A_1887 = arith.extui %sign3A_1886 : i1 to i32
        %sign3A_1888 = arith.subi %sign3A_1884, %sign3A_1887 : i32
        %ne3A_1889 = arith.cmpi ne, %sign3A_1881, %sign3A_1888 : i32
        %rem3A_1890 = arith.remsi %add3A_1872, %jit3A_1873 : i32
        %ne3A_1891 = arith.constant 0 : i32
        %ne3A_1892 = arith.cmpi ne, %rem3A_1890, %ne3A_1891 : i32
        %and3A_1893 = arith.andi %ne3A_1889, %ne3A_1892 : i1
        %sub3A_1894 = arith.constant 1 : i32
        %sub3A_1895 = arith.subi %div3A_1874, %sub3A_1894 : i32
        %select_n3A_1896 = arith.select %and3A_1893, %sub3A_1895, %div3A_1874 : i32
        %jit3A_1897 = arith.constant 2 : i32
        %eq3A_1898 = arith.constant 0 : i32
        %eq3A_1899 = arith.cmpi eq, %jit3A_1897, %eq3A_1898 : i32
        %jit3A_1900 = arith.constant 1 : i32
        %select_n3A_1901 = arith.select %eq3A_1899, %jit3A_1900, %jit3A_1897 : i32
        %rem3A_1902 = arith.remsi %add3A_1872, %select_n3A_1901 : i32
        %ne3A_1903 = arith.constant 0 : i32
        %ne3A_1904 = arith.cmpi ne, %rem3A_1902, %ne3A_1903 : i32
        %lt3A_1905 = arith.constant 0 : i32
        %lt3A_1906 = arith.cmpi slt, %rem3A_1902, %lt3A_1905 : i32
        %lt3A_1907 = arith.constant 0 : i32
        %lt3A_1908 = arith.cmpi slt, %select_n3A_1901, %lt3A_1907 : i32
        %ne3A_1909 = arith.xori %lt3A_1906, %lt3A_1908 : i1
        %and3A_1910 = arith.andi %ne3A_1909, %ne3A_1904 : i1
        %add3A_1911 = arith.addi %rem3A_1902, %select_n3A_1901 : i32
        %select_n3A_1912 = arith.select %and3A_1910, %add3A_1911, %rem3A_1902 : i32
        %mul3A_1913 = arith.constant 64 : i32
        %mul3A_1914 = arith.muli %select_n3A_1912, %mul3A_1913 : i32
        %dma_start3A_1915 = arith.constant 2 : i32
        %dma_start3A_1916 = arith.constant 2 : i32
        %dma_start3A_1917 = arith.constant 0 : i32
        %dma_start3A_1918 = arith.constant 0 : i32
        %dma_start3A_1919 = tpu.memref_slice %arg6[%dma_start3A_1915, %dma_start3A_1917, %dma_start3A_1918] : memref<10x64x128xf32, #tpu.memory_space<vmem>> -> memref<1x64x128xf32, #tpu.memory_space<vmem>>
        %dma_start3A_1920 = tpu.memref_squeeze %dma_start3A_1919 : memref<1x64x128xf32, #tpu.memory_space<vmem>> -> memref<64x128xf32, #tpu.memory_space<vmem>>
        %dma_start3A_1921 = tpu.memref_slice %arg5[%select_n3A_1896, %mul3A_1914] : memref<50x128xi32, #tpu.memory_space<vmem>> -> memref<1x64xi32, #tpu.memory_space<vmem>>
        %dma_start3A_1922 = tpu.memref_squeeze %dma_start3A_1921 : memref<1x64xi32, #tpu.memory_space<vmem>> -> memref<64xi32, #tpu.memory_space<vmem>>
        %dma_start3A_1923 = arith.constant 0 : i32
        %dma_start3A_1924 = arith.constant 0 : i32
        %dma_start3A_1925 = tpu.memref_slice %arg3[%dma_start3A_1923, %dma_start3A_1924] : memref<100000x128xf32, #tpu.memory_space<hbm>> -> memref<100000x128xf32, #tpu.memory_space<hbm>>
        %dma_start3A_1926 = tpu.memref_slice %arg7[%dma_start3A_1916] : memref<10x!tpu.dma_semaphore, #tpu.memory_space<semaphore_mem>> -> memref<1x!tpu.dma_semaphore, #tpu.memory_space<semaphore_mem>>
        %dma_start3A_1927 = tpu.memref_squeeze %dma_start3A_1926 : memref<1x!tpu.dma_semaphore, #tpu.memory_space<semaphore_mem>> -> memref<!tpu.dma_semaphore, #tpu.memory_space<semaphore_mem>>
        tpu.enqueue_indirect_dma source(%dma_start3A_1925 : memref<100000x128xf32, #tpu.memory_space<hbm>>) target(%dma_start3A_1920 : memref<64x128xf32, #tpu.memory_space<vmem>>) offsets(%dma_start3A_1922 : memref<64xi32, #tpu.memory_space<vmem>>) semaphore(%dma_start3A_1927 : memref<!tpu.dma_semaphore, #tpu.memory_space<semaphore_mem>>)
        %add3A_1928 = arith.constant 3 : i32
        %add3A_1929 = arith.addi %mul3A_368, %add3A_1928 : i32
        %jit3A_1930 = arith.constant 2 : i32
        %div3A_1931 = arith.divsi %add3A_1929, %jit3A_1930 : i32
        %sign3A_1932 = arith.constant 0 : i32
        %sign3A_1933 = arith.cmpi sgt, %add3A_1929, %sign3A_1932 : i32
        %sign3A_1934 = arith.extui %sign3A_1933 : i1 to i32
        %sign3A_1935 = arith.constant 0 : i32
        %sign3A_1936 = arith.cmpi slt, %add3A_1929, %sign3A_1935 : i32
        %sign3A_1937 = arith.extui %sign3A_1936 : i1 to i32
        %sign3A_1938 = arith.subi %sign3A_1934, %sign3A_1937 : i32
        %sign3A_1939 = arith.constant 0 : i32
        %sign3A_1940 = arith.cmpi sgt, %jit3A_1930, %sign3A_1939 : i32
        %sign3A_1941 = arith.extui %sign3A_1940 : i1 to i32
        %sign3A_1942 = arith.constant 0 : i32
        %sign3A_1943 = arith.cmpi slt, %jit3A_1930, %sign3A_1942 : i32
        %sign3A_1944 = arith.extui %sign3A_1943 : i1 to i32
        %sign3A_1945 = arith.subi %sign3A_1941, %sign3A_1944 : i32
        %ne3A_1946 = arith.cmpi ne, %sign3A_1938, %sign3A_1945 : i32
        %rem3A_1947 = arith.remsi %add3A_1929, %jit3A_1930 : i32
        %ne3A_1948 = arith.constant 0 : i32
        %ne3A_1949 = arith.cmpi ne, %rem3A_1947, %ne3A_1948 : i32
        %and3A_1950 = arith.andi %ne3A_1946, %ne3A_1949 : i1
        %sub3A_1951 = arith.constant 1 : i32
        %sub3A_1952 = arith.subi %div3A_1931, %sub3A_1951 : i32
        %select_n3A_1953 = arith.select %and3A_1950, %sub3A_1952, %div3A_1931 : i32
        %jit3A_1954 = arith.constant 2 : i32
        %eq3A_1955 = arith.constant 0 : i32
        %eq3A_1956 = arith.cmpi eq, %jit3A_1954, %eq3A_1955 : i32
        %jit3A_1957 = arith.constant 1 : i32
        %select_n3A_1958 = arith.select %eq3A_1956, %jit3A_1957, %jit3A_1954 : i32
        %rem3A_1959 = arith.remsi %add3A_1929, %select_n3A_1958 : i32
        %ne3A_1960 = arith.constant 0 : i32
        %ne3A_1961 = arith.cmpi ne, %rem3A_1959, %ne3A_1960 : i32
        %lt3A_1962 = arith.constant 0 : i32
        %lt3A_1963 = arith.cmpi slt, %rem3A_1959, %lt3A_1962 : i32
        %lt3A_1964 = arith.constant 0 : i32
        %lt3A_1965 = arith.cmpi slt, %select_n3A_1958, %lt3A_1964 : i32
        %ne3A_1966 = arith.xori %lt3A_1963, %lt3A_1965 : i1
        %and3A_1967 = arith.andi %ne3A_1966, %ne3A_1961 : i1
        %add3A_1968 = arith.addi %rem3A_1959, %select_n3A_1958 : i32
        %select_n3A_1969 = arith.select %and3A_1967, %add3A_1968, %rem3A_1959 : i32
        %mul3A_1970 = arith.constant 64 : i32
        %mul3A_1971 = arith.muli %select_n3A_1969, %mul3A_1970 : i32
        %add3A_1972 = arith.addi %mul3A_2, %mul3A_1971 : i32
        %dma_wait3A_1973 = arith.constant 3 : i32
        %dma_wait3A_1974 = arith.constant 3 : i32
        %dma_wait3A_1975 = arith.constant 0 : i32
        %dma_wait3A_1976 = arith.constant 0 : i32
        %dma_wait3A_1977 = tpu.memref_slice %arg6[%dma_wait3A_1973, %dma_wait3A_1975, %dma_wait3A_1976] : memref<10x64x128xf32, #tpu.memory_space<vmem>> -> memref<1x64x128xf32, #tpu.memory_space<vmem>>
        %dma_wait3A_1978 = tpu.memref_squeeze %dma_wait3A_1977 : memref<1x64x128xf32, #tpu.memory_space<vmem>> -> memref<64x128xf32, #tpu.memory_space<vmem>>
        %dma_wait3A_1979 = arith.constant 0 : i32
        %dma_wait3A_1980 = tpu.memref_slice %arg4[%select_n3A_1953, %add3A_1972, %dma_wait3A_1979] : memref<50x4096x128xf32, #tpu.memory_space<hbm>> -> memref<1x64x128xf32, #tpu.memory_space<hbm>>
        %dma_wait3A_1981 = tpu.memref_squeeze %dma_wait3A_1980 : memref<1x64x128xf32, #tpu.memory_space<hbm>> -> memref<64x128xf32, #tpu.memory_space<hbm>>
        %dma_wait3A_1982 = tpu.memref_slice %arg8[%dma_wait3A_1974] : memref<10x!tpu.dma_semaphore, #tpu.memory_space<semaphore_mem>> -> memref<1x!tpu.dma_semaphore, #tpu.memory_space<semaphore_mem>>
        %dma_wait3A_1983 = tpu.memref_squeeze %dma_wait3A_1982 : memref<1x!tpu.dma_semaphore, #tpu.memory_space<semaphore_mem>> -> memref<!tpu.dma_semaphore, #tpu.memory_space<semaphore_mem>>
        %dma_wait3A_1984 = arith.constant 0 : i32
        %dma_wait3A_1985 = tpu.memref_slice %arg4[%select_n3A_1953, %add3A_1972, %dma_wait3A_1984] : memref<50x4096x128xf32, #tpu.memory_space<hbm>> -> memref<1x64x128xf32, #tpu.memory_space<hbm>>
        %dma_wait3A_1986 = tpu.memref_squeeze %dma_wait3A_1985 : memref<1x64x128xf32, #tpu.memory_space<hbm>> -> memref<64x128xf32, #tpu.memory_space<hbm>>
        %dma_wait3A_1987 = arith.constant 0 : i32
        %dma_wait3A_1988 = arith.constant 0 : i32
        %dma_wait3A_1989 = tpu.memref_slice %arg6[%dma_wait3A_1973, %dma_wait3A_1987, %dma_wait3A_1988] : memref<10x64x128xf32, #tpu.memory_space<vmem>> -> memref<1x64x128xf32, #tpu.memory_space<vmem>>
        %dma_wait3A_1990 = tpu.memref_squeeze %dma_wait3A_1989 : memref<1x64x128xf32, #tpu.memory_space<vmem>> -> memref<64x128xf32, #tpu.memory_space<vmem>>
        tpu.wait_dma2 semaphore(%dma_wait3A_1983 : memref<!tpu.dma_semaphore, #tpu.memory_space<semaphore_mem>>) src(%dma_wait3A_1990 : memref<64x128xf32, #tpu.memory_space<vmem>>) dst(%dma_wait3A_1986 : memref<64x128xf32, #tpu.memory_space<hbm>>)
        %add3A_1991 = arith.constant 10 : i32
        %add3A_1992 = arith.addi %mul3A_368, %add3A_1991 : i32
        %add3A_1993 = arith.constant 3 : i32
        %add3A_1994 = arith.addi %add3A_1992, %add3A_1993 : i32
        %jit3A_1995 = arith.constant 2 : i32
        %div3A_1996 = arith.divsi %add3A_1994, %jit3A_1995 : i32
        %sign3A_1997 = arith.constant 0 : i32
        %sign3A_1998 = arith.cmpi sgt, %add3A_1994, %sign3A_1997 : i32
        %sign3A_1999 = arith.extui %sign3A_1998 : i1 to i32
        %sign3A_2000 = arith.constant 0 : i32
        %sign3A_2001 = arith.cmpi slt, %add3A_1994, %sign3A_2000 : i32
        %sign3A_2002 = arith.extui %sign3A_2001 : i1 to i32
        %sign3A_2003 = arith.subi %sign3A_1999, %sign3A_2002 : i32
        %sign3A_2004 = arith.constant 0 : i32
        %sign3A_2005 = arith.cmpi sgt, %jit3A_1995, %sign3A_2004 : i32
        %sign3A_2006 = arith.extui %sign3A_2005 : i1 to i32
        %sign3A_2007 = arith.constant 0 : i32
        %sign3A_2008 = arith.cmpi slt, %jit3A_1995, %sign3A_2007 : i32
        %sign3A_2009 = arith.extui %sign3A_2008 : i1 to i32
        %sign3A_2010 = arith.subi %sign3A_2006, %sign3A_2009 : i32
        %ne3A_2011 = arith.cmpi ne, %sign3A_2003, %sign3A_2010 : i32
        %rem3A_2012 = arith.remsi %add3A_1994, %jit3A_1995 : i32
        %ne3A_2013 = arith.constant 0 : i32
        %ne3A_2014 = arith.cmpi ne, %rem3A_2012, %ne3A_2013 : i32
        %and3A_2015 = arith.andi %ne3A_2011, %ne3A_2014 : i1
        %sub3A_2016 = arith.constant 1 : i32
        %sub3A_2017 = arith.subi %div3A_1996, %sub3A_2016 : i32
        %select_n3A_2018 = arith.select %and3A_2015, %sub3A_2017, %div3A_1996 : i32
        %jit3A_2019 = arith.constant 2 : i32
        %eq3A_2020 = arith.constant 0 : i32
        %eq3A_2021 = arith.cmpi eq, %jit3A_2019, %eq3A_2020 : i32
        %jit3A_2022 = arith.constant 1 : i32
        %select_n3A_2023 = arith.select %eq3A_2021, %jit3A_2022, %jit3A_2019 : i32
        %rem3A_2024 = arith.remsi %add3A_1994, %select_n3A_2023 : i32
        %ne3A_2025 = arith.constant 0 : i32
        %ne3A_2026 = arith.cmpi ne, %rem3A_2024, %ne3A_2025 : i32
        %lt3A_2027 = arith.constant 0 : i32
        %lt3A_2028 = arith.cmpi slt, %rem3A_2024, %lt3A_2027 : i32
        %lt3A_2029 = arith.constant 0 : i32
        %lt3A_2030 = arith.cmpi slt, %select_n3A_2023, %lt3A_2029 : i32
        %ne3A_2031 = arith.xori %lt3A_2028, %lt3A_2030 : i1
        %and3A_2032 = arith.andi %ne3A_2031, %ne3A_2026 : i1
        %add3A_2033 = arith.addi %rem3A_2024, %select_n3A_2023 : i32
        %select_n3A_2034 = arith.select %and3A_2032, %add3A_2033, %rem3A_2024 : i32
        %mul3A_2035 = arith.constant 64 : i32
        %mul3A_2036 = arith.muli %select_n3A_2034, %mul3A_2035 : i32
        %dma_start3A_2037 = arith.constant 3 : i32
        %dma_start3A_2038 = arith.constant 3 : i32
        %dma_start3A_2039 = arith.constant 0 : i32
        %dma_start3A_2040 = arith.constant 0 : i32
        %dma_start3A_2041 = tpu.memref_slice %arg6[%dma_start3A_2037, %dma_start3A_2039, %dma_start3A_2040] : memref<10x64x128xf32, #tpu.memory_space<vmem>> -> memref<1x64x128xf32, #tpu.memory_space<vmem>>
        %dma_start3A_2042 = tpu.memref_squeeze %dma_start3A_2041 : memref<1x64x128xf32, #tpu.memory_space<vmem>> -> memref<64x128xf32, #tpu.memory_space<vmem>>
        %dma_start3A_2043 = tpu.memref_slice %arg5[%select_n3A_2018, %mul3A_2036] : memref<50x128xi32, #tpu.memory_space<vmem>> -> memref<1x64xi32, #tpu.memory_space<vmem>>
        %dma_start3A_2044 = tpu.memref_squeeze %dma_start3A_2043 : memref<1x64xi32, #tpu.memory_space<vmem>> -> memref<64xi32, #tpu.memory_space<vmem>>
        %dma_start3A_2045 = arith.constant 0 : i32
        %dma_start3A_2046 = arith.constant 0 : i32
        %dma_start3A_2047 = tpu.memref_slice %arg3[%dma_start3A_2045, %dma_start3A_2046] : memref<100000x128xf32, #tpu.memory_space<hbm>> -> memref<100000x128xf32, #tpu.memory_space<hbm>>
        %dma_start3A_2048 = tpu.memref_slice %arg7[%dma_start3A_2038] : memref<10x!tpu.dma_semaphore, #tpu.memory_space<semaphore_mem>> -> memref<1x!tpu.dma_semaphore, #tpu.memory_space<semaphore_mem>>
        %dma_start3A_2049 = tpu.memref_squeeze %dma_start3A_2048 : memref<1x!tpu.dma_semaphore, #tpu.memory_space<semaphore_mem>> -> memref<!tpu.dma_semaphore, #tpu.memory_space<semaphore_mem>>
        tpu.enqueue_indirect_dma source(%dma_start3A_2047 : memref<100000x128xf32, #tpu.memory_space<hbm>>) target(%dma_start3A_2042 : memref<64x128xf32, #tpu.memory_space<vmem>>) offsets(%dma_start3A_2044 : memref<64xi32, #tpu.memory_space<vmem>>) semaphore(%dma_start3A_2049 : memref<!tpu.dma_semaphore, #tpu.memory_space<semaphore_mem>>)
        %add3A_2050 = arith.constant 4 : i32
        %add3A_2051 = arith.addi %mul3A_368, %add3A_2050 : i32
        %jit3A_2052 = arith.constant 2 : i32
        %div3A_2053 = arith.divsi %add3A_2051, %jit3A_2052 : i32
        %sign3A_2054 = arith.constant 0 : i32
        %sign3A_2055 = arith.cmpi sgt, %add3A_2051, %sign3A_2054 : i32
        %sign3A_2056 = arith.extui %sign3A_2055 : i1 to i32
        %sign3A_2057 = arith.constant 0 : i32
        %sign3A_2058 = arith.cmpi slt, %add3A_2051, %sign3A_2057 : i32
        %sign3A_2059 = arith.extui %sign3A_2058 : i1 to i32
        %sign3A_2060 = arith.subi %sign3A_2056, %sign3A_2059 : i32
        %sign3A_2061 = arith.constant 0 : i32
        %sign3A_2062 = arith.cmpi sgt, %jit3A_2052, %sign3A_2061 : i32
        %sign3A_2063 = arith.extui %sign3A_2062 : i1 to i32
        %sign3A_2064 = arith.constant 0 : i32
        %sign3A_2065 = arith.cmpi slt, %jit3A_2052, %sign3A_2064 : i32
        %sign3A_2066 = arith.extui %sign3A_2065 : i1 to i32
        %sign3A_2067 = arith.subi %sign3A_2063, %sign3A_2066 : i32
        %ne3A_2068 = arith.cmpi ne, %sign3A_2060, %sign3A_2067 : i32
        %rem3A_2069 = arith.remsi %add3A_2051, %jit3A_2052 : i32
        %ne3A_2070 = arith.constant 0 : i32
        %ne3A_2071 = arith.cmpi ne, %rem3A_2069, %ne3A_2070 : i32
        %and3A_2072 = arith.andi %ne3A_2068, %ne3A_2071 : i1
        %sub3A_2073 = arith.constant 1 : i32
        %sub3A_2074 = arith.subi %div3A_2053, %sub3A_2073 : i32
        %select_n3A_2075 = arith.select %and3A_2072, %sub3A_2074, %div3A_2053 : i32
        %jit3A_2076 = arith.constant 2 : i32
        %eq3A_2077 = arith.constant 0 : i32
        %eq3A_2078 = arith.cmpi eq, %jit3A_2076, %eq3A_2077 : i32
        %jit3A_2079 = arith.constant 1 : i32
        %select_n3A_2080 = arith.select %eq3A_2078, %jit3A_2079, %jit3A_2076 : i32
        %rem3A_2081 = arith.remsi %add3A_2051, %select_n3A_2080 : i32
        %ne3A_2082 = arith.constant 0 : i32
        %ne3A_2083 = arith.cmpi ne, %rem3A_2081, %ne3A_2082 : i32
        %lt3A_2084 = arith.constant 0 : i32
        %lt3A_2085 = arith.cmpi slt, %rem3A_2081, %lt3A_2084 : i32
        %lt3A_2086 = arith.constant 0 : i32
        %lt3A_2087 = arith.cmpi slt, %select_n3A_2080, %lt3A_2086 : i32
        %ne3A_2088 = arith.xori %lt3A_2085, %lt3A_2087 : i1
        %and3A_2089 = arith.andi %ne3A_2088, %ne3A_2083 : i1
        %add3A_2090 = arith.addi %rem3A_2081, %select_n3A_2080 : i32
        %select_n3A_2091 = arith.select %and3A_2089, %add3A_2090, %rem3A_2081 : i32
        %mul3A_2092 = arith.constant 64 : i32
        %mul3A_2093 = arith.muli %select_n3A_2091, %mul3A_2092 : i32
        %add3A_2094 = arith.addi %mul3A_2, %mul3A_2093 : i32
        %dma_wait3A_2095 = arith.constant 4 : i32
        %dma_wait3A_2096 = arith.constant 4 : i32
        %dma_wait3A_2097 = arith.constant 0 : i32
        %dma_wait3A_2098 = arith.constant 0 : i32
        %dma_wait3A_2099 = tpu.memref_slice %arg6[%dma_wait3A_2095, %dma_wait3A_2097, %dma_wait3A_2098] : memref<10x64x128xf32, #tpu.memory_space<vmem>> -> memref<1x64x128xf32, #tpu.memory_space<vmem>>
        %dma_wait3A_2100 = tpu.memref_squeeze %dma_wait3A_2099 : memref<1x64x128xf32, #tpu.memory_space<vmem>> -> memref<64x128xf32, #tpu.memory_space<vmem>>
        %dma_wait3A_2101 = arith.constant 0 : i32
        %dma_wait3A_2102 = tpu.memref_slice %arg4[%select_n3A_2075, %add3A_2094, %dma_wait3A_2101] : memref<50x4096x128xf32, #tpu.memory_space<hbm>> -> memref<1x64x128xf32, #tpu.memory_space<hbm>>
        %dma_wait3A_2103 = tpu.memref_squeeze %dma_wait3A_2102 : memref<1x64x128xf32, #tpu.memory_space<hbm>> -> memref<64x128xf32, #tpu.memory_space<hbm>>
        %dma_wait3A_2104 = tpu.memref_slice %arg8[%dma_wait3A_2096] : memref<10x!tpu.dma_semaphore, #tpu.memory_space<semaphore_mem>> -> memref<1x!tpu.dma_semaphore, #tpu.memory_space<semaphore_mem>>
        %dma_wait3A_2105 = tpu.memref_squeeze %dma_wait3A_2104 : memref<1x!tpu.dma_semaphore, #tpu.memory_space<semaphore_mem>> -> memref<!tpu.dma_semaphore, #tpu.memory_space<semaphore_mem>>
        %dma_wait3A_2106 = arith.constant 0 : i32
        %dma_wait3A_2107 = tpu.memref_slice %arg4[%select_n3A_2075, %add3A_2094, %dma_wait3A_2106] : memref<50x4096x128xf32, #tpu.memory_space<hbm>> -> memref<1x64x128xf32, #tpu.memory_space<hbm>>
        %dma_wait3A_2108 = tpu.memref_squeeze %dma_wait3A_2107 : memref<1x64x128xf32, #tpu.memory_space<hbm>> -> memref<64x128xf32, #tpu.memory_space<hbm>>
        %dma_wait3A_2109 = arith.constant 0 : i32
        %dma_wait3A_2110 = arith.constant 0 : i32
        %dma_wait3A_2111 = tpu.memref_slice %arg6[%dma_wait3A_2095, %dma_wait3A_2109, %dma_wait3A_2110] : memref<10x64x128xf32, #tpu.memory_space<vmem>> -> memref<1x64x128xf32, #tpu.memory_space<vmem>>
        %dma_wait3A_2112 = tpu.memref_squeeze %dma_wait3A_2111 : memref<1x64x128xf32, #tpu.memory_space<vmem>> -> memref<64x128xf32, #tpu.memory_space<vmem>>
        tpu.wait_dma2 semaphore(%dma_wait3A_2105 : memref<!tpu.dma_semaphore, #tpu.memory_space<semaphore_mem>>) src(%dma_wait3A_2112 : memref<64x128xf32, #tpu.memory_space<vmem>>) dst(%dma_wait3A_2108 : memref<64x128xf32, #tpu.memory_space<hbm>>)
        %add3A_2113 = arith.constant 10 : i32
        %add3A_2114 = arith.addi %mul3A_368, %add3A_2113 : i32
        %add3A_2115 = arith.constant 4 : i32
        %add3A_2116 = arith.addi %add3A_2114, %add3A_2115 : i32
        %jit3A_2117 = arith.constant 2 : i32
        %div3A_2118 = arith.divsi %add3A_2116, %jit3A_2117 : i32
        %sign3A_2119 = arith.constant 0 : i32
        %sign3A_2120 = arith.cmpi sgt, %add3A_2116, %sign3A_2119 : i32
        %sign3A_2121 = arith.extui %sign3A_2120 : i1 to i32
        %sign3A_2122 = arith.constant 0 : i32
        %sign3A_2123 = arith.cmpi slt, %add3A_2116, %sign3A_2122 : i32
        %sign3A_2124 = arith.extui %sign3A_2123 : i1 to i32
        %sign3A_2125 = arith.subi %sign3A_2121, %sign3A_2124 : i32
        %sign3A_2126 = arith.constant 0 : i32
        %sign3A_2127 = arith.cmpi sgt, %jit3A_2117, %sign3A_2126 : i32
        %sign3A_2128 = arith.extui %sign3A_2127 : i1 to i32
        %sign3A_2129 = arith.constant 0 : i32
        %sign3A_2130 = arith.cmpi slt, %jit3A_2117, %sign3A_2129 : i32
        %sign3A_2131 = arith.extui %sign3A_2130 : i1 to i32
        %sign3A_2132 = arith.subi %sign3A_2128, %sign3A_2131 : i32
        %ne3A_2133 = arith.cmpi ne, %sign3A_2125, %sign3A_2132 : i32
        %rem3A_2134 = arith.remsi %add3A_2116, %jit3A_2117 : i32
        %ne3A_2135 = arith.constant 0 : i32
        %ne3A_2136 = arith.cmpi ne, %rem3A_2134, %ne3A_2135 : i32
        %and3A_2137 = arith.andi %ne3A_2133, %ne3A_2136 : i1
        %sub3A_2138 = arith.constant 1 : i32
        %sub3A_2139 = arith.subi %div3A_2118, %sub3A_2138 : i32
        %select_n3A_2140 = arith.select %and3A_2137, %sub3A_2139, %div3A_2118 : i32
        %jit3A_2141 = arith.constant 2 : i32
        %eq3A_2142 = arith.constant 0 : i32
        %eq3A_2143 = arith.cmpi eq, %jit3A_2141, %eq3A_2142 : i32
        %jit3A_2144 = arith.constant 1 : i32
        %select_n3A_2145 = arith.select %eq3A_2143, %jit3A_2144, %jit3A_2141 : i32
        %rem3A_2146 = arith.remsi %add3A_2116, %select_n3A_2145 : i32
        %ne3A_2147 = arith.constant 0 : i32
        %ne3A_2148 = arith.cmpi ne, %rem3A_2146, %ne3A_2147 : i32
        %lt3A_2149 = arith.constant 0 : i32
        %lt3A_2150 = arith.cmpi slt, %rem3A_2146, %lt3A_2149 : i32
        %lt3A_2151 = arith.constant 0 : i32
        %lt3A_2152 = arith.cmpi slt, %select_n3A_2145, %lt3A_2151 : i32
        %ne3A_2153 = arith.xori %lt3A_2150, %lt3A_2152 : i1
        %and3A_2154 = arith.andi %ne3A_2153, %ne3A_2148 : i1
        %add3A_2155 = arith.addi %rem3A_2146, %select_n3A_2145 : i32
        %select_n3A_2156 = arith.select %and3A_2154, %add3A_2155, %rem3A_2146 : i32
        %mul3A_2157 = arith.constant 64 : i32
        %mul3A_2158 = arith.muli %select_n3A_2156, %mul3A_2157 : i32
        %dma_start3A_2159 = arith.constant 4 : i32
        %dma_start3A_2160 = arith.constant 4 : i32
        %dma_start3A_2161 = arith.constant 0 : i32
        %dma_start3A_2162 = arith.constant 0 : i32
        %dma_start3A_2163 = tpu.memref_slice %arg6[%dma_start3A_2159, %dma_start3A_2161, %dma_start3A_2162] : memref<10x64x128xf32, #tpu.memory_space<vmem>> -> memref<1x64x128xf32, #tpu.memory_space<vmem>>
        %dma_start3A_2164 = tpu.memref_squeeze %dma_start3A_2163 : memref<1x64x128xf32, #tpu.memory_space<vmem>> -> memref<64x128xf32, #tpu.memory_space<vmem>>
        %dma_start3A_2165 = tpu.memref_slice %arg5[%select_n3A_2140, %mul3A_2158] : memref<50x128xi32, #tpu.memory_space<vmem>> -> memref<1x64xi32, #tpu.memory_space<vmem>>
        %dma_start3A_2166 = tpu.memref_squeeze %dma_start3A_2165 : memref<1x64xi32, #tpu.memory_space<vmem>> -> memref<64xi32, #tpu.memory_space<vmem>>
        %dma_start3A_2167 = arith.constant 0 : i32
        %dma_start3A_2168 = arith.constant 0 : i32
        %dma_start3A_2169 = tpu.memref_slice %arg3[%dma_start3A_2167, %dma_start3A_2168] : memref<100000x128xf32, #tpu.memory_space<hbm>> -> memref<100000x128xf32, #tpu.memory_space<hbm>>
        %dma_start3A_2170 = tpu.memref_slice %arg7[%dma_start3A_2160] : memref<10x!tpu.dma_semaphore, #tpu.memory_space<semaphore_mem>> -> memref<1x!tpu.dma_semaphore, #tpu.memory_space<semaphore_mem>>
        %dma_start3A_2171 = tpu.memref_squeeze %dma_start3A_2170 : memref<1x!tpu.dma_semaphore, #tpu.memory_space<semaphore_mem>> -> memref<!tpu.dma_semaphore, #tpu.memory_space<semaphore_mem>>
        tpu.enqueue_indirect_dma source(%dma_start3A_2169 : memref<100000x128xf32, #tpu.memory_space<hbm>>) target(%dma_start3A_2164 : memref<64x128xf32, #tpu.memory_space<vmem>>) offsets(%dma_start3A_2166 : memref<64xi32, #tpu.memory_space<vmem>>) semaphore(%dma_start3A_2171 : memref<!tpu.dma_semaphore, #tpu.memory_space<semaphore_mem>>)
        %add3A_2172 = arith.constant 5 : i32
        %add3A_2173 = arith.addi %mul3A_368, %add3A_2172 : i32
        %jit3A_2174 = arith.constant 2 : i32
        %div3A_2175 = arith.divsi %add3A_2173, %jit3A_2174 : i32
        %sign3A_2176 = arith.constant 0 : i32
        %sign3A_2177 = arith.cmpi sgt, %add3A_2173, %sign3A_2176 : i32
        %sign3A_2178 = arith.extui %sign3A_2177 : i1 to i32
        %sign3A_2179 = arith.constant 0 : i32
        %sign3A_2180 = arith.cmpi slt, %add3A_2173, %sign3A_2179 : i32
        %sign3A_2181 = arith.extui %sign3A_2180 : i1 to i32
        %sign3A_2182 = arith.subi %sign3A_2178, %sign3A_2181 : i32
        %sign3A_2183 = arith.constant 0 : i32
        %sign3A_2184 = arith.cmpi sgt, %jit3A_2174, %sign3A_2183 : i32
        %sign3A_2185 = arith.extui %sign3A_2184 : i1 to i32
        %sign3A_2186 = arith.constant 0 : i32
        %sign3A_2187 = arith.cmpi slt, %jit3A_2174, %sign3A_2186 : i32
        %sign3A_2188 = arith.extui %sign3A_2187 : i1 to i32
        %sign3A_2189 = arith.subi %sign3A_2185, %sign3A_2188 : i32
        %ne3A_2190 = arith.cmpi ne, %sign3A_2182, %sign3A_2189 : i32
        %rem3A_2191 = arith.remsi %add3A_2173, %jit3A_2174 : i32
        %ne3A_2192 = arith.constant 0 : i32
        %ne3A_2193 = arith.cmpi ne, %rem3A_2191, %ne3A_2192 : i32
        %and3A_2194 = arith.andi %ne3A_2190, %ne3A_2193 : i1
        %sub3A_2195 = arith.constant 1 : i32
        %sub3A_2196 = arith.subi %div3A_2175, %sub3A_2195 : i32
        %select_n3A_2197 = arith.select %and3A_2194, %sub3A_2196, %div3A_2175 : i32
        %jit3A_2198 = arith.constant 2 : i32
        %eq3A_2199 = arith.constant 0 : i32
        %eq3A_2200 = arith.cmpi eq, %jit3A_2198, %eq3A_2199 : i32
        %jit3A_2201 = arith.constant 1 : i32
        %select_n3A_2202 = arith.select %eq3A_2200, %jit3A_2201, %jit3A_2198 : i32
        %rem3A_2203 = arith.remsi %add3A_2173, %select_n3A_2202 : i32
        %ne3A_2204 = arith.constant 0 : i32
        %ne3A_2205 = arith.cmpi ne, %rem3A_2203, %ne3A_2204 : i32
        %lt3A_2206 = arith.constant 0 : i32
        %lt3A_2207 = arith.cmpi slt, %rem3A_2203, %lt3A_2206 : i32
        %lt3A_2208 = arith.constant 0 : i32
        %lt3A_2209 = arith.cmpi slt, %select_n3A_2202, %lt3A_2208 : i32
        %ne3A_2210 = arith.xori %lt3A_2207, %lt3A_2209 : i1
        %and3A_2211 = arith.andi %ne3A_2210, %ne3A_2205 : i1
        %add3A_2212 = arith.addi %rem3A_2203, %select_n3A_2202 : i32
        %select_n3A_2213 = arith.select %and3A_2211, %add3A_2212, %rem3A_2203 : i32
        %mul3A_2214 = arith.constant 64 : i32
        %mul3A_2215 = arith.muli %select_n3A_2213, %mul3A_2214 : i32
        %add3A_2216 = arith.addi %mul3A_2, %mul3A_2215 : i32
        %dma_wait3A_2217 = arith.constant 5 : i32
        %dma_wait3A_2218 = arith.constant 5 : i32
        %dma_wait3A_2219 = arith.constant 0 : i32
        %dma_wait3A_2220 = arith.constant 0 : i32
        %dma_wait3A_2221 = tpu.memref_slice %arg6[%dma_wait3A_2217, %dma_wait3A_2219, %dma_wait3A_2220] : memref<10x64x128xf32, #tpu.memory_space<vmem>> -> memref<1x64x128xf32, #tpu.memory_space<vmem>>
        %dma_wait3A_2222 = tpu.memref_squeeze %dma_wait3A_2221 : memref<1x64x128xf32, #tpu.memory_space<vmem>> -> memref<64x128xf32, #tpu.memory_space<vmem>>
        %dma_wait3A_2223 = arith.constant 0 : i32
        %dma_wait3A_2224 = tpu.memref_slice %arg4[%select_n3A_2197, %add3A_2216, %dma_wait3A_2223] : memref<50x4096x128xf32, #tpu.memory_space<hbm>> -> memref<1x64x128xf32, #tpu.memory_space<hbm>>
        %dma_wait3A_2225 = tpu.memref_squeeze %dma_wait3A_2224 : memref<1x64x128xf32, #tpu.memory_space<hbm>> -> memref<64x128xf32, #tpu.memory_space<hbm>>
        %dma_wait3A_2226 = tpu.memref_slice %arg8[%dma_wait3A_2218] : memref<10x!tpu.dma_semaphore, #tpu.memory_space<semaphore_mem>> -> memref<1x!tpu.dma_semaphore, #tpu.memory_space<semaphore_mem>>
        %dma_wait3A_2227 = tpu.memref_squeeze %dma_wait3A_2226 : memref<1x!tpu.dma_semaphore, #tpu.memory_space<semaphore_mem>> -> memref<!tpu.dma_semaphore, #tpu.memory_space<semaphore_mem>>
        %dma_wait3A_2228 = arith.constant 0 : i32
        %dma_wait3A_2229 = tpu.memref_slice %arg4[%select_n3A_2197, %add3A_2216, %dma_wait3A_2228] : memref<50x4096x128xf32, #tpu.memory_space<hbm>> -> memref<1x64x128xf32, #tpu.memory_space<hbm>>
        %dma_wait3A_2230 = tpu.memref_squeeze %dma_wait3A_2229 : memref<1x64x128xf32, #tpu.memory_space<hbm>> -> memref<64x128xf32, #tpu.memory_space<hbm>>
        %dma_wait3A_2231 = arith.constant 0 : i32
        %dma_wait3A_2232 = arith.constant 0 : i32
        %dma_wait3A_2233 = tpu.memref_slice %arg6[%dma_wait3A_2217, %dma_wait3A_2231, %dma_wait3A_2232] : memref<10x64x128xf32, #tpu.memory_space<vmem>> -> memref<1x64x128xf32, #tpu.memory_space<vmem>>
        %dma_wait3A_2234 = tpu.memref_squeeze %dma_wait3A_2233 : memref<1x64x128xf32, #tpu.memory_space<vmem>> -> memref<64x128xf32, #tpu.memory_space<vmem>>
        tpu.wait_dma2 semaphore(%dma_wait3A_2227 : memref<!tpu.dma_semaphore, #tpu.memory_space<semaphore_mem>>) src(%dma_wait3A_2234 : memref<64x128xf32, #tpu.memory_space<vmem>>) dst(%dma_wait3A_2230 : memref<64x128xf32, #tpu.memory_space<hbm>>)
        %add3A_2235 = arith.constant 10 : i32
        %add3A_2236 = arith.addi %mul3A_368, %add3A_2235 : i32
        %add3A_2237 = arith.constant 5 : i32
        %add3A_2238 = arith.addi %add3A_2236, %add3A_2237 : i32
        %jit3A_2239 = arith.constant 2 : i32
        %div3A_2240 = arith.divsi %add3A_2238, %jit3A_2239 : i32
        %sign3A_2241 = arith.constant 0 : i32
        %sign3A_2242 = arith.cmpi sgt, %add3A_2238, %sign3A_2241 : i32
        %sign3A_2243 = arith.extui %sign3A_2242 : i1 to i32
        %sign3A_2244 = arith.constant 0 : i32
        %sign3A_2245 = arith.cmpi slt, %add3A_2238, %sign3A_2244 : i32
        %sign3A_2246 = arith.extui %sign3A_2245 : i1 to i32
        %sign3A_2247 = arith.subi %sign3A_2243, %sign3A_2246 : i32
        %sign3A_2248 = arith.constant 0 : i32
        %sign3A_2249 = arith.cmpi sgt, %jit3A_2239, %sign3A_2248 : i32
        %sign3A_2250 = arith.extui %sign3A_2249 : i1 to i32
        %sign3A_2251 = arith.constant 0 : i32
        %sign3A_2252 = arith.cmpi slt, %jit3A_2239, %sign3A_2251 : i32
        %sign3A_2253 = arith.extui %sign3A_2252 : i1 to i32
        %sign3A_2254 = arith.subi %sign3A_2250, %sign3A_2253 : i32
        %ne3A_2255 = arith.cmpi ne, %sign3A_2247, %sign3A_2254 : i32
        %rem3A_2256 = arith.remsi %add3A_2238, %jit3A_2239 : i32
        %ne3A_2257 = arith.constant 0 : i32
        %ne3A_2258 = arith.cmpi ne, %rem3A_2256, %ne3A_2257 : i32
        %and3A_2259 = arith.andi %ne3A_2255, %ne3A_2258 : i1
        %sub3A_2260 = arith.constant 1 : i32
        %sub3A_2261 = arith.subi %div3A_2240, %sub3A_2260 : i32
        %select_n3A_2262 = arith.select %and3A_2259, %sub3A_2261, %div3A_2240 : i32
        %jit3A_2263 = arith.constant 2 : i32
        %eq3A_2264 = arith.constant 0 : i32
        %eq3A_2265 = arith.cmpi eq, %jit3A_2263, %eq3A_2264 : i32
        %jit3A_2266 = arith.constant 1 : i32
        %select_n3A_2267 = arith.select %eq3A_2265, %jit3A_2266, %jit3A_2263 : i32
        %rem3A_2268 = arith.remsi %add3A_2238, %select_n3A_2267 : i32
        %ne3A_2269 = arith.constant 0 : i32
        %ne3A_2270 = arith.cmpi ne, %rem3A_2268, %ne3A_2269 : i32
        %lt3A_2271 = arith.constant 0 : i32
        %lt3A_2272 = arith.cmpi slt, %rem3A_2268, %lt3A_2271 : i32
        %lt3A_2273 = arith.constant 0 : i32
        %lt3A_2274 = arith.cmpi slt, %select_n3A_2267, %lt3A_2273 : i32
        %ne3A_2275 = arith.xori %lt3A_2272, %lt3A_2274 : i1
        %and3A_2276 = arith.andi %ne3A_2275, %ne3A_2270 : i1
        %add3A_2277 = arith.addi %rem3A_2268, %select_n3A_2267 : i32
        %select_n3A_2278 = arith.select %and3A_2276, %add3A_2277, %rem3A_2268 : i32
        %mul3A_2279 = arith.constant 64 : i32
        %mul3A_2280 = arith.muli %select_n3A_2278, %mul3A_2279 : i32
        %dma_start3A_2281 = arith.constant 5 : i32
        %dma_start3A_2282 = arith.constant 5 : i32
        %dma_start3A_2283 = arith.constant 0 : i32
        %dma_start3A_2284 = arith.constant 0 : i32
        %dma_start3A_2285 = tpu.memref_slice %arg6[%dma_start3A_2281, %dma_start3A_2283, %dma_start3A_2284] : memref<10x64x128xf32, #tpu.memory_space<vmem>> -> memref<1x64x128xf32, #tpu.memory_space<vmem>>
        %dma_start3A_2286 = tpu.memref_squeeze %dma_start3A_2285 : memref<1x64x128xf32, #tpu.memory_space<vmem>> -> memref<64x128xf32, #tpu.memory_space<vmem>>
        %dma_start3A_2287 = tpu.memref_slice %arg5[%select_n3A_2262, %mul3A_2280] : memref<50x128xi32, #tpu.memory_space<vmem>> -> memref<1x64xi32, #tpu.memory_space<vmem>>
        %dma_start3A_2288 = tpu.memref_squeeze %dma_start3A_2287 : memref<1x64xi32, #tpu.memory_space<vmem>> -> memref<64xi32, #tpu.memory_space<vmem>>
        %dma_start3A_2289 = arith.constant 0 : i32
        %dma_start3A_2290 = arith.constant 0 : i32
        %dma_start3A_2291 = tpu.memref_slice %arg3[%dma_start3A_2289, %dma_start3A_2290] : memref<100000x128xf32, #tpu.memory_space<hbm>> -> memref<100000x128xf32, #tpu.memory_space<hbm>>
        %dma_start3A_2292 = tpu.memref_slice %arg7[%dma_start3A_2282] : memref<10x!tpu.dma_semaphore, #tpu.memory_space<semaphore_mem>> -> memref<1x!tpu.dma_semaphore, #tpu.memory_space<semaphore_mem>>
        %dma_start3A_2293 = tpu.memref_squeeze %dma_start3A_2292 : memref<1x!tpu.dma_semaphore, #tpu.memory_space<semaphore_mem>> -> memref<!tpu.dma_semaphore, #tpu.memory_space<semaphore_mem>>
        tpu.enqueue_indirect_dma source(%dma_start3A_2291 : memref<100000x128xf32, #tpu.memory_space<hbm>>) target(%dma_start3A_2286 : memref<64x128xf32, #tpu.memory_space<vmem>>) offsets(%dma_start3A_2288 : memref<64xi32, #tpu.memory_space<vmem>>) semaphore(%dma_start3A_2293 : memref<!tpu.dma_semaphore, #tpu.memory_space<semaphore_mem>>)
        %add3A_2294 = arith.constant 6 : i32
        %add3A_2295 = arith.addi %mul3A_368, %add3A_2294 : i32
        %jit3A_2296 = arith.constant 2 : i32
        %div3A_2297 = arith.divsi %add3A_2295, %jit3A_2296 : i32
        %sign3A_2298 = arith.constant 0 : i32
        %sign3A_2299 = arith.cmpi sgt, %add3A_2295, %sign3A_2298 : i32
        %sign3A_2300 = arith.extui %sign3A_2299 : i1 to i32
        %sign3A_2301 = arith.constant 0 : i32
        %sign3A_2302 = arith.cmpi slt, %add3A_2295, %sign3A_2301 : i32
        %sign3A_2303 = arith.extui %sign3A_2302 : i1 to i32
        %sign3A_2304 = arith.subi %sign3A_2300, %sign3A_2303 : i32
        %sign3A_2305 = arith.constant 0 : i32
        %sign3A_2306 = arith.cmpi sgt, %jit3A_2296, %sign3A_2305 : i32
        %sign3A_2307 = arith.extui %sign3A_2306 : i1 to i32
        %sign3A_2308 = arith.constant 0 : i32
        %sign3A_2309 = arith.cmpi slt, %jit3A_2296, %sign3A_2308 : i32
        %sign3A_2310 = arith.extui %sign3A_2309 : i1 to i32
        %sign3A_2311 = arith.subi %sign3A_2307, %sign3A_2310 : i32
        %ne3A_2312 = arith.cmpi ne, %sign3A_2304, %sign3A_2311 : i32
        %rem3A_2313 = arith.remsi %add3A_2295, %jit3A_2296 : i32
        %ne3A_2314 = arith.constant 0 : i32
        %ne3A_2315 = arith.cmpi ne, %rem3A_2313, %ne3A_2314 : i32
        %and3A_2316 = arith.andi %ne3A_2312, %ne3A_2315 : i1
        %sub3A_2317 = arith.constant 1 : i32
        %sub3A_2318 = arith.subi %div3A_2297, %sub3A_2317 : i32
        %select_n3A_2319 = arith.select %and3A_2316, %sub3A_2318, %div3A_2297 : i32
        %jit3A_2320 = arith.constant 2 : i32
        %eq3A_2321 = arith.constant 0 : i32
        %eq3A_2322 = arith.cmpi eq, %jit3A_2320, %eq3A_2321 : i32
        %jit3A_2323 = arith.constant 1 : i32
        %select_n3A_2324 = arith.select %eq3A_2322, %jit3A_2323, %jit3A_2320 : i32
        %rem3A_2325 = arith.remsi %add3A_2295, %select_n3A_2324 : i32
        %ne3A_2326 = arith.constant 0 : i32
        %ne3A_2327 = arith.cmpi ne, %rem3A_2325, %ne3A_2326 : i32
        %lt3A_2328 = arith.constant 0 : i32
        %lt3A_2329 = arith.cmpi slt, %rem3A_2325, %lt3A_2328 : i32
        %lt3A_2330 = arith.constant 0 : i32
        %lt3A_2331 = arith.cmpi slt, %select_n3A_2324, %lt3A_2330 : i32
        %ne3A_2332 = arith.xori %lt3A_2329, %lt3A_2331 : i1
        %and3A_2333 = arith.andi %ne3A_2332, %ne3A_2327 : i1
        %add3A_2334 = arith.addi %rem3A_2325, %select_n3A_2324 : i32
        %select_n3A_2335 = arith.select %and3A_2333, %add3A_2334, %rem3A_2325 : i32
        %mul3A_2336 = arith.constant 64 : i32
        %mul3A_2337 = arith.muli %select_n3A_2335, %mul3A_2336 : i32
        %add3A_2338 = arith.addi %mul3A_2, %mul3A_2337 : i32
        %dma_wait3A_2339 = arith.constant 6 : i32
        %dma_wait3A_2340 = arith.constant 6 : i32
        %dma_wait3A_2341 = arith.constant 0 : i32
        %dma_wait3A_2342 = arith.constant 0 : i32
        %dma_wait3A_2343 = tpu.memref_slice %arg6[%dma_wait3A_2339, %dma_wait3A_2341, %dma_wait3A_2342] : memref<10x64x128xf32, #tpu.memory_space<vmem>> -> memref<1x64x128xf32, #tpu.memory_space<vmem>>
        %dma_wait3A_2344 = tpu.memref_squeeze %dma_wait3A_2343 : memref<1x64x128xf32, #tpu.memory_space<vmem>> -> memref<64x128xf32, #tpu.memory_space<vmem>>
        %dma_wait3A_2345 = arith.constant 0 : i32
        %dma_wait3A_2346 = tpu.memref_slice %arg4[%select_n3A_2319, %add3A_2338, %dma_wait3A_2345] : memref<50x4096x128xf32, #tpu.memory_space<hbm>> -> memref<1x64x128xf32, #tpu.memory_space<hbm>>
        %dma_wait3A_2347 = tpu.memref_squeeze %dma_wait3A_2346 : memref<1x64x128xf32, #tpu.memory_space<hbm>> -> memref<64x128xf32, #tpu.memory_space<hbm>>
        %dma_wait3A_2348 = tpu.memref_slice %arg8[%dma_wait3A_2340] : memref<10x!tpu.dma_semaphore, #tpu.memory_space<semaphore_mem>> -> memref<1x!tpu.dma_semaphore, #tpu.memory_space<semaphore_mem>>
        %dma_wait3A_2349 = tpu.memref_squeeze %dma_wait3A_2348 : memref<1x!tpu.dma_semaphore, #tpu.memory_space<semaphore_mem>> -> memref<!tpu.dma_semaphore, #tpu.memory_space<semaphore_mem>>
        %dma_wait3A_2350 = arith.constant 0 : i32
        %dma_wait3A_2351 = tpu.memref_slice %arg4[%select_n3A_2319, %add3A_2338, %dma_wait3A_2350] : memref<50x4096x128xf32, #tpu.memory_space<hbm>> -> memref<1x64x128xf32, #tpu.memory_space<hbm>>
        %dma_wait3A_2352 = tpu.memref_squeeze %dma_wait3A_2351 : memref<1x64x128xf32, #tpu.memory_space<hbm>> -> memref<64x128xf32, #tpu.memory_space<hbm>>
        %dma_wait3A_2353 = arith.constant 0 : i32
        %dma_wait3A_2354 = arith.constant 0 : i32
        %dma_wait3A_2355 = tpu.memref_slice %arg6[%dma_wait3A_2339, %dma_wait3A_2353, %dma_wait3A_2354] : memref<10x64x128xf32, #tpu.memory_space<vmem>> -> memref<1x64x128xf32, #tpu.memory_space<vmem>>
        %dma_wait3A_2356 = tpu.memref_squeeze %dma_wait3A_2355 : memref<1x64x128xf32, #tpu.memory_space<vmem>> -> memref<64x128xf32, #tpu.memory_space<vmem>>
        tpu.wait_dma2 semaphore(%dma_wait3A_2349 : memref<!tpu.dma_semaphore, #tpu.memory_space<semaphore_mem>>) src(%dma_wait3A_2356 : memref<64x128xf32, #tpu.memory_space<vmem>>) dst(%dma_wait3A_2352 : memref<64x128xf32, #tpu.memory_space<hbm>>)
        %add3A_2357 = arith.constant 10 : i32
        %add3A_2358 = arith.addi %mul3A_368, %add3A_2357 : i32
        %add3A_2359 = arith.constant 6 : i32
        %add3A_2360 = arith.addi %add3A_2358, %add3A_2359 : i32
        %jit3A_2361 = arith.constant 2 : i32
        %div3A_2362 = arith.divsi %add3A_2360, %jit3A_2361 : i32
        %sign3A_2363 = arith.constant 0 : i32
        %sign3A_2364 = arith.cmpi sgt, %add3A_2360, %sign3A_2363 : i32
        %sign3A_2365 = arith.extui %sign3A_2364 : i1 to i32
        %sign3A_2366 = arith.constant 0 : i32
        %sign3A_2367 = arith.cmpi slt, %add3A_2360, %sign3A_2366 : i32
        %sign3A_2368 = arith.extui %sign3A_2367 : i1 to i32
        %sign3A_2369 = arith.subi %sign3A_2365, %sign3A_2368 : i32
        %sign3A_2370 = arith.constant 0 : i32
        %sign3A_2371 = arith.cmpi sgt, %jit3A_2361, %sign3A_2370 : i32
        %sign3A_2372 = arith.extui %sign3A_2371 : i1 to i32
        %sign3A_2373 = arith.constant 0 : i32
        %sign3A_2374 = arith.cmpi slt, %jit3A_2361, %sign3A_2373 : i32
        %sign3A_2375 = arith.extui %sign3A_2374 : i1 to i32
        %sign3A_2376 = arith.subi %sign3A_2372, %sign3A_2375 : i32
        %ne3A_2377 = arith.cmpi ne, %sign3A_2369, %sign3A_2376 : i32
        %rem3A_2378 = arith.remsi %add3A_2360, %jit3A_2361 : i32
        %ne3A_2379 = arith.constant 0 : i32
        %ne3A_2380 = arith.cmpi ne, %rem3A_2378, %ne3A_2379 : i32
        %and3A_2381 = arith.andi %ne3A_2377, %ne3A_2380 : i1
        %sub3A_2382 = arith.constant 1 : i32
        %sub3A_2383 = arith.subi %div3A_2362, %sub3A_2382 : i32
        %select_n3A_2384 = arith.select %and3A_2381, %sub3A_2383, %div3A_2362 : i32
        %jit3A_2385 = arith.constant 2 : i32
        %eq3A_2386 = arith.constant 0 : i32
        %eq3A_2387 = arith.cmpi eq, %jit3A_2385, %eq3A_2386 : i32
        %jit3A_2388 = arith.constant 1 : i32
        %select_n3A_2389 = arith.select %eq3A_2387, %jit3A_2388, %jit3A_2385 : i32
        %rem3A_2390 = arith.remsi %add3A_2360, %select_n3A_2389 : i32
        %ne3A_2391 = arith.constant 0 : i32
        %ne3A_2392 = arith.cmpi ne, %rem3A_2390, %ne3A_2391 : i32
        %lt3A_2393 = arith.constant 0 : i32
        %lt3A_2394 = arith.cmpi slt, %rem3A_2390, %lt3A_2393 : i32
        %lt3A_2395 = arith.constant 0 : i32
        %lt3A_2396 = arith.cmpi slt, %select_n3A_2389, %lt3A_2395 : i32
        %ne3A_2397 = arith.xori %lt3A_2394, %lt3A_2396 : i1
        %and3A_2398 = arith.andi %ne3A_2397, %ne3A_2392 : i1
        %add3A_2399 = arith.addi %rem3A_2390, %select_n3A_2389 : i32
        %select_n3A_2400 = arith.select %and3A_2398, %add3A_2399, %rem3A_2390 : i32
        %mul3A_2401 = arith.constant 64 : i32
        %mul3A_2402 = arith.muli %select_n3A_2400, %mul3A_2401 : i32
        %dma_start3A_2403 = arith.constant 6 : i32
        %dma_start3A_2404 = arith.constant 6 : i32
        %dma_start3A_2405 = arith.constant 0 : i32
        %dma_start3A_2406 = arith.constant 0 : i32
        %dma_start3A_2407 = tpu.memref_slice %arg6[%dma_start3A_2403, %dma_start3A_2405, %dma_start3A_2406] : memref<10x64x128xf32, #tpu.memory_space<vmem>> -> memref<1x64x128xf32, #tpu.memory_space<vmem>>
        %dma_start3A_2408 = tpu.memref_squeeze %dma_start3A_2407 : memref<1x64x128xf32, #tpu.memory_space<vmem>> -> memref<64x128xf32, #tpu.memory_space<vmem>>
        %dma_start3A_2409 = tpu.memref_slice %arg5[%select_n3A_2384, %mul3A_2402] : memref<50x128xi32, #tpu.memory_space<vmem>> -> memref<1x64xi32, #tpu.memory_space<vmem>>
        %dma_start3A_2410 = tpu.memref_squeeze %dma_start3A_2409 : memref<1x64xi32, #tpu.memory_space<vmem>> -> memref<64xi32, #tpu.memory_space<vmem>>
        %dma_start3A_2411 = arith.constant 0 : i32
        %dma_start3A_2412 = arith.constant 0 : i32
        %dma_start3A_2413 = tpu.memref_slice %arg3[%dma_start3A_2411, %dma_start3A_2412] : memref<100000x128xf32, #tpu.memory_space<hbm>> -> memref<100000x128xf32, #tpu.memory_space<hbm>>
        %dma_start3A_2414 = tpu.memref_slice %arg7[%dma_start3A_2404] : memref<10x!tpu.dma_semaphore, #tpu.memory_space<semaphore_mem>> -> memref<1x!tpu.dma_semaphore, #tpu.memory_space<semaphore_mem>>
        %dma_start3A_2415 = tpu.memref_squeeze %dma_start3A_2414 : memref<1x!tpu.dma_semaphore, #tpu.memory_space<semaphore_mem>> -> memref<!tpu.dma_semaphore, #tpu.memory_space<semaphore_mem>>
        tpu.enqueue_indirect_dma source(%dma_start3A_2413 : memref<100000x128xf32, #tpu.memory_space<hbm>>) target(%dma_start3A_2408 : memref<64x128xf32, #tpu.memory_space<vmem>>) offsets(%dma_start3A_2410 : memref<64xi32, #tpu.memory_space<vmem>>) semaphore(%dma_start3A_2415 : memref<!tpu.dma_semaphore, #tpu.memory_space<semaphore_mem>>)
        %add3A_2416 = arith.constant 7 : i32
        %add3A_2417 = arith.addi %mul3A_368, %add3A_2416 : i32
        %jit3A_2418 = arith.constant 2 : i32
        %div3A_2419 = arith.divsi %add3A_2417, %jit3A_2418 : i32
        %sign3A_2420 = arith.constant 0 : i32
        %sign3A_2421 = arith.cmpi sgt, %add3A_2417, %sign3A_2420 : i32
        %sign3A_2422 = arith.extui %sign3A_2421 : i1 to i32
        %sign3A_2423 = arith.constant 0 : i32
        %sign3A_2424 = arith.cmpi slt, %add3A_2417, %sign3A_2423 : i32
        %sign3A_2425 = arith.extui %sign3A_2424 : i1 to i32
        %sign3A_2426 = arith.subi %sign3A_2422, %sign3A_2425 : i32
        %sign3A_2427 = arith.constant 0 : i32
        %sign3A_2428 = arith.cmpi sgt, %jit3A_2418, %sign3A_2427 : i32
        %sign3A_2429 = arith.extui %sign3A_2428 : i1 to i32
        %sign3A_2430 = arith.constant 0 : i32
        %sign3A_2431 = arith.cmpi slt, %jit3A_2418, %sign3A_2430 : i32
        %sign3A_2432 = arith.extui %sign3A_2431 : i1 to i32
        %sign3A_2433 = arith.subi %sign3A_2429, %sign3A_2432 : i32
        %ne3A_2434 = arith.cmpi ne, %sign3A_2426, %sign3A_2433 : i32
        %rem3A_2435 = arith.remsi %add3A_2417, %jit3A_2418 : i32
        %ne3A_2436 = arith.constant 0 : i32
        %ne3A_2437 = arith.cmpi ne, %rem3A_2435, %ne3A_2436 : i32
        %and3A_2438 = arith.andi %ne3A_2434, %ne3A_2437 : i1
        %sub3A_2439 = arith.constant 1 : i32
        %sub3A_2440 = arith.subi %div3A_2419, %sub3A_2439 : i32
        %select_n3A_2441 = arith.select %and3A_2438, %sub3A_2440, %div3A_2419 : i32
        %jit3A_2442 = arith.constant 2 : i32
        %eq3A_2443 = arith.constant 0 : i32
        %eq3A_2444 = arith.cmpi eq, %jit3A_2442, %eq3A_2443 : i32
        %jit3A_2445 = arith.constant 1 : i32
        %select_n3A_2446 = arith.select %eq3A_2444, %jit3A_2445, %jit3A_2442 : i32
        %rem3A_2447 = arith.remsi %add3A_2417, %select_n3A_2446 : i32
        %ne3A_2448 = arith.constant 0 : i32
        %ne3A_2449 = arith.cmpi ne, %rem3A_2447, %ne3A_2448 : i32
        %lt3A_2450 = arith.constant 0 : i32
        %lt3A_2451 = arith.cmpi slt, %rem3A_2447, %lt3A_2450 : i32
        %lt3A_2452 = arith.constant 0 : i32
        %lt3A_2453 = arith.cmpi slt, %select_n3A_2446, %lt3A_2452 : i32
        %ne3A_2454 = arith.xori %lt3A_2451, %lt3A_2453 : i1
        %and3A_2455 = arith.andi %ne3A_2454, %ne3A_2449 : i1
        %add3A_2456 = arith.addi %rem3A_2447, %select_n3A_2446 : i32
        %select_n3A_2457 = arith.select %and3A_2455, %add3A_2456, %rem3A_2447 : i32
        %mul3A_2458 = arith.constant 64 : i32
        %mul3A_2459 = arith.muli %select_n3A_2457, %mul3A_2458 : i32
        %add3A_2460 = arith.addi %mul3A_2, %mul3A_2459 : i32
        %dma_wait3A_2461 = arith.constant 7 : i32
        %dma_wait3A_2462 = arith.constant 7 : i32
        %dma_wait3A_2463 = arith.constant 0 : i32
        %dma_wait3A_2464 = arith.constant 0 : i32
        %dma_wait3A_2465 = tpu.memref_slice %arg6[%dma_wait3A_2461, %dma_wait3A_2463, %dma_wait3A_2464] : memref<10x64x128xf32, #tpu.memory_space<vmem>> -> memref<1x64x128xf32, #tpu.memory_space<vmem>>
        %dma_wait3A_2466 = tpu.memref_squeeze %dma_wait3A_2465 : memref<1x64x128xf32, #tpu.memory_space<vmem>> -> memref<64x128xf32, #tpu.memory_space<vmem>>
        %dma_wait3A_2467 = arith.constant 0 : i32
        %dma_wait3A_2468 = tpu.memref_slice %arg4[%select_n3A_2441, %add3A_2460, %dma_wait3A_2467] : memref<50x4096x128xf32, #tpu.memory_space<hbm>> -> memref<1x64x128xf32, #tpu.memory_space<hbm>>
        %dma_wait3A_2469 = tpu.memref_squeeze %dma_wait3A_2468 : memref<1x64x128xf32, #tpu.memory_space<hbm>> -> memref<64x128xf32, #tpu.memory_space<hbm>>
        %dma_wait3A_2470 = tpu.memref_slice %arg8[%dma_wait3A_2462] : memref<10x!tpu.dma_semaphore, #tpu.memory_space<semaphore_mem>> -> memref<1x!tpu.dma_semaphore, #tpu.memory_space<semaphore_mem>>
        %dma_wait3A_2471 = tpu.memref_squeeze %dma_wait3A_2470 : memref<1x!tpu.dma_semaphore, #tpu.memory_space<semaphore_mem>> -> memref<!tpu.dma_semaphore, #tpu.memory_space<semaphore_mem>>
        %dma_wait3A_2472 = arith.constant 0 : i32
        %dma_wait3A_2473 = tpu.memref_slice %arg4[%select_n3A_2441, %add3A_2460, %dma_wait3A_2472] : memref<50x4096x128xf32, #tpu.memory_space<hbm>> -> memref<1x64x128xf32, #tpu.memory_space<hbm>>
        %dma_wait3A_2474 = tpu.memref_squeeze %dma_wait3A_2473 : memref<1x64x128xf32, #tpu.memory_space<hbm>> -> memref<64x128xf32, #tpu.memory_space<hbm>>
        %dma_wait3A_2475 = arith.constant 0 : i32
        %dma_wait3A_2476 = arith.constant 0 : i32
        %dma_wait3A_2477 = tpu.memref_slice %arg6[%dma_wait3A_2461, %dma_wait3A_2475, %dma_wait3A_2476] : memref<10x64x128xf32, #tpu.memory_space<vmem>> -> memref<1x64x128xf32, #tpu.memory_space<vmem>>
        %dma_wait3A_2478 = tpu.memref_squeeze %dma_wait3A_2477 : memref<1x64x128xf32, #tpu.memory_space<vmem>> -> memref<64x128xf32, #tpu.memory_space<vmem>>
        tpu.wait_dma2 semaphore(%dma_wait3A_2471 : memref<!tpu.dma_semaphore, #tpu.memory_space<semaphore_mem>>) src(%dma_wait3A_2478 : memref<64x128xf32, #tpu.memory_space<vmem>>) dst(%dma_wait3A_2474 : memref<64x128xf32, #tpu.memory_space<hbm>>)
        %add3A_2479 = arith.constant 10 : i32
        %add3A_2480 = arith.addi %mul3A_368, %add3A_2479 : i32
        %add3A_2481 = arith.constant 7 : i32
        %add3A_2482 = arith.addi %add3A_2480, %add3A_2481 : i32
        %jit3A_2483 = arith.constant 2 : i32
        %div3A_2484 = arith.divsi %add3A_2482, %jit3A_2483 : i32
        %sign3A_2485 = arith.constant 0 : i32
        %sign3A_2486 = arith.cmpi sgt, %add3A_2482, %sign3A_2485 : i32
        %sign3A_2487 = arith.extui %sign3A_2486 : i1 to i32
        %sign3A_2488 = arith.constant 0 : i32
        %sign3A_2489 = arith.cmpi slt, %add3A_2482, %sign3A_2488 : i32
        %sign3A_2490 = arith.extui %sign3A_2489 : i1 to i32
        %sign3A_2491 = arith.subi %sign3A_2487, %sign3A_2490 : i32
        %sign3A_2492 = arith.constant 0 : i32
        %sign3A_2493 = arith.cmpi sgt, %jit3A_2483, %sign3A_2492 : i32
        %sign3A_2494 = arith.extui %sign3A_2493 : i1 to i32
        %sign3A_2495 = arith.constant 0 : i32
        %sign3A_2496 = arith.cmpi slt, %jit3A_2483, %sign3A_2495 : i32
        %sign3A_2497 = arith.extui %sign3A_2496 : i1 to i32
        %sign3A_2498 = arith.subi %sign3A_2494, %sign3A_2497 : i32
        %ne3A_2499 = arith.cmpi ne, %sign3A_2491, %sign3A_2498 : i32
        %rem3A_2500 = arith.remsi %add3A_2482, %jit3A_2483 : i32
        %ne3A_2501 = arith.constant 0 : i32
        %ne3A_2502 = arith.cmpi ne, %rem3A_2500, %ne3A_2501 : i32
        %and3A_2503 = arith.andi %ne3A_2499, %ne3A_2502 : i1
        %sub3A_2504 = arith.constant 1 : i32
        %sub3A_2505 = arith.subi %div3A_2484, %sub3A_2504 : i32
        %select_n3A_2506 = arith.select %and3A_2503, %sub3A_2505, %div3A_2484 : i32
        %jit3A_2507 = arith.constant 2 : i32
        %eq3A_2508 = arith.constant 0 : i32
        %eq3A_2509 = arith.cmpi eq, %jit3A_2507, %eq3A_2508 : i32
        %jit3A_2510 = arith.constant 1 : i32
        %select_n3A_2511 = arith.select %eq3A_2509, %jit3A_2510, %jit3A_2507 : i32
        %rem3A_2512 = arith.remsi %add3A_2482, %select_n3A_2511 : i32
        %ne3A_2513 = arith.constant 0 : i32
        %ne3A_2514 = arith.cmpi ne, %rem3A_2512, %ne3A_2513 : i32
        %lt3A_2515 = arith.constant 0 : i32
        %lt3A_2516 = arith.cmpi slt, %rem3A_2512, %lt3A_2515 : i32
        %lt3A_2517 = arith.constant 0 : i32
        %lt3A_2518 = arith.cmpi slt, %select_n3A_2511, %lt3A_2517 : i32
        %ne3A_2519 = arith.xori %lt3A_2516, %lt3A_2518 : i1
        %and3A_2520 = arith.andi %ne3A_2519, %ne3A_2514 : i1
        %add3A_2521 = arith.addi %rem3A_2512, %select_n3A_2511 : i32
        %select_n3A_2522 = arith.select %and3A_2520, %add3A_2521, %rem3A_2512 : i32
        %mul3A_2523 = arith.constant 64 : i32
        %mul3A_2524 = arith.muli %select_n3A_2522, %mul3A_2523 : i32
        %dma_start3A_2525 = arith.constant 7 : i32
        %dma_start3A_2526 = arith.constant 7 : i32
        %dma_start3A_2527 = arith.constant 0 : i32
        %dma_start3A_2528 = arith.constant 0 : i32
        %dma_start3A_2529 = tpu.memref_slice %arg6[%dma_start3A_2525, %dma_start3A_2527, %dma_start3A_2528] : memref<10x64x128xf32, #tpu.memory_space<vmem>> -> memref<1x64x128xf32, #tpu.memory_space<vmem>>
        %dma_start3A_2530 = tpu.memref_squeeze %dma_start3A_2529 : memref<1x64x128xf32, #tpu.memory_space<vmem>> -> memref<64x128xf32, #tpu.memory_space<vmem>>
        %dma_start3A_2531 = tpu.memref_slice %arg5[%select_n3A_2506, %mul3A_2524] : memref<50x128xi32, #tpu.memory_space<vmem>> -> memref<1x64xi32, #tpu.memory_space<vmem>>
        %dma_start3A_2532 = tpu.memref_squeeze %dma_start3A_2531 : memref<1x64xi32, #tpu.memory_space<vmem>> -> memref<64xi32, #tpu.memory_space<vmem>>
        %dma_start3A_2533 = arith.constant 0 : i32
        %dma_start3A_2534 = arith.constant 0 : i32
        %dma_start3A_2535 = tpu.memref_slice %arg3[%dma_start3A_2533, %dma_start3A_2534] : memref<100000x128xf32, #tpu.memory_space<hbm>> -> memref<100000x128xf32, #tpu.memory_space<hbm>>
        %dma_start3A_2536 = tpu.memref_slice %arg7[%dma_start3A_2526] : memref<10x!tpu.dma_semaphore, #tpu.memory_space<semaphore_mem>> -> memref<1x!tpu.dma_semaphore, #tpu.memory_space<semaphore_mem>>
        %dma_start3A_2537 = tpu.memref_squeeze %dma_start3A_2536 : memref<1x!tpu.dma_semaphore, #tpu.memory_space<semaphore_mem>> -> memref<!tpu.dma_semaphore, #tpu.memory_space<semaphore_mem>>
        tpu.enqueue_indirect_dma source(%dma_start3A_2535 : memref<100000x128xf32, #tpu.memory_space<hbm>>) target(%dma_start3A_2530 : memref<64x128xf32, #tpu.memory_space<vmem>>) offsets(%dma_start3A_2532 : memref<64xi32, #tpu.memory_space<vmem>>) semaphore(%dma_start3A_2537 : memref<!tpu.dma_semaphore, #tpu.memory_space<semaphore_mem>>)
        %add3A_2538 = arith.constant 8 : i32
        %add3A_2539 = arith.addi %mul3A_368, %add3A_2538 : i32
        %jit3A_2540 = arith.constant 2 : i32
        %div3A_2541 = arith.divsi %add3A_2539, %jit3A_2540 : i32
        %sign3A_2542 = arith.constant 0 : i32
        %sign3A_2543 = arith.cmpi sgt, %add3A_2539, %sign3A_2542 : i32
        %sign3A_2544 = arith.extui %sign3A_2543 : i1 to i32
        %sign3A_2545 = arith.constant 0 : i32
        %sign3A_2546 = arith.cmpi slt, %add3A_2539, %sign3A_2545 : i32
        %sign3A_2547 = arith.extui %sign3A_2546 : i1 to i32
        %sign3A_2548 = arith.subi %sign3A_2544, %sign3A_2547 : i32
        %sign3A_2549 = arith.constant 0 : i32
        %sign3A_2550 = arith.cmpi sgt, %jit3A_2540, %sign3A_2549 : i32
        %sign3A_2551 = arith.extui %sign3A_2550 : i1 to i32
        %sign3A_2552 = arith.constant 0 : i32
        %sign3A_2553 = arith.cmpi slt, %jit3A_2540, %sign3A_2552 : i32
        %sign3A_2554 = arith.extui %sign3A_2553 : i1 to i32
        %sign3A_2555 = arith.subi %sign3A_2551, %sign3A_2554 : i32
        %ne3A_2556 = arith.cmpi ne, %sign3A_2548, %sign3A_2555 : i32
        %rem3A_2557 = arith.remsi %add3A_2539, %jit3A_2540 : i32
        %ne3A_2558 = arith.constant 0 : i32
        %ne3A_2559 = arith.cmpi ne, %rem3A_2557, %ne3A_2558 : i32
        %and3A_2560 = arith.andi %ne3A_2556, %ne3A_2559 : i1
        %sub3A_2561 = arith.constant 1 : i32
        %sub3A_2562 = arith.subi %div3A_2541, %sub3A_2561 : i32
        %select_n3A_2563 = arith.select %and3A_2560, %sub3A_2562, %div3A_2541 : i32
        %jit3A_2564 = arith.constant 2 : i32
        %eq3A_2565 = arith.constant 0 : i32
        %eq3A_2566 = arith.cmpi eq, %jit3A_2564, %eq3A_2565 : i32
        %jit3A_2567 = arith.constant 1 : i32
        %select_n3A_2568 = arith.select %eq3A_2566, %jit3A_2567, %jit3A_2564 : i32
        %rem3A_2569 = arith.remsi %add3A_2539, %select_n3A_2568 : i32
        %ne3A_2570 = arith.constant 0 : i32
        %ne3A_2571 = arith.cmpi ne, %rem3A_2569, %ne3A_2570 : i32
        %lt3A_2572 = arith.constant 0 : i32
        %lt3A_2573 = arith.cmpi slt, %rem3A_2569, %lt3A_2572 : i32
        %lt3A_2574 = arith.constant 0 : i32
        %lt3A_2575 = arith.cmpi slt, %select_n3A_2568, %lt3A_2574 : i32
        %ne3A_2576 = arith.xori %lt3A_2573, %lt3A_2575 : i1
        %and3A_2577 = arith.andi %ne3A_2576, %ne3A_2571 : i1
        %add3A_2578 = arith.addi %rem3A_2569, %select_n3A_2568 : i32
        %select_n3A_2579 = arith.select %and3A_2577, %add3A_2578, %rem3A_2569 : i32
        %mul3A_2580 = arith.constant 64 : i32
        %mul3A_2581 = arith.muli %select_n3A_2579, %mul3A_2580 : i32
        %add3A_2582 = arith.addi %mul3A_2, %mul3A_2581 : i32
        %dma_wait3A_2583 = arith.constant 8 : i32
        %dma_wait3A_2584 = arith.constant 8 : i32
        %dma_wait3A_2585 = arith.constant 0 : i32
        %dma_wait3A_2586 = arith.constant 0 : i32
        %dma_wait3A_2587 = tpu.memref_slice %arg6[%dma_wait3A_2583, %dma_wait3A_2585, %dma_wait3A_2586] : memref<10x64x128xf32, #tpu.memory_space<vmem>> -> memref<1x64x128xf32, #tpu.memory_space<vmem>>
        %dma_wait3A_2588 = tpu.memref_squeeze %dma_wait3A_2587 : memref<1x64x128xf32, #tpu.memory_space<vmem>> -> memref<64x128xf32, #tpu.memory_space<vmem>>
        %dma_wait3A_2589 = arith.constant 0 : i32
        %dma_wait3A_2590 = tpu.memref_slice %arg4[%select_n3A_2563, %add3A_2582, %dma_wait3A_2589] : memref<50x4096x128xf32, #tpu.memory_space<hbm>> -> memref<1x64x128xf32, #tpu.memory_space<hbm>>
        %dma_wait3A_2591 = tpu.memref_squeeze %dma_wait3A_2590 : memref<1x64x128xf32, #tpu.memory_space<hbm>> -> memref<64x128xf32, #tpu.memory_space<hbm>>
        %dma_wait3A_2592 = tpu.memref_slice %arg8[%dma_wait3A_2584] : memref<10x!tpu.dma_semaphore, #tpu.memory_space<semaphore_mem>> -> memref<1x!tpu.dma_semaphore, #tpu.memory_space<semaphore_mem>>
        %dma_wait3A_2593 = tpu.memref_squeeze %dma_wait3A_2592 : memref<1x!tpu.dma_semaphore, #tpu.memory_space<semaphore_mem>> -> memref<!tpu.dma_semaphore, #tpu.memory_space<semaphore_mem>>
        %dma_wait3A_2594 = arith.constant 0 : i32
        %dma_wait3A_2595 = tpu.memref_slice %arg4[%select_n3A_2563, %add3A_2582, %dma_wait3A_2594] : memref<50x4096x128xf32, #tpu.memory_space<hbm>> -> memref<1x64x128xf32, #tpu.memory_space<hbm>>
        %dma_wait3A_2596 = tpu.memref_squeeze %dma_wait3A_2595 : memref<1x64x128xf32, #tpu.memory_space<hbm>> -> memref<64x128xf32, #tpu.memory_space<hbm>>
        %dma_wait3A_2597 = arith.constant 0 : i32
        %dma_wait3A_2598 = arith.constant 0 : i32
        %dma_wait3A_2599 = tpu.memref_slice %arg6[%dma_wait3A_2583, %dma_wait3A_2597, %dma_wait3A_2598] : memref<10x64x128xf32, #tpu.memory_space<vmem>> -> memref<1x64x128xf32, #tpu.memory_space<vmem>>
        %dma_wait3A_2600 = tpu.memref_squeeze %dma_wait3A_2599 : memref<1x64x128xf32, #tpu.memory_space<vmem>> -> memref<64x128xf32, #tpu.memory_space<vmem>>
        tpu.wait_dma2 semaphore(%dma_wait3A_2593 : memref<!tpu.dma_semaphore, #tpu.memory_space<semaphore_mem>>) src(%dma_wait3A_2600 : memref<64x128xf32, #tpu.memory_space<vmem>>) dst(%dma_wait3A_2596 : memref<64x128xf32, #tpu.memory_space<hbm>>)
        %add3A_2601 = arith.constant 10 : i32
        %add3A_2602 = arith.addi %mul3A_368, %add3A_2601 : i32
        %add3A_2603 = arith.constant 8 : i32
        %add3A_2604 = arith.addi %add3A_2602, %add3A_2603 : i32
        %jit3A_2605 = arith.constant 2 : i32
        %div3A_2606 = arith.divsi %add3A_2604, %jit3A_2605 : i32
        %sign3A_2607 = arith.constant 0 : i32
        %sign3A_2608 = arith.cmpi sgt, %add3A_2604, %sign3A_2607 : i32
        %sign3A_2609 = arith.extui %sign3A_2608 : i1 to i32
        %sign3A_2610 = arith.constant 0 : i32
        %sign3A_2611 = arith.cmpi slt, %add3A_2604, %sign3A_2610 : i32
        %sign3A_2612 = arith.extui %sign3A_2611 : i1 to i32
        %sign3A_2613 = arith.subi %sign3A_2609, %sign3A_2612 : i32
        %sign3A_2614 = arith.constant 0 : i32
        %sign3A_2615 = arith.cmpi sgt, %jit3A_2605, %sign3A_2614 : i32
        %sign3A_2616 = arith.extui %sign3A_2615 : i1 to i32
        %sign3A_2617 = arith.constant 0 : i32
        %sign3A_2618 = arith.cmpi slt, %jit3A_2605, %sign3A_2617 : i32
        %sign3A_2619 = arith.extui %sign3A_2618 : i1 to i32
        %sign3A_2620 = arith.subi %sign3A_2616, %sign3A_2619 : i32
        %ne3A_2621 = arith.cmpi ne, %sign3A_2613, %sign3A_2620 : i32
        %rem3A_2622 = arith.remsi %add3A_2604, %jit3A_2605 : i32
        %ne3A_2623 = arith.constant 0 : i32
        %ne3A_2624 = arith.cmpi ne, %rem3A_2622, %ne3A_2623 : i32
        %and3A_2625 = arith.andi %ne3A_2621, %ne3A_2624 : i1
        %sub3A_2626 = arith.constant 1 : i32
        %sub3A_2627 = arith.subi %div3A_2606, %sub3A_2626 : i32
        %select_n3A_2628 = arith.select %and3A_2625, %sub3A_2627, %div3A_2606 : i32
        %jit3A_2629 = arith.constant 2 : i32
        %eq3A_2630 = arith.constant 0 : i32
        %eq3A_2631 = arith.cmpi eq, %jit3A_2629, %eq3A_2630 : i32
        %jit3A_2632 = arith.constant 1 : i32
        %select_n3A_2633 = arith.select %eq3A_2631, %jit3A_2632, %jit3A_2629 : i32
        %rem3A_2634 = arith.remsi %add3A_2604, %select_n3A_2633 : i32
        %ne3A_2635 = arith.constant 0 : i32
        %ne3A_2636 = arith.cmpi ne, %rem3A_2634, %ne3A_2635 : i32
        %lt3A_2637 = arith.constant 0 : i32
        %lt3A_2638 = arith.cmpi slt, %rem3A_2634, %lt3A_2637 : i32
        %lt3A_2639 = arith.constant 0 : i32
        %lt3A_2640 = arith.cmpi slt, %select_n3A_2633, %lt3A_2639 : i32
        %ne3A_2641 = arith.xori %lt3A_2638, %lt3A_2640 : i1
        %and3A_2642 = arith.andi %ne3A_2641, %ne3A_2636 : i1
        %add3A_2643 = arith.addi %rem3A_2634, %select_n3A_2633 : i32
        %select_n3A_2644 = arith.select %and3A_2642, %add3A_2643, %rem3A_2634 : i32
        %mul3A_2645 = arith.constant 64 : i32
        %mul3A_2646 = arith.muli %select_n3A_2644, %mul3A_2645 : i32
        %dma_start3A_2647 = arith.constant 8 : i32
        %dma_start3A_2648 = arith.constant 8 : i32
        %dma_start3A_2649 = arith.constant 0 : i32
        %dma_start3A_2650 = arith.constant 0 : i32
        %dma_start3A_2651 = tpu.memref_slice %arg6[%dma_start3A_2647, %dma_start3A_2649, %dma_start3A_2650] : memref<10x64x128xf32, #tpu.memory_space<vmem>> -> memref<1x64x128xf32, #tpu.memory_space<vmem>>
        %dma_start3A_2652 = tpu.memref_squeeze %dma_start3A_2651 : memref<1x64x128xf32, #tpu.memory_space<vmem>> -> memref<64x128xf32, #tpu.memory_space<vmem>>
        %dma_start3A_2653 = tpu.memref_slice %arg5[%select_n3A_2628, %mul3A_2646] : memref<50x128xi32, #tpu.memory_space<vmem>> -> memref<1x64xi32, #tpu.memory_space<vmem>>
        %dma_start3A_2654 = tpu.memref_squeeze %dma_start3A_2653 : memref<1x64xi32, #tpu.memory_space<vmem>> -> memref<64xi32, #tpu.memory_space<vmem>>
        %dma_start3A_2655 = arith.constant 0 : i32
        %dma_start3A_2656 = arith.constant 0 : i32
        %dma_start3A_2657 = tpu.memref_slice %arg3[%dma_start3A_2655, %dma_start3A_2656] : memref<100000x128xf32, #tpu.memory_space<hbm>> -> memref<100000x128xf32, #tpu.memory_space<hbm>>
        %dma_start3A_2658 = tpu.memref_slice %arg7[%dma_start3A_2648] : memref<10x!tpu.dma_semaphore, #tpu.memory_space<semaphore_mem>> -> memref<1x!tpu.dma_semaphore, #tpu.memory_space<semaphore_mem>>
        %dma_start3A_2659 = tpu.memref_squeeze %dma_start3A_2658 : memref<1x!tpu.dma_semaphore, #tpu.memory_space<semaphore_mem>> -> memref<!tpu.dma_semaphore, #tpu.memory_space<semaphore_mem>>
        tpu.enqueue_indirect_dma source(%dma_start3A_2657 : memref<100000x128xf32, #tpu.memory_space<hbm>>) target(%dma_start3A_2652 : memref<64x128xf32, #tpu.memory_space<vmem>>) offsets(%dma_start3A_2654 : memref<64xi32, #tpu.memory_space<vmem>>) semaphore(%dma_start3A_2659 : memref<!tpu.dma_semaphore, #tpu.memory_space<semaphore_mem>>)
        %add3A_2660 = arith.constant 9 : i32
        %add3A_2661 = arith.addi %mul3A_368, %add3A_2660 : i32
        %jit3A_2662 = arith.constant 2 : i32
        %div3A_2663 = arith.divsi %add3A_2661, %jit3A_2662 : i32
        %sign3A_2664 = arith.constant 0 : i32
        %sign3A_2665 = arith.cmpi sgt, %add3A_2661, %sign3A_2664 : i32
        %sign3A_2666 = arith.extui %sign3A_2665 : i1 to i32
        %sign3A_2667 = arith.constant 0 : i32
        %sign3A_2668 = arith.cmpi slt, %add3A_2661, %sign3A_2667 : i32
        %sign3A_2669 = arith.extui %sign3A_2668 : i1 to i32
        %sign3A_2670 = arith.subi %sign3A_2666, %sign3A_2669 : i32
        %sign3A_2671 = arith.constant 0 : i32
        %sign3A_2672 = arith.cmpi sgt, %jit3A_2662, %sign3A_2671 : i32
        %sign3A_2673 = arith.extui %sign3A_2672 : i1 to i32
        %sign3A_2674 = arith.constant 0 : i32
        %sign3A_2675 = arith.cmpi slt, %jit3A_2662, %sign3A_2674 : i32
        %sign3A_2676 = arith.extui %sign3A_2675 : i1 to i32
        %sign3A_2677 = arith.subi %sign3A_2673, %sign3A_2676 : i32
        %ne3A_2678 = arith.cmpi ne, %sign3A_2670, %sign3A_2677 : i32
        %rem3A_2679 = arith.remsi %add3A_2661, %jit3A_2662 : i32
        %ne3A_2680 = arith.constant 0 : i32
        %ne3A_2681 = arith.cmpi ne, %rem3A_2679, %ne3A_2680 : i32
        %and3A_2682 = arith.andi %ne3A_2678, %ne3A_2681 : i1
        %sub3A_2683 = arith.constant 1 : i32
        %sub3A_2684 = arith.subi %div3A_2663, %sub3A_2683 : i32
        %select_n3A_2685 = arith.select %and3A_2682, %sub3A_2684, %div3A_2663 : i32
        %jit3A_2686 = arith.constant 2 : i32
        %eq3A_2687 = arith.constant 0 : i32
        %eq3A_2688 = arith.cmpi eq, %jit3A_2686, %eq3A_2687 : i32
        %jit3A_2689 = arith.constant 1 : i32
        %select_n3A_2690 = arith.select %eq3A_2688, %jit3A_2689, %jit3A_2686 : i32
        %rem3A_2691 = arith.remsi %add3A_2661, %select_n3A_2690 : i32
        %ne3A_2692 = arith.constant 0 : i32
        %ne3A_2693 = arith.cmpi ne, %rem3A_2691, %ne3A_2692 : i32
        %lt3A_2694 = arith.constant 0 : i32
        %lt3A_2695 = arith.cmpi slt, %rem3A_2691, %lt3A_2694 : i32
        %lt3A_2696 = arith.constant 0 : i32
        %lt3A_2697 = arith.cmpi slt, %select_n3A_2690, %lt3A_2696 : i32
        %ne3A_2698 = arith.xori %lt3A_2695, %lt3A_2697 : i1
        %and3A_2699 = arith.andi %ne3A_2698, %ne3A_2693 : i1
        %add3A_2700 = arith.addi %rem3A_2691, %select_n3A_2690 : i32
        %select_n3A_2701 = arith.select %and3A_2699, %add3A_2700, %rem3A_2691 : i32
        %mul3A_2702 = arith.constant 64 : i32
        %mul3A_2703 = arith.muli %select_n3A_2701, %mul3A_2702 : i32
        %add3A_2704 = arith.addi %mul3A_2, %mul3A_2703 : i32
        %dma_wait3A_2705 = arith.constant 9 : i32
        %dma_wait3A_2706 = arith.constant 9 : i32
        %dma_wait3A_2707 = arith.constant 0 : i32
        %dma_wait3A_2708 = arith.constant 0 : i32
        %dma_wait3A_2709 = tpu.memref_slice %arg6[%dma_wait3A_2705, %dma_wait3A_2707, %dma_wait3A_2708] : memref<10x64x128xf32, #tpu.memory_space<vmem>> -> memref<1x64x128xf32, #tpu.memory_space<vmem>>
        %dma_wait3A_2710 = tpu.memref_squeeze %dma_wait3A_2709 : memref<1x64x128xf32, #tpu.memory_space<vmem>> -> memref<64x128xf32, #tpu.memory_space<vmem>>
        %dma_wait3A_2711 = arith.constant 0 : i32
        %dma_wait3A_2712 = tpu.memref_slice %arg4[%select_n3A_2685, %add3A_2704, %dma_wait3A_2711] : memref<50x4096x128xf32, #tpu.memory_space<hbm>> -> memref<1x64x128xf32, #tpu.memory_space<hbm>>
        %dma_wait3A_2713 = tpu.memref_squeeze %dma_wait3A_2712 : memref<1x64x128xf32, #tpu.memory_space<hbm>> -> memref<64x128xf32, #tpu.memory_space<hbm>>
        %dma_wait3A_2714 = tpu.memref_slice %arg8[%dma_wait3A_2706] : memref<10x!tpu.dma_semaphore, #tpu.memory_space<semaphore_mem>> -> memref<1x!tpu.dma_semaphore, #tpu.memory_space<semaphore_mem>>
        %dma_wait3A_2715 = tpu.memref_squeeze %dma_wait3A_2714 : memref<1x!tpu.dma_semaphore, #tpu.memory_space<semaphore_mem>> -> memref<!tpu.dma_semaphore, #tpu.memory_space<semaphore_mem>>
        %dma_wait3A_2716 = arith.constant 0 : i32
        %dma_wait3A_2717 = tpu.memref_slice %arg4[%select_n3A_2685, %add3A_2704, %dma_wait3A_2716] : memref<50x4096x128xf32, #tpu.memory_space<hbm>> -> memref<1x64x128xf32, #tpu.memory_space<hbm>>
        %dma_wait3A_2718 = tpu.memref_squeeze %dma_wait3A_2717 : memref<1x64x128xf32, #tpu.memory_space<hbm>> -> memref<64x128xf32, #tpu.memory_space<hbm>>
        %dma_wait3A_2719 = arith.constant 0 : i32
        %dma_wait3A_2720 = arith.constant 0 : i32
        %dma_wait3A_2721 = tpu.memref_slice %arg6[%dma_wait3A_2705, %dma_wait3A_2719, %dma_wait3A_2720] : memref<10x64x128xf32, #tpu.memory_space<vmem>> -> memref<1x64x128xf32, #tpu.memory_space<vmem>>
        %dma_wait3A_2722 = tpu.memref_squeeze %dma_wait3A_2721 : memref<1x64x128xf32, #tpu.memory_space<vmem>> -> memref<64x128xf32, #tpu.memory_space<vmem>>
        tpu.wait_dma2 semaphore(%dma_wait3A_2715 : memref<!tpu.dma_semaphore, #tpu.memory_space<semaphore_mem>>) src(%dma_wait3A_2722 : memref<64x128xf32, #tpu.memory_space<vmem>>) dst(%dma_wait3A_2718 : memref<64x128xf32, #tpu.memory_space<hbm>>)
        %add3A_2723 = arith.constant 10 : i32
        %add3A_2724 = arith.addi %mul3A_368, %add3A_2723 : i32
        %add3A_2725 = arith.constant 9 : i32
        %add3A_2726 = arith.addi %add3A_2724, %add3A_2725 : i32
        %jit3A_2727 = arith.constant 2 : i32
        %div3A_2728 = arith.divsi %add3A_2726, %jit3A_2727 : i32
        %sign3A_2729 = arith.constant 0 : i32
        %sign3A_2730 = arith.cmpi sgt, %add3A_2726, %sign3A_2729 : i32
        %sign3A_2731 = arith.extui %sign3A_2730 : i1 to i32
        %sign3A_2732 = arith.constant 0 : i32
        %sign3A_2733 = arith.cmpi slt, %add3A_2726, %sign3A_2732 : i32
        %sign3A_2734 = arith.extui %sign3A_2733 : i1 to i32
        %sign3A_2735 = arith.subi %sign3A_2731, %sign3A_2734 : i32
        %sign3A_2736 = arith.constant 0 : i32
        %sign3A_2737 = arith.cmpi sgt, %jit3A_2727, %sign3A_2736 : i32
        %sign3A_2738 = arith.extui %sign3A_2737 : i1 to i32
        %sign3A_2739 = arith.constant 0 : i32
        %sign3A_2740 = arith.cmpi slt, %jit3A_2727, %sign3A_2739 : i32
        %sign3A_2741 = arith.extui %sign3A_2740 : i1 to i32
        %sign3A_2742 = arith.subi %sign3A_2738, %sign3A_2741 : i32
        %ne3A_2743 = arith.cmpi ne, %sign3A_2735, %sign3A_2742 : i32
        %rem3A_2744 = arith.remsi %add3A_2726, %jit3A_2727 : i32
        %ne3A_2745 = arith.constant 0 : i32
        %ne3A_2746 = arith.cmpi ne, %rem3A_2744, %ne3A_2745 : i32
        %and3A_2747 = arith.andi %ne3A_2743, %ne3A_2746 : i1
        %sub3A_2748 = arith.constant 1 : i32
        %sub3A_2749 = arith.subi %div3A_2728, %sub3A_2748 : i32
        %select_n3A_2750 = arith.select %and3A_2747, %sub3A_2749, %div3A_2728 : i32
        %jit3A_2751 = arith.constant 2 : i32
        %eq3A_2752 = arith.constant 0 : i32
        %eq3A_2753 = arith.cmpi eq, %jit3A_2751, %eq3A_2752 : i32
        %jit3A_2754 = arith.constant 1 : i32
        %select_n3A_2755 = arith.select %eq3A_2753, %jit3A_2754, %jit3A_2751 : i32
        %rem3A_2756 = arith.remsi %add3A_2726, %select_n3A_2755 : i32
        %ne3A_2757 = arith.constant 0 : i32
        %ne3A_2758 = arith.cmpi ne, %rem3A_2756, %ne3A_2757 : i32
        %lt3A_2759 = arith.constant 0 : i32
        %lt3A_2760 = arith.cmpi slt, %rem3A_2756, %lt3A_2759 : i32
        %lt3A_2761 = arith.constant 0 : i32
        %lt3A_2762 = arith.cmpi slt, %select_n3A_2755, %lt3A_2761 : i32
        %ne3A_2763 = arith.xori %lt3A_2760, %lt3A_2762 : i1
        %and3A_2764 = arith.andi %ne3A_2763, %ne3A_2758 : i1
        %add3A_2765 = arith.addi %rem3A_2756, %select_n3A_2755 : i32
        %select_n3A_2766 = arith.select %and3A_2764, %add3A_2765, %rem3A_2756 : i32
        %mul3A_2767 = arith.constant 64 : i32
        %mul3A_2768 = arith.muli %select_n3A_2766, %mul3A_2767 : i32
        %dma_start3A_2769 = arith.constant 9 : i32
        %dma_start3A_2770 = arith.constant 9 : i32
        %dma_start3A_2771 = arith.constant 0 : i32
        %dma_start3A_2772 = arith.constant 0 : i32
        %dma_start3A_2773 = tpu.memref_slice %arg6[%dma_start3A_2769, %dma_start3A_2771, %dma_start3A_2772] : memref<10x64x128xf32, #tpu.memory_space<vmem>> -> memref<1x64x128xf32, #tpu.memory_space<vmem>>
        %dma_start3A_2774 = tpu.memref_squeeze %dma_start3A_2773 : memref<1x64x128xf32, #tpu.memory_space<vmem>> -> memref<64x128xf32, #tpu.memory_space<vmem>>
        %dma_start3A_2775 = tpu.memref_slice %arg5[%select_n3A_2750, %mul3A_2768] : memref<50x128xi32, #tpu.memory_space<vmem>> -> memref<1x64xi32, #tpu.memory_space<vmem>>
        %dma_start3A_2776 = tpu.memref_squeeze %dma_start3A_2775 : memref<1x64xi32, #tpu.memory_space<vmem>> -> memref<64xi32, #tpu.memory_space<vmem>>
        %dma_start3A_2777 = arith.constant 0 : i32
        %dma_start3A_2778 = arith.constant 0 : i32
        %dma_start3A_2779 = tpu.memref_slice %arg3[%dma_start3A_2777, %dma_start3A_2778] : memref<100000x128xf32, #tpu.memory_space<hbm>> -> memref<100000x128xf32, #tpu.memory_space<hbm>>
        %dma_start3A_2780 = tpu.memref_slice %arg7[%dma_start3A_2770] : memref<10x!tpu.dma_semaphore, #tpu.memory_space<semaphore_mem>> -> memref<1x!tpu.dma_semaphore, #tpu.memory_space<semaphore_mem>>
        %dma_start3A_2781 = tpu.memref_squeeze %dma_start3A_2780 : memref<1x!tpu.dma_semaphore, #tpu.memory_space<semaphore_mem>> -> memref<!tpu.dma_semaphore, #tpu.memory_space<semaphore_mem>>
        tpu.enqueue_indirect_dma source(%dma_start3A_2779 : memref<100000x128xf32, #tpu.memory_space<hbm>>) target(%dma_start3A_2774 : memref<64x128xf32, #tpu.memory_space<vmem>>) offsets(%dma_start3A_2776 : memref<64xi32, #tpu.memory_space<vmem>>) semaphore(%dma_start3A_2781 : memref<!tpu.dma_semaphore, #tpu.memory_space<semaphore_mem>>)
      } else {
      }
    }
    %scan3A_156 = arith.constant 10 : i32
    %add3A_157 = arith.constant 0 : i32
    %add3A_158 = arith.addi %mul3A_2, %add3A_157 : i32
    %dma_wait3A = arith.constant 0 : i32
    %dma_wait3A_159 = arith.constant 45 : i32
    %dma_wait3A_160 = arith.constant 0 : i32
    %dma_wait3A_161 = arith.constant 0 : i32
    %dma_wait3A_162 = arith.constant 0 : i32
    %dma_wait3A_163 = tpu.memref_slice %arg6[%dma_wait3A, %dma_wait3A_161, %dma_wait3A_162] : memref<10x64x128xf32, #tpu.memory_space<vmem>> -> memref<1x64x128xf32, #tpu.memory_space<vmem>>
    %dma_wait3A_164 = tpu.memref_squeeze %dma_wait3A_163 : memref<1x64x128xf32, #tpu.memory_space<vmem>> -> memref<64x128xf32, #tpu.memory_space<vmem>>
    %dma_wait3A_165 = arith.constant 0 : i32
    %dma_wait3A_166 = tpu.memref_slice %arg4[%dma_wait3A_159, %add3A_158, %dma_wait3A_165] : memref<50x4096x128xf32, #tpu.memory_space<hbm>> -> memref<1x64x128xf32, #tpu.memory_space<hbm>>
    %dma_wait3A_167 = tpu.memref_squeeze %dma_wait3A_166 : memref<1x64x128xf32, #tpu.memory_space<hbm>> -> memref<64x128xf32, #tpu.memory_space<hbm>>
    %dma_wait3A_168 = tpu.memref_slice %arg8[%dma_wait3A_160] : memref<10x!tpu.dma_semaphore, #tpu.memory_space<semaphore_mem>> -> memref<1x!tpu.dma_semaphore, #tpu.memory_space<semaphore_mem>>
    %dma_wait3A_169 = tpu.memref_squeeze %dma_wait3A_168 : memref<1x!tpu.dma_semaphore, #tpu.memory_space<semaphore_mem>> -> memref<!tpu.dma_semaphore, #tpu.memory_space<semaphore_mem>>
    %dma_wait3A_170 = arith.constant 0 : i32
    %dma_wait3A_171 = tpu.memref_slice %arg4[%dma_wait3A_159, %add3A_158, %dma_wait3A_170] : memref<50x4096x128xf32, #tpu.memory_space<hbm>> -> memref<1x64x128xf32, #tpu.memory_space<hbm>>
    %dma_wait3A_172 = tpu.memref_squeeze %dma_wait3A_171 : memref<1x64x128xf32, #tpu.memory_space<hbm>> -> memref<64x128xf32, #tpu.memory_space<hbm>>
    %dma_wait3A_173 = arith.constant 0 : i32
    %dma_wait3A_174 = arith.constant 0 : i32
    %dma_wait3A_175 = tpu.memref_slice %arg6[%dma_wait3A, %dma_wait3A_173, %dma_wait3A_174] : memref<10x64x128xf32, #tpu.memory_space<vmem>> -> memref<1x64x128xf32, #tpu.memory_space<vmem>>
    %dma_wait3A_176 = tpu.memref_squeeze %dma_wait3A_175 : memref<1x64x128xf32, #tpu.memory_space<vmem>> -> memref<64x128xf32, #tpu.memory_space<vmem>>
    tpu.wait_dma2 semaphore(%dma_wait3A_169 : memref<!tpu.dma_semaphore, #tpu.memory_space<semaphore_mem>>) src(%dma_wait3A_176 : memref<64x128xf32, #tpu.memory_space<vmem>>) dst(%dma_wait3A_172 : memref<64x128xf32, #tpu.memory_space<hbm>>)
    %add3A_177 = arith.constant 64 : i32
    %add3A_178 = arith.addi %mul3A_2, %add3A_177 : i32
    %dma_wait3A_179 = arith.constant 1 : i32
    %dma_wait3A_180 = arith.constant 45 : i32
    %dma_wait3A_181 = arith.constant 1 : i32
    %dma_wait3A_182 = arith.constant 0 : i32
    %dma_wait3A_183 = arith.constant 0 : i32
    %dma_wait3A_184 = tpu.memref_slice %arg6[%dma_wait3A_179, %dma_wait3A_182, %dma_wait3A_183] : memref<10x64x128xf32, #tpu.memory_space<vmem>> -> memref<1x64x128xf32, #tpu.memory_space<vmem>>
    %dma_wait3A_185 = tpu.memref_squeeze %dma_wait3A_184 : memref<1x64x128xf32, #tpu.memory_space<vmem>> -> memref<64x128xf32, #tpu.memory_space<vmem>>
    %dma_wait3A_186 = arith.constant 0 : i32
    %dma_wait3A_187 = tpu.memref_slice %arg4[%dma_wait3A_180, %add3A_178, %dma_wait3A_186] : memref<50x4096x128xf32, #tpu.memory_space<hbm>> -> memref<1x64x128xf32, #tpu.memory_space<hbm>>
    %dma_wait3A_188 = tpu.memref_squeeze %dma_wait3A_187 : memref<1x64x128xf32, #tpu.memory_space<hbm>> -> memref<64x128xf32, #tpu.memory_space<hbm>>
    %dma_wait3A_189 = tpu.memref_slice %arg8[%dma_wait3A_181] : memref<10x!tpu.dma_semaphore, #tpu.memory_space<semaphore_mem>> -> memref<1x!tpu.dma_semaphore, #tpu.memory_space<semaphore_mem>>
    %dma_wait3A_190 = tpu.memref_squeeze %dma_wait3A_189 : memref<1x!tpu.dma_semaphore, #tpu.memory_space<semaphore_mem>> -> memref<!tpu.dma_semaphore, #tpu.memory_space<semaphore_mem>>
    %dma_wait3A_191 = arith.constant 0 : i32
    %dma_wait3A_192 = tpu.memref_slice %arg4[%dma_wait3A_180, %add3A_178, %dma_wait3A_191] : memref<50x4096x128xf32, #tpu.memory_space<hbm>> -> memref<1x64x128xf32, #tpu.memory_space<hbm>>
    %dma_wait3A_193 = tpu.memref_squeeze %dma_wait3A_192 : memref<1x64x128xf32, #tpu.memory_space<hbm>> -> memref<64x128xf32, #tpu.memory_space<hbm>>
    %dma_wait3A_194 = arith.constant 0 : i32
    %dma_wait3A_195 = arith.constant 0 : i32
    %dma_wait3A_196 = tpu.memref_slice %arg6[%dma_wait3A_179, %dma_wait3A_194, %dma_wait3A_195] : memref<10x64x128xf32, #tpu.memory_space<vmem>> -> memref<1x64x128xf32, #tpu.memory_space<vmem>>
    %dma_wait3A_197 = tpu.memref_squeeze %dma_wait3A_196 : memref<1x64x128xf32, #tpu.memory_space<vmem>> -> memref<64x128xf32, #tpu.memory_space<vmem>>
    tpu.wait_dma2 semaphore(%dma_wait3A_190 : memref<!tpu.dma_semaphore, #tpu.memory_space<semaphore_mem>>) src(%dma_wait3A_197 : memref<64x128xf32, #tpu.memory_space<vmem>>) dst(%dma_wait3A_193 : memref<64x128xf32, #tpu.memory_space<hbm>>)
    %add3A_198 = arith.constant 0 : i32
    %add3A_199 = arith.addi %mul3A_2, %add3A_198 : i32
    %dma_wait3A_200 = arith.constant 2 : i32
    %dma_wait3A_201 = arith.constant 46 : i32
    %dma_wait3A_202 = arith.constant 2 : i32
    %dma_wait3A_203 = arith.constant 0 : i32
    %dma_wait3A_204 = arith.constant 0 : i32
    %dma_wait3A_205 = tpu.memref_slice %arg6[%dma_wait3A_200, %dma_wait3A_203, %dma_wait3A_204] : memref<10x64x128xf32, #tpu.memory_space<vmem>> -> memref<1x64x128xf32, #tpu.memory_space<vmem>>
    %dma_wait3A_206 = tpu.memref_squeeze %dma_wait3A_205 : memref<1x64x128xf32, #tpu.memory_space<vmem>> -> memref<64x128xf32, #tpu.memory_space<vmem>>
    %dma_wait3A_207 = arith.constant 0 : i32
    %dma_wait3A_208 = tpu.memref_slice %arg4[%dma_wait3A_201, %add3A_199, %dma_wait3A_207] : memref<50x4096x128xf32, #tpu.memory_space<hbm>> -> memref<1x64x128xf32, #tpu.memory_space<hbm>>
    %dma_wait3A_209 = tpu.memref_squeeze %dma_wait3A_208 : memref<1x64x128xf32, #tpu.memory_space<hbm>> -> memref<64x128xf32, #tpu.memory_space<hbm>>
    %dma_wait3A_210 = tpu.memref_slice %arg8[%dma_wait3A_202] : memref<10x!tpu.dma_semaphore, #tpu.memory_space<semaphore_mem>> -> memref<1x!tpu.dma_semaphore, #tpu.memory_space<semaphore_mem>>
    %dma_wait3A_211 = tpu.memref_squeeze %dma_wait3A_210 : memref<1x!tpu.dma_semaphore, #tpu.memory_space<semaphore_mem>> -> memref<!tpu.dma_semaphore, #tpu.memory_space<semaphore_mem>>
    %dma_wait3A_212 = arith.constant 0 : i32
    %dma_wait3A_213 = tpu.memref_slice %arg4[%dma_wait3A_201, %add3A_199, %dma_wait3A_212] : memref<50x4096x128xf32, #tpu.memory_space<hbm>> -> memref<1x64x128xf32, #tpu.memory_space<hbm>>
    %dma_wait3A_214 = tpu.memref_squeeze %dma_wait3A_213 : memref<1x64x128xf32, #tpu.memory_space<hbm>> -> memref<64x128xf32, #tpu.memory_space<hbm>>
    %dma_wait3A_215 = arith.constant 0 : i32
    %dma_wait3A_216 = arith.constant 0 : i32
    %dma_wait3A_217 = tpu.memref_slice %arg6[%dma_wait3A_200, %dma_wait3A_215, %dma_wait3A_216] : memref<10x64x128xf32, #tpu.memory_space<vmem>> -> memref<1x64x128xf32, #tpu.memory_space<vmem>>
    %dma_wait3A_218 = tpu.memref_squeeze %dma_wait3A_217 : memref<1x64x128xf32, #tpu.memory_space<vmem>> -> memref<64x128xf32, #tpu.memory_space<vmem>>
    tpu.wait_dma2 semaphore(%dma_wait3A_211 : memref<!tpu.dma_semaphore, #tpu.memory_space<semaphore_mem>>) src(%dma_wait3A_218 : memref<64x128xf32, #tpu.memory_space<vmem>>) dst(%dma_wait3A_214 : memref<64x128xf32, #tpu.memory_space<hbm>>)
    %add3A_219 = arith.constant 64 : i32
    %add3A_220 = arith.addi %mul3A_2, %add3A_219 : i32
    %dma_wait3A_221 = arith.constant 3 : i32
    %dma_wait3A_222 = arith.constant 46 : i32
    %dma_wait3A_223 = arith.constant 3 : i32
    %dma_wait3A_224 = arith.constant 0 : i32
    %dma_wait3A_225 = arith.constant 0 : i32
    %dma_wait3A_226 = tpu.memref_slice %arg6[%dma_wait3A_221, %dma_wait3A_224, %dma_wait3A_225] : memref<10x64x128xf32, #tpu.memory_space<vmem>> -> memref<1x64x128xf32, #tpu.memory_space<vmem>>
    %dma_wait3A_227 = tpu.memref_squeeze %dma_wait3A_226 : memref<1x64x128xf32, #tpu.memory_space<vmem>> -> memref<64x128xf32, #tpu.memory_space<vmem>>
    %dma_wait3A_228 = arith.constant 0 : i32
    %dma_wait3A_229 = tpu.memref_slice %arg4[%dma_wait3A_222, %add3A_220, %dma_wait3A_228] : memref<50x4096x128xf32, #tpu.memory_space<hbm>> -> memref<1x64x128xf32, #tpu.memory_space<hbm>>
    %dma_wait3A_230 = tpu.memref_squeeze %dma_wait3A_229 : memref<1x64x128xf32, #tpu.memory_space<hbm>> -> memref<64x128xf32, #tpu.memory_space<hbm>>
    %dma_wait3A_231 = tpu.memref_slice %arg8[%dma_wait3A_223] : memref<10x!tpu.dma_semaphore, #tpu.memory_space<semaphore_mem>> -> memref<1x!tpu.dma_semaphore, #tpu.memory_space<semaphore_mem>>
    %dma_wait3A_232 = tpu.memref_squeeze %dma_wait3A_231 : memref<1x!tpu.dma_semaphore, #tpu.memory_space<semaphore_mem>> -> memref<!tpu.dma_semaphore, #tpu.memory_space<semaphore_mem>>
    %dma_wait3A_233 = arith.constant 0 : i32
    %dma_wait3A_234 = tpu.memref_slice %arg4[%dma_wait3A_222, %add3A_220, %dma_wait3A_233] : memref<50x4096x128xf32, #tpu.memory_space<hbm>> -> memref<1x64x128xf32, #tpu.memory_space<hbm>>
    %dma_wait3A_235 = tpu.memref_squeeze %dma_wait3A_234 : memref<1x64x128xf32, #tpu.memory_space<hbm>> -> memref<64x128xf32, #tpu.memory_space<hbm>>
    %dma_wait3A_236 = arith.constant 0 : i32
    %dma_wait3A_237 = arith.constant 0 : i32
    %dma_wait3A_238 = tpu.memref_slice %arg6[%dma_wait3A_221, %dma_wait3A_236, %dma_wait3A_237] : memref<10x64x128xf32, #tpu.memory_space<vmem>> -> memref<1x64x128xf32, #tpu.memory_space<vmem>>
    %dma_wait3A_239 = tpu.memref_squeeze %dma_wait3A_238 : memref<1x64x128xf32, #tpu.memory_space<vmem>> -> memref<64x128xf32, #tpu.memory_space<vmem>>
    tpu.wait_dma2 semaphore(%dma_wait3A_232 : memref<!tpu.dma_semaphore, #tpu.memory_space<semaphore_mem>>) src(%dma_wait3A_239 : memref<64x128xf32, #tpu.memory_space<vmem>>) dst(%dma_wait3A_235 : memref<64x128xf32, #tpu.memory_space<hbm>>)
    %add3A_240 = arith.constant 0 : i32
    %add3A_241 = arith.addi %mul3A_2, %add3A_240 : i32
    %dma_wait3A_242 = arith.constant 4 : i32
    %dma_wait3A_243 = arith.constant 47 : i32
    %dma_wait3A_244 = arith.constant 4 : i32
    %dma_wait3A_245 = arith.constant 0 : i32
    %dma_wait3A_246 = arith.constant 0 : i32
    %dma_wait3A_247 = tpu.memref_slice %arg6[%dma_wait3A_242, %dma_wait3A_245, %dma_wait3A_246] : memref<10x64x128xf32, #tpu.memory_space<vmem>> -> memref<1x64x128xf32, #tpu.memory_space<vmem>>
    %dma_wait3A_248 = tpu.memref_squeeze %dma_wait3A_247 : memref<1x64x128xf32, #tpu.memory_space<vmem>> -> memref<64x128xf32, #tpu.memory_space<vmem>>
    %dma_wait3A_249 = arith.constant 0 : i32
    %dma_wait3A_250 = tpu.memref_slice %arg4[%dma_wait3A_243, %add3A_241, %dma_wait3A_249] : memref<50x4096x128xf32, #tpu.memory_space<hbm>> -> memref<1x64x128xf32, #tpu.memory_space<hbm>>
    %dma_wait3A_251 = tpu.memref_squeeze %dma_wait3A_250 : memref<1x64x128xf32, #tpu.memory_space<hbm>> -> memref<64x128xf32, #tpu.memory_space<hbm>>
    %dma_wait3A_252 = tpu.memref_slice %arg8[%dma_wait3A_244] : memref<10x!tpu.dma_semaphore, #tpu.memory_space<semaphore_mem>> -> memref<1x!tpu.dma_semaphore, #tpu.memory_space<semaphore_mem>>
    %dma_wait3A_253 = tpu.memref_squeeze %dma_wait3A_252 : memref<1x!tpu.dma_semaphore, #tpu.memory_space<semaphore_mem>> -> memref<!tpu.dma_semaphore, #tpu.memory_space<semaphore_mem>>
    %dma_wait3A_254 = arith.constant 0 : i32
    %dma_wait3A_255 = tpu.memref_slice %arg4[%dma_wait3A_243, %add3A_241, %dma_wait3A_254] : memref<50x4096x128xf32, #tpu.memory_space<hbm>> -> memref<1x64x128xf32, #tpu.memory_space<hbm>>
    %dma_wait3A_256 = tpu.memref_squeeze %dma_wait3A_255 : memref<1x64x128xf32, #tpu.memory_space<hbm>> -> memref<64x128xf32, #tpu.memory_space<hbm>>
    %dma_wait3A_257 = arith.constant 0 : i32
    %dma_wait3A_258 = arith.constant 0 : i32
    %dma_wait3A_259 = tpu.memref_slice %arg6[%dma_wait3A_242, %dma_wait3A_257, %dma_wait3A_258] : memref<10x64x128xf32, #tpu.memory_space<vmem>> -> memref<1x64x128xf32, #tpu.memory_space<vmem>>
    %dma_wait3A_260 = tpu.memref_squeeze %dma_wait3A_259 : memref<1x64x128xf32, #tpu.memory_space<vmem>> -> memref<64x128xf32, #tpu.memory_space<vmem>>
    tpu.wait_dma2 semaphore(%dma_wait3A_253 : memref<!tpu.dma_semaphore, #tpu.memory_space<semaphore_mem>>) src(%dma_wait3A_260 : memref<64x128xf32, #tpu.memory_space<vmem>>) dst(%dma_wait3A_256 : memref<64x128xf32, #tpu.memory_space<hbm>>)
    %add3A_261 = arith.constant 64 : i32
    %add3A_262 = arith.addi %mul3A_2, %add3A_261 : i32
    %dma_wait3A_263 = arith.constant 5 : i32
    %dma_wait3A_264 = arith.constant 47 : i32
    %dma_wait3A_265 = arith.constant 5 : i32
    %dma_wait3A_266 = arith.constant 0 : i32
    %dma_wait3A_267 = arith.constant 0 : i32
    %dma_wait3A_268 = tpu.memref_slice %arg6[%dma_wait3A_263, %dma_wait3A_266, %dma_wait3A_267] : memref<10x64x128xf32, #tpu.memory_space<vmem>> -> memref<1x64x128xf32, #tpu.memory_space<vmem>>
    %dma_wait3A_269 = tpu.memref_squeeze %dma_wait3A_268 : memref<1x64x128xf32, #tpu.memory_space<vmem>> -> memref<64x128xf32, #tpu.memory_space<vmem>>
    %dma_wait3A_270 = arith.constant 0 : i32
    %dma_wait3A_271 = tpu.memref_slice %arg4[%dma_wait3A_264, %add3A_262, %dma_wait3A_270] : memref<50x4096x128xf32, #tpu.memory_space<hbm>> -> memref<1x64x128xf32, #tpu.memory_space<hbm>>
    %dma_wait3A_272 = tpu.memref_squeeze %dma_wait3A_271 : memref<1x64x128xf32, #tpu.memory_space<hbm>> -> memref<64x128xf32, #tpu.memory_space<hbm>>
    %dma_wait3A_273 = tpu.memref_slice %arg8[%dma_wait3A_265] : memref<10x!tpu.dma_semaphore, #tpu.memory_space<semaphore_mem>> -> memref<1x!tpu.dma_semaphore, #tpu.memory_space<semaphore_mem>>
    %dma_wait3A_274 = tpu.memref_squeeze %dma_wait3A_273 : memref<1x!tpu.dma_semaphore, #tpu.memory_space<semaphore_mem>> -> memref<!tpu.dma_semaphore, #tpu.memory_space<semaphore_mem>>
    %dma_wait3A_275 = arith.constant 0 : i32
    %dma_wait3A_276 = tpu.memref_slice %arg4[%dma_wait3A_264, %add3A_262, %dma_wait3A_275] : memref<50x4096x128xf32, #tpu.memory_space<hbm>> -> memref<1x64x128xf32, #tpu.memory_space<hbm>>
    %dma_wait3A_277 = tpu.memref_squeeze %dma_wait3A_276 : memref<1x64x128xf32, #tpu.memory_space<hbm>> -> memref<64x128xf32, #tpu.memory_space<hbm>>
    %dma_wait3A_278 = arith.constant 0 : i32
    %dma_wait3A_279 = arith.constant 0 : i32
    %dma_wait3A_280 = tpu.memref_slice %arg6[%dma_wait3A_263, %dma_wait3A_278, %dma_wait3A_279] : memref<10x64x128xf32, #tpu.memory_space<vmem>> -> memref<1x64x128xf32, #tpu.memory_space<vmem>>
    %dma_wait3A_281 = tpu.memref_squeeze %dma_wait3A_280 : memref<1x64x128xf32, #tpu.memory_space<vmem>> -> memref<64x128xf32, #tpu.memory_space<vmem>>
    tpu.wait_dma2 semaphore(%dma_wait3A_274 : memref<!tpu.dma_semaphore, #tpu.memory_space<semaphore_mem>>) src(%dma_wait3A_281 : memref<64x128xf32, #tpu.memory_space<vmem>>) dst(%dma_wait3A_277 : memref<64x128xf32, #tpu.memory_space<hbm>>)
    %add3A_282 = arith.constant 0 : i32
    %add3A_283 = arith.addi %mul3A_2, %add3A_282 : i32
    %dma_wait3A_284 = arith.constant 6 : i32
    %dma_wait3A_285 = arith.constant 48 : i32
    %dma_wait3A_286 = arith.constant 6 : i32
    %dma_wait3A_287 = arith.constant 0 : i32
    %dma_wait3A_288 = arith.constant 0 : i32
    %dma_wait3A_289 = tpu.memref_slice %arg6[%dma_wait3A_284, %dma_wait3A_287, %dma_wait3A_288] : memref<10x64x128xf32, #tpu.memory_space<vmem>> -> memref<1x64x128xf32, #tpu.memory_space<vmem>>
    %dma_wait3A_290 = tpu.memref_squeeze %dma_wait3A_289 : memref<1x64x128xf32, #tpu.memory_space<vmem>> -> memref<64x128xf32, #tpu.memory_space<vmem>>
    %dma_wait3A_291 = arith.constant 0 : i32
    %dma_wait3A_292 = tpu.memref_slice %arg4[%dma_wait3A_285, %add3A_283, %dma_wait3A_291] : memref<50x4096x128xf32, #tpu.memory_space<hbm>> -> memref<1x64x128xf32, #tpu.memory_space<hbm>>
    %dma_wait3A_293 = tpu.memref_squeeze %dma_wait3A_292 : memref<1x64x128xf32, #tpu.memory_space<hbm>> -> memref<64x128xf32, #tpu.memory_space<hbm>>
    %dma_wait3A_294 = tpu.memref_slice %arg8[%dma_wait3A_286] : memref<10x!tpu.dma_semaphore, #tpu.memory_space<semaphore_mem>> -> memref<1x!tpu.dma_semaphore, #tpu.memory_space<semaphore_mem>>
    %dma_wait3A_295 = tpu.memref_squeeze %dma_wait3A_294 : memref<1x!tpu.dma_semaphore, #tpu.memory_space<semaphore_mem>> -> memref<!tpu.dma_semaphore, #tpu.memory_space<semaphore_mem>>
    %dma_wait3A_296 = arith.constant 0 : i32
    %dma_wait3A_297 = tpu.memref_slice %arg4[%dma_wait3A_285, %add3A_283, %dma_wait3A_296] : memref<50x4096x128xf32, #tpu.memory_space<hbm>> -> memref<1x64x128xf32, #tpu.memory_space<hbm>>
    %dma_wait3A_298 = tpu.memref_squeeze %dma_wait3A_297 : memref<1x64x128xf32, #tpu.memory_space<hbm>> -> memref<64x128xf32, #tpu.memory_space<hbm>>
    %dma_wait3A_299 = arith.constant 0 : i32
    %dma_wait3A_300 = arith.constant 0 : i32
    %dma_wait3A_301 = tpu.memref_slice %arg6[%dma_wait3A_284, %dma_wait3A_299, %dma_wait3A_300] : memref<10x64x128xf32, #tpu.memory_space<vmem>> -> memref<1x64x128xf32, #tpu.memory_space<vmem>>
    %dma_wait3A_302 = tpu.memref_squeeze %dma_wait3A_301 : memref<1x64x128xf32, #tpu.memory_space<vmem>> -> memref<64x128xf32, #tpu.memory_space<vmem>>
    tpu.wait_dma2 semaphore(%dma_wait3A_295 : memref<!tpu.dma_semaphore, #tpu.memory_space<semaphore_mem>>) src(%dma_wait3A_302 : memref<64x128xf32, #tpu.memory_space<vmem>>) dst(%dma_wait3A_298 : memref<64x128xf32, #tpu.memory_space<hbm>>)
    %add3A_303 = arith.constant 64 : i32
    %add3A_304 = arith.addi %mul3A_2, %add3A_303 : i32
    %dma_wait3A_305 = arith.constant 7 : i32
    %dma_wait3A_306 = arith.constant 48 : i32
    %dma_wait3A_307 = arith.constant 7 : i32
    %dma_wait3A_308 = arith.constant 0 : i32
    %dma_wait3A_309 = arith.constant 0 : i32
    %dma_wait3A_310 = tpu.memref_slice %arg6[%dma_wait3A_305, %dma_wait3A_308, %dma_wait3A_309] : memref<10x64x128xf32, #tpu.memory_space<vmem>> -> memref<1x64x128xf32, #tpu.memory_space<vmem>>
    %dma_wait3A_311 = tpu.memref_squeeze %dma_wait3A_310 : memref<1x64x128xf32, #tpu.memory_space<vmem>> -> memref<64x128xf32, #tpu.memory_space<vmem>>
    %dma_wait3A_312 = arith.constant 0 : i32
    %dma_wait3A_313 = tpu.memref_slice %arg4[%dma_wait3A_306, %add3A_304, %dma_wait3A_312] : memref<50x4096x128xf32, #tpu.memory_space<hbm>> -> memref<1x64x128xf32, #tpu.memory_space<hbm>>
    %dma_wait3A_314 = tpu.memref_squeeze %dma_wait3A_313 : memref<1x64x128xf32, #tpu.memory_space<hbm>> -> memref<64x128xf32, #tpu.memory_space<hbm>>
    %dma_wait3A_315 = tpu.memref_slice %arg8[%dma_wait3A_307] : memref<10x!tpu.dma_semaphore, #tpu.memory_space<semaphore_mem>> -> memref<1x!tpu.dma_semaphore, #tpu.memory_space<semaphore_mem>>
    %dma_wait3A_316 = tpu.memref_squeeze %dma_wait3A_315 : memref<1x!tpu.dma_semaphore, #tpu.memory_space<semaphore_mem>> -> memref<!tpu.dma_semaphore, #tpu.memory_space<semaphore_mem>>
    %dma_wait3A_317 = arith.constant 0 : i32
    %dma_wait3A_318 = tpu.memref_slice %arg4[%dma_wait3A_306, %add3A_304, %dma_wait3A_317] : memref<50x4096x128xf32, #tpu.memory_space<hbm>> -> memref<1x64x128xf32, #tpu.memory_space<hbm>>
    %dma_wait3A_319 = tpu.memref_squeeze %dma_wait3A_318 : memref<1x64x128xf32, #tpu.memory_space<hbm>> -> memref<64x128xf32, #tpu.memory_space<hbm>>
    %dma_wait3A_320 = arith.constant 0 : i32
    %dma_wait3A_321 = arith.constant 0 : i32
    %dma_wait3A_322 = tpu.memref_slice %arg6[%dma_wait3A_305, %dma_wait3A_320, %dma_wait3A_321] : memref<10x64x128xf32, #tpu.memory_space<vmem>> -> memref<1x64x128xf32, #tpu.memory_space<vmem>>
    %dma_wait3A_323 = tpu.memref_squeeze %dma_wait3A_322 : memref<1x64x128xf32, #tpu.memory_space<vmem>> -> memref<64x128xf32, #tpu.memory_space<vmem>>
    tpu.wait_dma2 semaphore(%dma_wait3A_316 : memref<!tpu.dma_semaphore, #tpu.memory_space<semaphore_mem>>) src(%dma_wait3A_323 : memref<64x128xf32, #tpu.memory_space<vmem>>) dst(%dma_wait3A_319 : memref<64x128xf32, #tpu.memory_space<hbm>>)
    %add3A_324 = arith.constant 0 : i32
    %add3A_325 = arith.addi %mul3A_2, %add3A_324 : i32
    %dma_wait3A_326 = arith.constant 8 : i32
    %dma_wait3A_327 = arith.constant 49 : i32
    %dma_wait3A_328 = arith.constant 8 : i32
    %dma_wait3A_329 = arith.constant 0 : i32
    %dma_wait3A_330 = arith.constant 0 : i32
    %dma_wait3A_331 = tpu.memref_slice %arg6[%dma_wait3A_326, %dma_wait3A_329, %dma_wait3A_330] : memref<10x64x128xf32, #tpu.memory_space<vmem>> -> memref<1x64x128xf32, #tpu.memory_space<vmem>>
    %dma_wait3A_332 = tpu.memref_squeeze %dma_wait3A_331 : memref<1x64x128xf32, #tpu.memory_space<vmem>> -> memref<64x128xf32, #tpu.memory_space<vmem>>
    %dma_wait3A_333 = arith.constant 0 : i32
    %dma_wait3A_334 = tpu.memref_slice %arg4[%dma_wait3A_327, %add3A_325, %dma_wait3A_333] : memref<50x4096x128xf32, #tpu.memory_space<hbm>> -> memref<1x64x128xf32, #tpu.memory_space<hbm>>
    %dma_wait3A_335 = tpu.memref_squeeze %dma_wait3A_334 : memref<1x64x128xf32, #tpu.memory_space<hbm>> -> memref<64x128xf32, #tpu.memory_space<hbm>>
    %dma_wait3A_336 = tpu.memref_slice %arg8[%dma_wait3A_328] : memref<10x!tpu.dma_semaphore, #tpu.memory_space<semaphore_mem>> -> memref<1x!tpu.dma_semaphore, #tpu.memory_space<semaphore_mem>>
    %dma_wait3A_337 = tpu.memref_squeeze %dma_wait3A_336 : memref<1x!tpu.dma_semaphore, #tpu.memory_space<semaphore_mem>> -> memref<!tpu.dma_semaphore, #tpu.memory_space<semaphore_mem>>
    %dma_wait3A_338 = arith.constant 0 : i32
    %dma_wait3A_339 = tpu.memref_slice %arg4[%dma_wait3A_327, %add3A_325, %dma_wait3A_338] : memref<50x4096x128xf32, #tpu.memory_space<hbm>> -> memref<1x64x128xf32, #tpu.memory_space<hbm>>
    %dma_wait3A_340 = tpu.memref_squeeze %dma_wait3A_339 : memref<1x64x128xf32, #tpu.memory_space<hbm>> -> memref<64x128xf32, #tpu.memory_space<hbm>>
    %dma_wait3A_341 = arith.constant 0 : i32
    %dma_wait3A_342 = arith.constant 0 : i32
    %dma_wait3A_343 = tpu.memref_slice %arg6[%dma_wait3A_326, %dma_wait3A_341, %dma_wait3A_342] : memref<10x64x128xf32, #tpu.memory_space<vmem>> -> memref<1x64x128xf32, #tpu.memory_space<vmem>>
    %dma_wait3A_344 = tpu.memref_squeeze %dma_wait3A_343 : memref<1x64x128xf32, #tpu.memory_space<vmem>> -> memref<64x128xf32, #tpu.memory_space<vmem>>
    tpu.wait_dma2 semaphore(%dma_wait3A_337 : memref<!tpu.dma_semaphore, #tpu.memory_space<semaphore_mem>>) src(%dma_wait3A_344 : memref<64x128xf32, #tpu.memory_space<vmem>>) dst(%dma_wait3A_340 : memref<64x128xf32, #tpu.memory_space<hbm>>)
    %add3A_345 = arith.constant 64 : i32
    %add3A_346 = arith.addi %mul3A_2, %add3A_345 : i32
    %dma_wait3A_347 = arith.constant 9 : i32
    %dma_wait3A_348 = arith.constant 49 : i32
    %dma_wait3A_349 = arith.constant 9 : i32
    %dma_wait3A_350 = arith.constant 0 : i32
    %dma_wait3A_351 = arith.constant 0 : i32
    %dma_wait3A_352 = tpu.memref_slice %arg6[%dma_wait3A_347, %dma_wait3A_350, %dma_wait3A_351] : memref<10x64x128xf32, #tpu.memory_space<vmem>> -> memref<1x64x128xf32, #tpu.memory_space<vmem>>
    %dma_wait3A_353 = tpu.memref_squeeze %dma_wait3A_352 : memref<1x64x128xf32, #tpu.memory_space<vmem>> -> memref<64x128xf32, #tpu.memory_space<vmem>>
    %dma_wait3A_354 = arith.constant 0 : i32
    %dma_wait3A_355 = tpu.memref_slice %arg4[%dma_wait3A_348, %add3A_346, %dma_wait3A_354] : memref<50x4096x128xf32, #tpu.memory_space<hbm>> -> memref<1x64x128xf32, #tpu.memory_space<hbm>>
    %dma_wait3A_356 = tpu.memref_squeeze %dma_wait3A_355 : memref<1x64x128xf32, #tpu.memory_space<hbm>> -> memref<64x128xf32, #tpu.memory_space<hbm>>
    %dma_wait3A_357 = tpu.memref_slice %arg8[%dma_wait3A_349] : memref<10x!tpu.dma_semaphore, #tpu.memory_space<semaphore_mem>> -> memref<1x!tpu.dma_semaphore, #tpu.memory_space<semaphore_mem>>
    %dma_wait3A_358 = tpu.memref_squeeze %dma_wait3A_357 : memref<1x!tpu.dma_semaphore, #tpu.memory_space<semaphore_mem>> -> memref<!tpu.dma_semaphore, #tpu.memory_space<semaphore_mem>>
    %dma_wait3A_359 = arith.constant 0 : i32
    %dma_wait3A_360 = tpu.memref_slice %arg4[%dma_wait3A_348, %add3A_346, %dma_wait3A_359] : memref<50x4096x128xf32, #tpu.memory_space<hbm>> -> memref<1x64x128xf32, #tpu.memory_space<hbm>>
    %dma_wait3A_361 = tpu.memref_squeeze %dma_wait3A_360 : memref<1x64x128xf32, #tpu.memory_space<hbm>> -> memref<64x128xf32, #tpu.memory_space<hbm>>
    %dma_wait3A_362 = arith.constant 0 : i32
    %dma_wait3A_363 = arith.constant 0 : i32
    %dma_wait3A_364 = tpu.memref_slice %arg6[%dma_wait3A_347, %dma_wait3A_362, %dma_wait3A_363] : memref<10x64x128xf32, #tpu.memory_space<vmem>> -> memref<1x64x128xf32, #tpu.memory_space<vmem>>
    %dma_wait3A_365 = tpu.memref_squeeze %dma_wait3A_364 : memref<1x64x128xf32, #tpu.memory_space<vmem>> -> memref<64x128xf32, #tpu.memory_space<vmem>>
    tpu.wait_dma2 semaphore(%dma_wait3A_358 : memref<!tpu.dma_semaphore, #tpu.memory_space<semaphore_mem>>) src(%dma_wait3A_365 : memref<64x128xf32, #tpu.memory_space<vmem>>) dst(%dma_wait3A_361 : memref<64x128xf32, #tpu.memory_space<hbm>>)
    return
  }
}

</mosaic_0001>

<sc_bundles>
// kernel: _embed_gather.3.cloned.1.call-start
scs
__scs_entry_jumppad:
0x0: {  	(pc) =	sbr.rel $0x88, $3  }
0x1: {  	(tag) =	ssettag $0x0;
	lr =	simm.s32 $0x1  }
0x2: {  	[smem:$0x3F9F] =	sst lr;
	_ =	strace $0xD0000000  }
0x3: {  	_ = 	snop  }
0x4: {  	_ = 	snop  }
0x5: {  	_ = 	snop  }
0x6: {  	_ = 	snop  }
0x7: {  	_ = 	snop  }
__scs_overlays_trampoline_lowered:
0x8: {  	[smem:$0x3FAE] =	sst s0  }
0x9: {  	[smem:$0x3FAF] =	sst s1  }
0xa: {  	[smem:$0x3FB0] =	sst s2  }
0xb: {  	[smem:$0x3FB1] =	sst s3  }
0xc: {  	[smem:$0x3FB2] =	sst s4  }
0xd: {  	[smem:$0x3FB3] =	sst s5  }
0xe: {  	[smem:$0x3FB4] =	sst s6  }
0xf: {  	[smem:$0x3FB5] =	sst s7  }
0x10: {  	[smem:$0x3FB6] =	sst s8  }
0x11: {  	[smem:$0x3FB7] =	sst s9;
	s0 =	simm.s32 @!p0 $0x0  }
0x12: {  	s1 =	sld [smem:$0x3F9D];
	s0 =	simm.s32 @p0 $0x1  }
0x13: {  	[smem:$0x3FB8] =	sst s0;
	s0 =	simm.s32 @!p1 $0x0  }
0x14: {  	s2 =	sld [smem:$0x3F9C];
	s0 =	simm.s32 @p1 $0x1  }
0x15: {  	[smem:$0x3FB9] =	sst s0;
	s0 =	simm.s32 @!p2 $0x0  }
0x16: {  	s3 =	sld [smem:$0x3FDB];
	s0 =	simm.s32 @p2 $0x1  }
0x17: {  	s4 =	simm.s32 $0x1BF5;
	[smem:$0x3FBB] =	sst s0  }
0x18: {  	s0 =	sld [smem:$0x3F9E];
	_ =	swait.ge [sflag:s4], $0x0  }
0x19: {  	s7 =	sld [smem:$0x3F9F]  }
0x1a: {  	s8 =	sadd.s32 $0xFFFFE003, lr  }
0x1b: {  	s9 =	sadd.s32 $0xFFFFFEF7, lr;
	s5 =	simm.s32 $0xFFFFFFFF;
	p2 =	slt.u32 s8, $0xFFFFF086  }
0x1c: {  	p1 =	slt.u32 s9, $0xF7A;
	s5 =	simm.s32 @!p2 $0x0  }
0x1d: {  	s5 =	simm.s32 @p1 $0x1;
	p0 =	seq.s32 s7, s2  }
0x1e: {  	s7 =	smul.u32 @!p0 $0xF7A, s2;
	p2 =	seq.s32 @!p0 s5, $0x0  }
0x1f: {  	s9 =	smul.u32 $0xF7A, s1;
	s8 =	simm.s32 @!p0 $0x1BF5;
	p2 =	por !p2, p0  }
0x20: {  	[sflag:s8] =	ssyncset.s32 @!p0 $0xFFFFF086;
	s6 =	sadd.s32 @!p0 s3, s7;
	s7 =	simm.s32 @!p0 $0x108  }
0x21: {  	s3 =	sadd.s32 s3, s9;
	s6 =	sadd.s32 @!p0 $0x88, s6;
	s7 =	simm.s32 @p2 $0x1082  }
0x22: {  	[simem:s7], [sflag:s8] =	dma.local @!p0 [hbm:s6], $0xF7A  }
0x23: {  	s9 =	sor.u32 $0xD0000000, s2;
	s6 =	simm.s32 $0x108;
	_ =	swait.ge @!p0 [sflag:s8], $0x0  }
0x24: {  	s3 =	sadd.s32 $0x88, s3;
	s6 =	simm.s32 @!p1 $0x1082;
	[sflag:s4] =	ssyncset.s32 $0xFFFFF086  }
0x25: {  	[simem:s6], [sflag:s4] =	dma.local [hbm:s3], $0xF7A  }
0x26: {  	[smem:$0x3F9F] =	sst s1;
	(tag) =	ssettag s2;
	_ =	strace s9  }
0x27: {  	s1 =	sld [smem:$0x3FAF]  }
0x28: {  	s2 =	sld [smem:$0x3FB0]  }
0x29: {  	s4 =	sld [smem:$0x3FB2]  }
0x2a: {  	p0 =	seq.s32 s5, $0x0;
	s5 =	sld [smem:$0x3FB3]  }
0x2b: {  	s6 =	sld [smem:$0x3FB4]  }
0x2c: {  	s7 =	sld [smem:$0x3FB5]  }
0x2d: {  	s3 =	simm.s32 $0x108;
	s8 =	sld [smem:$0x3FB6]  }
0x2e: {  	s3 =	simm.s32 @!p0 $0x1082;
	s9 =	sld [smem:$0x3FB7]  }
0x2f: {  	lr =	sadd.s32 s0, s3;
	s0 =	sld [smem:$0x3FAE]  }
0x30: {  	s3 =	sld [smem:$0x3FB1]  }
0x31: {  	[smem:$0x3FBA] =	sst s10  }
0x32: {  	s10 =	sld [smem:$0x3FB8];
	_ =	sdelay $0x3  }
0x33: {  	p0 =	seq.s32 s10, $0x1;
	s10 =	sld [smem:$0x3FBA];
	_ =	sdelay $0x3  }
0x34: {  	[smem:$0x3FBA] =	sst s10  }
0x35: {  	s10 =	sld [smem:$0x3FB9];
	_ =	sdelay $0x3  }
0x36: {  	p1 =	seq.s32 s10, $0x1;
	s10 =	sld [smem:$0x3FBA];
	_ =	sdelay $0x3  }
0x37: {  	[smem:$0x3FBA] =	sst s10  }
0x38: {  	s10 =	sld [smem:$0x3FBB]  }
0x39: {  	_ = 	snop;
	(pc) =	sbr.ind lr, $3  }
0x3a: {  	_ = 	snop  }
0x3b: {  	_ = 	snop  }
0x3c: {  	p2 =	seq.s32 s10, $0x1;
	s10 =	sld [smem:$0x3FBA]  }
0x3d: {  	_ =	shalt  }
0x3e: {  	_ =	shalt  }
0x3f: {  	_ =	shalt  }
0x40: {  	_ =	shalt  }
0x41: {  	_ =	shalt  }
0x42: {  	_ =	shalt  }
0x43: {  	_ =	shalt  }
0x44: {  	_ =	shalt  }
0x45: {  	_ =	shalt  }
0x46: {  	_ =	shalt  }
0x47: {  	_ =	shalt  }
0x48: {  	_ =	shalt  }
0x49: {  	_ =	shalt  }
0x4a: {  	_ =	shalt  }
0x4b: {  	_ =	shalt  }
0x4c: {  	_ =	shalt  }
0x4d: {  	_ =	shalt  }
0x4e: {  	_ =	shalt  }
0x4f: {  	_ =	shalt  }
0x50: {  	_ =	shalt  }
0x51: {  	_ =	shalt  }
0x52: {  	_ =	shalt  }
0x53: {  	_ =	shalt  }
0x54: {  	_ =	shalt  }
0x55: {  	_ =	shalt  }
0x56: {  	_ =	shalt  }
0x57: {  	_ =	shalt  }
0x58: {  	_ =	shalt  }
0x59: {  	_ =	shalt  }
0x5a: {  	_ =	shalt  }
0x5b: {  	_ =	shalt  }
0x5c: {  	_ =	shalt  }
0x5d: {  	_ =	shalt  }
0x5e: {  	_ =	shalt  }
0x5f: {  	_ =	shalt  }
0x60: {  	_ =	shalt  }
0x61: {  	_ =	shalt  }
0x62: {  	_ =	shalt  }
0x63: {  	_ =	shalt  }
0x64: {  	_ =	shalt  }
0x65: {  	_ =	shalt  }
0x66: {  	_ =	shalt  }
0x67: {  	_ =	shalt  }
0x68: {  	_ =	shalt  }
0x69: {  	_ =	shalt  }
0x6a: {  	_ =	shalt  }
0x6b: {  	_ =	shalt  }
0x6c: {  	_ =	shalt  }
0x6d: {  	_ =	shalt  }
0x6e: {  	_ =	shalt  }
0x6f: {  	_ =	shalt  }
0x70: {  	_ =	shalt  }
0x71: {  	_ =	shalt  }
0x72: {  	_ =	shalt  }
0x73: {  	_ =	shalt  }
0x74: {  	_ =	shalt  }
0x75: {  	_ =	shalt  }
0x76: {  	_ =	shalt  }
0x77: {  	_ =	shalt  }
0x78: {  	_ =	shalt  }
0x79: {  	_ =	shalt  }
0x7a: {  	_ =	shalt  }
0x7b: {  	_ =	shalt  }
0x7c: {  	_ =	shalt  }
0x7d: {  	_ =	shalt  }
0x7e: {  	_ =	shalt  }
0x7f: {  	_ =	shalt  }
0x80: {  	_ =	shalt  }
0x81: {  	_ =	shalt  }
0x82: {  	_ =	shalt  }
0x83: {  	_ =	shalt  }
0x84: {  	_ =	shalt  }
0x85: {  	_ =	shalt  }
0x86: {  	_ =	shalt  }
0x87: {  	_ =	shalt  }
.Lfunc_end0:
.L_simem_size_0:
called_computation_lowered:
.L_overlay_start_0:
0x88: {  	s2 =	sld [smem:$0x3FD9]  }
0x89: {  	s3 =	sld [smem:$0x3FFE];
	_ =	sdelay $0x1  }
0x8a: {  	s1 =	srdreg.scid  }
0x8b: {  	s0 =	sand.u32 $0x1, s1  }
0x8c: {  	s18 =	sshll.u32 s0, $0xA;
	s2 =	sadd.s32 s3, s2  }
0x8d: {  	s2 =	sadd.s32 s2, s18  }
0x8e: {  	[smem:$0x3FC6] =	sst s2  }
0x8f: {  	_ = 	snop  }
0x90: {  	s2 =	sld [smem:$0x3FC9]  }
0x91: {  	s19 =	sld [smem:$0x3FC8]  }
0x92: {  	s4 =	sld [smem:$0x3FD0];
	(tm) =	ssettm $0x1  }
0x93: {  	s5 =	sld [smem:$0x3FFB];
	_ =	sdelay $0x3  }
0x94: {  	_ =	strace s5  }
0x95: {  	s5 =	sld [smem:$0x3FFC];
	_ =	sdelay $0x3  }
0x96: {  	_ =	strace s5  }
0x97: {  	s5 =	sld [smem:$0x3FFD];
	_ =	sdelay $0x3  }
0x98: {  	_ =	strace s5  }
0x99: {  	_ =	strace $0x8FFFFFFF  }
0x9a: {  	s20 =	sld [smem:$0x3FDB];
	_ =	sdelay $0x1  }
0x9b: {  	s6 =	simm.s32 $_scs_section_size  }
0x9c: {  	s7 =	simm.s32 $_size__tile_overlayer_lowered;
	s8 =	simm.s32 $_tile_overlayer_lowered  }
0x9d: {  	s23 =	simm.s32 $0x1BFF;
	s22 =	sshll.u32 s8, $0x1;
	s5 =	sadd.s32 s6, s20  }
0x9e: {  	s9 =	simm.s32 $0x0;
	s21 =	sshll.u32 s7, $0x1;
	s7 =	sadd.s32 s22, s5  }
0x9f: {  	[timem:s9], [sflag:s23] =	dma.local [hbm:s7], s21  }
0xa0: {  	_ =	swait.ge [sflag:s23], s21  }
0xa1: {  	s6 =	ssub.s32 $0x0, s21;
	[sflag:s23] =	ssyncset.done $0x0  }
0xa2: {  	[sflag:s23] =	ssyncadd.s32 s6;
	_ =	sdelay $0x1  }
0xa3: {  	s24 =	simm.s32 $0x1B8B  }
0xa4: {  	_ =	swait.ge [sflag:s24], $0x1  }
0xa5: {  	[sflag:s24] =	ssyncset.done $0x0  }
0xa6: {  	s25 =	simm.s32 $0x1B8E;
	[sflag:s24] =	ssyncadd.s32 $0xFFFFFFFF  }
0xa7: {  	s26 =	simm.s32 $execute0_lowered;
	[smem:$0x3FD2] =	sst s25  }
0xa8: {  	s6 =	sshll.u32 s26, $0x1;
	_ =	strace $0x80000046;
	[dreg:$0x1] =	wrdreg $0xFFFFFFFF  }
0xa9: {  	s28 =	simm.s32 $_size_execute0_lowered;
	s5 =	sadd.s32 s5, s6;
	[dreg:$0x0] =	wrdreg $0x0  }
0xaa: {  	s6 =	sshll.u32 s28, $0x1;
	[dreg:$0x2] =	wrdreg s5  }
0xab: {  	[dreg:$0x3] =	wrdreg s6  }
0xac: {  	[dreg:$0x4] =	wrdreg $0xC0  }
0xad: {  	_ =	task [dreg:s9], $0x5FFFF  }
0xae: {  	[dreg:$0x1] =	wrdreg $0xFFFFFFFF  }
0xaf: {  	[dreg:$0x0] =	wrdreg $0x60  }
0xb0: {  	[dreg:$0x2] =	wrdreg s2  }
0xb1: {  	[dreg:$0x3] =	wrdreg s19  }
0xb2: {  	[dreg:$0x4] =	wrdreg s4  }
0xb3: {  	[dreg:$0x5] =	wrdreg $0x9  }
0xb4: {  	_ =	task.clear_ibuf [dreg:s9], $0x6FFFF;
	_ =	strace $0x90000046  }
0xb5: {  	s29 =	simm.s32 $0x9;
	_ =	strace $0x80000048  }
0xb6: {  	_ =	swait.ge [sflag:s29], $0x1  }
0xb7: {  	[sflag:s29] =	ssyncadd.s32 $0xFFFFFFFF  }
0xb8: {  	_ =	strace $0x90000048  }
0xb9: {  	_ =	sfence  }
0xba: {  	s30 =	sld [smem:$0x0];
	_ =	sdelay $0x2  }
0xbb: {  	s31 =	sshll.u32 s1, $0xD;
	s1 =	sshrl.u32 s1, $0x2  }
0xbc: {  	s3 =	sand.u32 $0x4000, s31;
	s1 =	sadd.s32 s1, s30  }
0xbd: {  	s0 =	sor.u32 s3, s0;
	s1 =	sshll.u32 s1, $0x11  }
0xbe: {  	s0 =	sor.u32 s1, s0  }
0xbf: {  	s0 =	sadd.s32 $0x8F2B, s0  }
0xc0: {  	[sflag:s0] =	ssyncadd.remote.s32 $0x1  }
0xc1: {  	_ =	sfence.sel $0xFFFF  }
0xc2: {  	[dreg:$0x0] =	wrdreg $0xFFFFFFFF;
	(pc) =	sbr.abs _section_cstart, $3  }
0xc3: {  	[dreg:$0x1] =	wrdreg $0xFFFFFFFF  }
0xc4: {  	_ =	task.clear_ibuf [dreg:s9], $0x2FFFF;
	_ =	strace $0x9FFFFFFF  }
0xc5: {  	(tm) =	ssettm $0x7FFFFFFF  }
tec
execute0_lowered:
.L_overlay_start_1:
0x0: {  	(tag) =	ssettag $0x1  }
0x1: {  	s0 =	rddreg [dreg:$0x0]  }
0x2: {  	s1 =	rddreg [dreg:$0x1]  }
0x3: {  	s2 =	srdreg.scid;
	s4 =	simm.s32 $0x0;
	s8 =	stileid.u32  }
0x4: {  	s28 =	simm.s32 $0x5C00;
	s30 =	simm.s32 $0xFC00;
	s31 =	simm.s32 $0x11C00  }
0x5: {  	s9 =	simm.s32 $0xA;
	s10 =	simm.s32 $0xB;
	s11 =	simm.s32 $0xC  }
0x6: {  	s2 =	sand.u32 $0x1, s2;
	[smem:$0x7FF] =	sst s4;
	s6 =	sshll.u32 s8, $0x8  }
0x7: {  	s13 =	sshll.u32 s8, $0xF;
	s8 =	simm.s32 $0x9;
	s3 =	ssub.s32 $0x2, s2  }
0x8: {  	s7 =	sshll.u32 s2, $0x7;
	_ =	strace $0x80000047;
	s2 =	sshll.u32 s2, $0xE  }
0x9: {  	s5 =	sshrl.u32 s3, $0x1;
	s12 =	sor.u32 s7, s6;
	s6 =	simm.s32 $0x5  }
0xa: {  	s7 =	simm.s32 $0x6;
	s3 =	ssub.s32 s3, s5;
	s5 =	sadd.s32 s0, s12  }
0xb: {  	s0 =	sor.u32 s2, s13;
	s12 =	simm.s32 $0xD;
	s13 =	simm.s32 $0xE  }
0xc: {  	[dreg:$0x4] =	wrdreg s5;
	s5 =	sadd.s32 $0x6000, s5;
	s3 =	smax.u32 s3, $0x1  }
0xd: {  	s2 =	sor.u32 $0x202000, s0;
	s14 =	sor.u32 $0x200000, s0;
	s15 =	sor.u32 $0x182000, s0  }
0xe: {  	s18 =	sor.u32 $0x180000, s0;
	s19 =	sor.u32 $0x102000, s0;
	s20 =	sor.u32 $0x100000, s0  }
0xf: {  	s23 =	sor.u32 $0x82000, s0;
	s24 =	sor.u32 $0x80000, s0;
	[dreg:$0x5] =	wrdreg s5  }
0x10: {  	s25 =	sor.u32 $0x2000, s0;
	s0 =	sshrl.u32 s0, $0x3;
	[dreg:$0x6] =	wrdreg s3  }
0x11: {  	s2 =	sshrl.u32 s2, $0x3;
	s16 =	sshrl.u32 s14, $0x3;
	s17 =	sshrl.u32 s15, $0x3  }
0x12: {  	s21 =	sshrl.u32 s19, $0x3;
	s22 =	sshrl.u32 s20, $0x3;
	[dreg:$0x10] =	wrdreg s0  }
0x13: {  	s26 =	sshrl.u32 s24, $0x3;
	s29 =	sshrl.u32 s25, $0x3;
	[dreg:$0x7] =	wrdreg s2  }
0x14: {  	s20 =	simm.s32 $0x3C00;
	s0 =	simm.s32 $0x7C00;
	[dreg:$0x8] =	wrdreg s16  }
0x15: {  	s19 =	simm.s32 $0xBC00;
	s25 =	simm.s32 $0xDC00;
	[dreg:$0x9] =	wrdreg s17  }
0x16: {  	s5 =	simm.s32 $0x7;
	s14 =	simm.s32 $0xF;
	[dreg:$0xb] =	wrdreg s21  }
0x17: {  	s15 =	simm.s32 $0x10;
	s24 =	simm.s32 $0x14;
	[dreg:$0xc] =	wrdreg s22  }
.Ltmp0:
0x18: {  	s2 =	sshrl.u32 s18, $0x3;
	[dreg:$0xe] =	wrdreg s26;
	(pc) =	sbr.rel .LBB2_1-.Ltmp0, $4  }
0x19: {  	[dreg:$0xf] =	wrdreg s29;
	s22 =	simm.s32 $0x40;
	s18 =	simm.s32 $0x1C00  }
0x1a: {  	s21 =	simm.s32 $0x8;
	s16 =	simm.s32 $0x11;
	s17 =	simm.s32 $0x12  }
0x1b: {  	s26 =	simm.s32 $0x0;
	[dreg:$0xa] =	wrdreg s2;
	s2 =	sshrl.u32 s23, $0x3  }
0x1c: {  	s23 =	simm.s32 $0x13;
	[dreg:$0xd] =	wrdreg s2;
	s2 =	simm.s32 $0x9C00  }
.LBB2_4:
0x1d: {  	_ =	swait.ge [sflag:s11], $0x2000  }
0x1e: {  	[sflag:s11] =	ssyncset.done $0x0  }
0x1f: {  	[sflag:s11] =	ssyncadd.s32 $0xFFFFE000  }
0x20: {  	_ =	swait.ge [sflag:s12], $0x2000  }
0x21: {  	[sflag:s12] =	ssyncset.done $0x0  }
0x22: {  	[sflag:s12] =	ssyncadd.s32 $0xFFFFE000  }
0x23: {  	_ =	swait.ge [sflag:s13], $0x2000  }
0x24: {  	[sflag:s13] =	ssyncset.done $0x0  }
0x25: {  	[sflag:s13] =	ssyncadd.s32 $0xFFFFE000  }
0x26: {  	_ =	swait.ge [sflag:s14], $0x2000  }
0x27: {  	[sflag:s14] =	ssyncset.done $0x0  }
0x28: {  	[sflag:s14] =	ssyncadd.s32 $0xFFFFE000  }
0x29: {  	_ =	swait.ge [sflag:s15], $0x2000  }
0x2a: {  	[sflag:s15] =	ssyncset.done $0x0  }
0x2b: {  	[sflag:s15] =	ssyncadd.s32 $0xFFFFE000  }
0x2c: {  	_ =	swait.ge [sflag:s16], $0x2000  }
0x2d: {  	[sflag:s16] =	ssyncset.done $0x0  }
0x2e: {  	[sflag:s16] =	ssyncadd.s32 $0xFFFFE000  }
0x2f: {  	_ =	swait.ge [sflag:s17], $0x2000  }
0x30: {  	[sflag:s17] =	ssyncset.done $0x0  }
0x31: {  	[sflag:s17] =	ssyncadd.s32 $0xFFFFE000  }
0x32: {  	_ =	swait.ge [sflag:s23], $0x2000  }
0x33: {  	[sflag:s23] =	ssyncset.done $0x0  }
0x34: {  	[sflag:s23] =	ssyncadd.s32 $0xFFFFE000  }
0x35: {  	_ =	swait.ge [sflag:s24], $0x2000  }
0x36: {  	s26 =	rddreg [dreg:$0x11]  }
0x37: {  	s3 =	rddreg [dreg:$0x6];
	s26 =	sadd.s32 $0x1, s26  }
0x38: {  	p0 =	sne.s32 s26, s3  }
.Ltmp1:
0x39: {  	_ = 	snop;
	(pc) =	sbr.rel @!p0 .LBB2_5-.Ltmp1, $4  }
0x3a: {  	s18 =	simm.s32 $0x1C00;
	s20 =	simm.s32 $0x3C00  }
0x3b: {  	s28 =	simm.s32 $0x5C00;
	s0 =	simm.s32 $0x7C00;
	s2 =	simm.s32 $0x9C00  }
0x3c: {  	s19 =	simm.s32 $0xBC00;
	s25 =	simm.s32 $0xDC00;
	[sflag:s24] =	ssyncset.done $0x0  }
0x3d: {  	s30 =	simm.s32 $0xFC00;
	s31 =	simm.s32 $0x11C00;
	[sflag:s24] =	ssyncadd.s32 $0xFFFFE000  }
.LBB2_1:
0x3e: {  	[dreg:$0x11] =	wrdreg s26  }
0x3f: {  	s3 =	rddreg [dreg:$0x4];
	s26 =	simm.s32 $0x400;
	s29 =	simm.s32 $0x8000  }
0x40: {  	[tilespmem:s4], [sflag:$0x15] =	stream.strided.gather [hbm4b:s3+s26], $0x1800, s29, s26, $0x38;
	[tilespmem:$0x15C00] =	vst v63  }
0x41: {  	s3 =	rddreg [dreg:$0x5];
	s26 =	simm.s32 $0x1800  }
0x42: {  	[tilespmem:s26], [sflag:$0x15] =	stream.linear.gather [hbm4b:s3+s4], $0x100, $0x38;
	[tilespmem:$0x15C00] =	vst v63  }
0x43: {  	s26 =	simm.s32 $0x15  }
0x44: {  	_ =	swait.ge [sflag:s26], $0x1900  }
0x45: {  	[sflag:s26] =	ssyncset.done $0x0  }
0x46: {  	[sflag:s26] =	ssyncadd.s32 $0xFFFFE700  }
0x47: {  	[tilespmem:s18], [sflag:$0x1] =	stream.indirect.gather [hbm4b:s1+s22], $0x80, s4, s22, $0xb8;
	[tilespmem:$0x15C00] =	vst v63  }
0x48: {  	_ = 	snop  }
0x49: {  	[tilespmem:s20], [sflag:$0x2] =	stream.indirect.gather [hbm4b:s1+s22], $0x80, s22, s22, $0xb8;
	[tilespmem:$0x15C00] =	vst v63  }
0x4a: {  	s20 =	simm.s32 $0x80  }
0x4b: {  	[tilespmem:s28], [sflag:$0x3] =	stream.indirect.gather [hbm4b:s1+s22], $0x80, s20, s22, $0xb8;
	[tilespmem:$0x15C00] =	vst v63  }
0x4c: {  	s26 =	simm.s32 $0xC0  }
0x4d: {  	[tilespmem:s0], [sflag:$0x4] =	stream.indirect.gather [hbm4b:s1+s22], $0x80, s26, s22, $0xb8;
	[tilespmem:$0x15C00] =	vst v63  }
0x4e: {  	s3 =	simm.s32 $0x100  }
0x4f: {  	[tilespmem:s2], [sflag:$0x5] =	stream.indirect.gather [hbm4b:s1+s22], $0x80, s3, s22, $0xb8;
	[tilespmem:$0x15C00] =	vst v63  }
0x50: {  	s18 =	simm.s32 $0x140  }
0x51: {  	[tilespmem:s19], [sflag:$0x6] =	stream.indirect.gather [hbm4b:s1+s22], $0x80, s18, s22, $0xb8;
	[tilespmem:$0x15C00] =	vst v63  }
0x52: {  	s29 =	simm.s32 $0x0;
	s20 =	simm.s32 $0x1C0;
	s19 =	simm.s32 $0x180  }
0x53: {  	[tilespmem:s25], [sflag:$0x7] =	stream.indirect.gather [hbm4b:s1+s22], $0x80, s19, s22, $0xb8;
	[tilespmem:$0x15C00] =	vst v63  }
0x54: {  	s28 =	simm.s32 $0x5C00;
	s26 =	simm.s32 $0x240;
	s0 =	simm.s32 $0x7C00  }
0x55: {  	[tilespmem:s30], [sflag:$0x8] =	stream.indirect.gather [hbm4b:s1+s22], $0x80, s20, s22, $0xb8;
	[tilespmem:$0x15C00] =	vst v63  }
0x56: {  	s2 =	simm.s32 $0x9C00;
	s18 =	simm.s32 $0x11C00;
	s25 =	simm.s32 $0x200  }
0x57: {  	[tilespmem:s31], [sflag:$0x9] =	stream.indirect.gather [hbm4b:s1+s22], $0x80, s25, s22, $0xb8;
	[tilespmem:$0x15C00] =	vst v63  }
0x58: {  	s19 =	simm.s32 $0xBC00;
	s20 =	simm.s32 $0x3C00;
	s31 =	simm.s32 $0x13C00  }
0x59: {  	[tilespmem:s31], [sflag:$0xA] =	stream.indirect.gather [hbm4b:s1+s22], $0x80, s26, s22, $0xb8;
	[tilespmem:$0x15C00] =	vst v63  }
0x5a: {  	s30 =	simm.s32 $0xFC00;
	s25 =	simm.s32 $0xDC00;
	s26 =	rddreg [dreg:$0x2]  }
.LBB2_2:
0x5b: {  	s3 =	simm.s32 $0x1  }
0x5c: {  	_ =	swait.ge [sflag:s3], $0x2000  }
0x5d: {  	[sflag:s3] =	ssyncset.done $0x0;
	s31 =	rddreg [dreg:$0x10]  }
0x5e: {  	[sflag:s3] =	ssyncadd.s32 $0xFFFFE000;
	s31 =	sadd.s32 s26, s31;
	s3 =	simm.s32 $0x1C00  }
0x5f: {  	[hbm4b:s31+s4] =	stream.linear.scatter [tilespmem:s3], [sflag:$0xB], $0x2000, $0x38;
	[tilespmem:$0x15C00] =	vst v63  }
0x60: {  	s31 =	simm.s32 $0x2  }
0x61: {  	_ =	swait.ge [sflag:s31], $0x2000  }
0x62: {  	[sflag:s31] =	ssyncset.done $0x0  }
0x63: {  	[sflag:s31] =	ssyncadd.s32 $0xFFFFE000;
	s31 =	rddreg [dreg:$0xf]  }
0x64: {  	s3 =	sadd.s32 s26, s31  }
0x65: {  	[hbm4b:s3+s4] =	stream.linear.scatter [tilespmem:s20], [sflag:$0xC], $0x2000, $0x38;
	[tilespmem:$0x15C00] =	vst v63  }
0x66: {  	s20 =	simm.s32 $0x3  }
0x67: {  	_ =	swait.ge [sflag:s20], $0x2000  }
0x68: {  	[sflag:s20] =	ssyncset.done $0x0;
	s31 =	rddreg [dreg:$0xe]  }
0x69: {  	[sflag:s20] =	ssyncadd.s32 $0xFFFFE000;
	s3 =	sadd.s32 s26, s31;
	s20 =	simm.s32 $0x4  }
0x6a: {  	[hbm4b:s3+s4] =	stream.linear.scatter [tilespmem:s28], [sflag:$0xD], $0x2000, $0x38;
	[tilespmem:$0x15C00] =	vst v63  }
0x6b: {  	_ =	swait.ge [sflag:s20], $0x2000  }
0x6c: {  	[sflag:s20] =	ssyncset.done $0x0;
	s31 =	rddreg [dreg:$0xd]  }
0x6d: {  	[sflag:s20] =	ssyncadd.s32 $0xFFFFE000;
	s20 =	sadd.s32 s26, s31  }
0x6e: {  	[hbm4b:s20+s4] =	stream.linear.scatter [tilespmem:s0], [sflag:$0xE], $0x2000, $0x38;
	[tilespmem:$0x15C00] =	vst v63  }
0x6f: {  	_ =	swait.ge [sflag:s6], $0x2000  }
0x70: {  	[sflag:s6] =	ssyncset.done $0x0;
	s31 =	rddreg [dreg:$0xc]  }
0x71: {  	[sflag:s6] =	ssyncadd.s32 $0xFFFFE000;
	s20 =	sadd.s32 s26, s31  }
0x72: {  	[hbm4b:s20+s4] =	stream.linear.scatter [tilespmem:s2], [sflag:$0xF], $0x2000, $0x38;
	[tilespmem:$0x15C00] =	vst v63  }
0x73: {  	_ =	swait.ge [sflag:s7], $0x2000  }
0x74: {  	[sflag:s7] =	ssyncset.done $0x0;
	s31 =	rddreg [dreg:$0xb]  }
0x75: {  	[sflag:s7] =	ssyncadd.s32 $0xFFFFE000;
	s20 =	sadd.s32 s26, s31  }
0x76: {  	[hbm4b:s20+s4] =	stream.linear.scatter [tilespmem:s19], [sflag:$0x10], $0x2000, $0x38;
	[tilespmem:$0x15C00] =	vst v63  }
0x77: {  	_ =	swait.ge [sflag:s5], $0x2000  }
0x78: {  	[sflag:s5] =	ssyncset.done $0x0;
	s31 =	rddreg [dreg:$0xa]  }
0x79: {  	[sflag:s5] =	ssyncadd.s32 $0xFFFFE000;
	s20 =	sadd.s32 s26, s31  }
0x7a: {  	[hbm4b:s20+s4] =	stream.linear.scatter [tilespmem:s25], [sflag:$0x11], $0x2000, $0x38;
	[tilespmem:$0x15C00] =	vst v63  }
0x7b: {  	_ =	swait.ge [sflag:s21], $0x2000  }
0x7c: {  	[sflag:s21] =	ssyncset.done $0x0;
	s31 =	rddreg [dreg:$0x9]  }
0x7d: {  	[sflag:s21] =	ssyncadd.s32 $0xFFFFE000;
	s20 =	sadd.s32 s26, s31  }
0x7e: {  	[hbm4b:s20+s4] =	stream.linear.scatter [tilespmem:s30], [sflag:$0x12], $0x2000, $0x38;
	[tilespmem:$0x15C00] =	vst v63  }
0x7f: {  	_ =	swait.ge [sflag:s8], $0x2000  }
0x80: {  	[sflag:s8] =	ssyncset.done $0x0;
	s31 =	rddreg [dreg:$0x8]  }
0x81: {  	[sflag:s8] =	ssyncadd.s32 $0xFFFFE000;
	s20 =	sadd.s32 s26, s31  }
0x82: {  	[hbm4b:s20+s4] =	stream.linear.scatter [tilespmem:s18], [sflag:$0x13], $0x2000, $0x38;
	[tilespmem:$0x15C00] =	vst v63  }
0x83: {  	p0 =	seq.s32 s29, $0x5A00;
	_ =	swait.ge [sflag:s9], $0x2000  }
0x84: {  	s20 =	simm.s32 $0x13C00;
	[sflag:s9] =	ssyncset.done $0x0;
	s31 =	rddreg [dreg:$0x7]  }
.Ltmp2:
0x85: {  	[sflag:s9] =	ssyncadd.s32 $0xFFFFE000;
	s3 =	sadd.s32 s26, s31;
	(pc) =	sbr.rel @p0 .LBB2_4-.Ltmp2, $4  }
0x86: {  	[hbm4b:s3+s4] =	stream.linear.scatter [tilespmem:s20], [sflag:$0x14], $0x2000, $0x38;
	[tilespmem:$0x15C00] =	vst v63  }
0x87: {  	_ =	swait.ge [sflag:s10], $0x2000  }
0x88: {  	[sflag:s10] =	ssyncset.done $0x0  }
0x89: {  	[sflag:s10] =	ssyncadd.s32 $0xFFFFE000  }
0x8a: {  	s31 =	sshra.s32 s29, $0x2  }
0x8b: {  	s20 =	simm.s32 $0x1C00;
	s3 =	sadd.s32 $0x280, s31  }
0x8c: {  	[tilespmem:s20], [sflag:$0x1] =	stream.indirect.gather [hbm4b:s1+s22], $0x80, s3, s22, $0xb8;
	[tilespmem:$0x15C00] =	vst v63  }
0x8d: {  	_ =	swait.ge [sflag:s11], $0x2000  }
0x8e: {  	[sflag:s11] =	ssyncset.done $0x0  }
0x8f: {  	s20 =	simm.s32 $0x3C00;
	s3 =	sadd.s32 $0x2C0, s31;
	[sflag:s11] =	ssyncadd.s32 $0xFFFFE000  }
0x90: {  	[tilespmem:s20], [sflag:$0x2] =	stream.indirect.gather [hbm4b:s1+s22], $0x80, s3, s22, $0xb8;
	[tilespmem:$0x15C00] =	vst v63  }
0x91: {  	_ =	swait.ge [sflag:s12], $0x2000  }
0x92: {  	[sflag:s12] =	ssyncset.done $0x0  }
0x93: {  	s3 =	sadd.s32 $0x300, s31;
	[sflag:s12] =	ssyncadd.s32 $0xFFFFE000  }
0x94: {  	[tilespmem:s28], [sflag:$0x3] =	stream.indirect.gather [hbm4b:s1+s22], $0x80, s3, s22, $0xb8;
	[tilespmem:$0x15C00] =	vst v63  }
0x95: {  	_ =	swait.ge [sflag:s13], $0x2000  }
0x96: {  	[sflag:s13] =	ssyncset.done $0x0  }
0x97: {  	s3 =	sadd.s32 $0x340, s31;
	[sflag:s13] =	ssyncadd.s32 $0xFFFFE000  }
0x98: {  	[tilespmem:s0], [sflag:$0x4] =	stream.indirect.gather [hbm4b:s1+s22], $0x80, s3, s22, $0xb8;
	[tilespmem:$0x15C00] =	vst v63  }
0x99: {  	_ =	swait.ge [sflag:s14], $0x2000  }
0x9a: {  	[sflag:s14] =	ssyncset.done $0x0  }
0x9b: {  	s3 =	sadd.s32 $0x380, s31;
	[sflag:s14] =	ssyncadd.s32 $0xFFFFE000  }
0x9c: {  	[tilespmem:s2], [sflag:$0x5] =	stream.indirect.gather [hbm4b:s1+s22], $0x80, s3, s22, $0xb8;
	[tilespmem:$0x15C00] =	vst v63  }
0x9d: {  	_ =	swait.ge [sflag:s15], $0x2000  }
0x9e: {  	[sflag:s15] =	ssyncset.done $0x0  }
0x9f: {  	s3 =	sadd.s32 $0x3C0, s31;
	[sflag:s15] =	ssyncadd.s32 $0xFFFFE000  }
0xa0: {  	[tilespmem:s19], [sflag:$0x6] =	stream.indirect.gather [hbm4b:s1+s22], $0x80, s3, s22, $0xb8;
	[tilespmem:$0x15C00] =	vst v63  }
0xa1: {  	_ =	swait.ge [sflag:s16], $0x2000  }
0xa2: {  	[sflag:s16] =	ssyncset.done $0x0  }
0xa3: {  	s3 =	sadd.s32 $0x400, s31;
	[sflag:s16] =	ssyncadd.s32 $0xFFFFE000  }
0xa4: {  	[tilespmem:s25], [sflag:$0x7] =	stream.indirect.gather [hbm4b:s1+s22], $0x80, s3, s22, $0xb8;
	[tilespmem:$0x15C00] =	vst v63  }
0xa5: {  	_ =	swait.ge [sflag:s17], $0x2000  }
0xa6: {  	[sflag:s17] =	ssyncset.done $0x0  }
0xa7: {  	s3 =	sadd.s32 $0x440, s31;
	[sflag:s17] =	ssyncadd.s32 $0xFFFFE000  }
0xa8: {  	[tilespmem:s30], [sflag:$0x8] =	stream.indirect.gather [hbm4b:s1+s22], $0x80, s3, s22, $0xb8;
	[tilespmem:$0x15C00] =	vst v63  }
0xa9: {  	_ =	swait.ge [sflag:s23], $0x2000  }
0xaa: {  	[sflag:s23] =	ssyncset.done $0x0  }
0xab: {  	s3 =	sadd.s32 $0x480, s31;
	[sflag:s23] =	ssyncadd.s32 $0xFFFFE000  }
0xac: {  	[tilespmem:s18], [sflag:$0x9] =	stream.indirect.gather [hbm4b:s1+s22], $0x80, s3, s22, $0xb8;
	[tilespmem:$0x15C00] =	vst v63  }
.Ltmp3:
0xad: {  	_ = 	snop;
	(pc) =	sbr.rel .LBB2_2-.Ltmp3, $4  }
0xae: {  	_ =	swait.ge [sflag:s24], $0x2000  }
0xaf: {  	s29 =	sadd.s32 $0xA00, s29;
	s26 =	sadd.s32 $0x50000, s26;
	[sflag:s24] =	ssyncset.done $0x0  }
0xb0: {  	s3 =	sadd.s32 $0x4C0, s31;
	s31 =	simm.s32 $0x13C00;
	[sflag:s24] =	ssyncadd.s32 $0xFFFFE000  }
0xb1: {  	[tilespmem:s31], [sflag:$0xA] =	stream.indirect.gather [hbm4b:s1+s22], $0x80, s3, s22, $0xb8;
	[tilespmem:$0x15C00] =	vst v63  }
.LBB2_5:
0xb2: {  	_ =	sfence.sel $0x180000  }
0xb3: {  	[bflag:$0x0] =	sbarrier.arrive $0xFFFF  }
0xb4: {  	_ =	strace $0x90000047  }
0xb5: {  	s0 =	stileid.u32;
	[bflag:$0x2] =	sbarrier.arrive $0xFFFF  }
0xb6: {  	p0 =	sne.s32 s0, $0x0;
	s0 =	rddreg [dreg:$0x3]  }
0xb7: {  	s0 =	sadd.s32 @!p0 $0x100000, s0  }
0xb8: {  	[sflag:s0] =	ssyncadd.tile.s32 @!p0 $0x1;
	_ =	shalt  }
.Lfunc_end2:
_tile_overlayer_lowered:
.L_overlay_start_2:
0xb9: {  	(tag) =	ssettag $0x2  }
0xba: {  	s0 =	rddreg [dreg:$0x0];
	s2 =	stileid.u32  }
0xbb: {  	s1 =	rddreg [dreg:$0x1];
	p0 =	sne.s32 s2, $0x0  }
0xbc: {  	s3 =	rddreg [dreg:$0x2];
	[bflag:$0x3] =	sbarrier.arrive $0xFFFF;
	s2 =	simm.s32 @!p0 $0x1C15  }
0xbd: {  	[timem:s3], [sflag:s2] =	dma.local @!p0 [hbm:s0], s1  }
0xbe: {  	s0 =	simm.s32 @!p0 $0x15  }
0xbf: {  	_ =	swait.ge @!p0 [sflag:s0], s1  }
0xc0: {  	s1 =	ssub.s32 @!p0 $0x0, s1;
	[sflag:s0] =	ssyncset.done @!p0 $0x0  }
0xc1: {  	[sflag:s0] =	ssyncadd.s32 @!p0 s1  }
0xc2: {  	[bflag:$0x3] =	sbarrier.arrive $0xFFFF  }
0xc3: {  	_ =	shalt  }

</sc_bundles>
